<compile_context>
chip_gen: v7x
topology: tpu7x:2x2x1
jax: 0.10.2.dev20260603
libtpu: 0.0.44.dev20260713+nightly
codegen_flags: <defaults>
</compile_context>

<pallas_src>
import functools

import jax
import jax.numpy as jnp
from jax import lax
from jax.experimental import pallas as pl
from jax.experimental.pallas import tpu as pltpu
from jax.experimental.pallas import tpu_sc as plsc

R = 64
N = 1_000_000
NW = 32
LANES = 16
RB = 8
NQ = 4
QS = 249_984
CF = 6_400
NFULL = 39
CS = 384
CT = 128
CTV = CT // LANES
PSTRIDE = 3 * LANES

_NEG_INF = float("-inf")


def _splat(s):
    return jnp.full((LANES,), s, jnp.float32)


_MESH = plsc.VectorSubcoreMesh(core_axis_name="c", subcore_axis_name="s")
_PARAMS = pltpu.CompilerParams(needs_layout_passes=False)


@functools.partial(
    pl.kernel,
    mesh=_MESH,
    out_type=jax.ShapeDtypeStruct((NW * PSTRIDE,), jnp.float32),
    compiler_params=_PARAMS,
    scratch_types=[
        pltpu.VMEM((RB, CF), jnp.float32),
        pltpu.VMEM((RB, CF), jnp.float32),
        pltpu.VMEM((RB, CS), jnp.float32),
        pltpu.VMEM((RB, CT), jnp.float32),
        pltpu.VMEM((PSTRIDE,), jnp.float32),
        pltpu.SemaphoreType.DMA,
        pltpu.SemaphoreType.DMA,
    ],
)
def _stage1(x_hbm, xt_hbm, part_hbm, buf0, buf1, bufs, buft, obuf, sem0, sem1):
    cid = lax.axis_index("c")
    sid = lax.axis_index("s")
    wid = sid * 2 + cid
    blk = wid // NQ
    q = wid % NQ
    rstart = pl.multiple_of(blk * RB, RB)
    qoff = pl.multiple_of(q * QS, 128)

    def issue(colstart, ncols, buf, sem):
        return pltpu.async_copy(
            x_hbm.at[pl.ds(rstart, RB), pl.ds(colstart, ncols)],
            buf,
            sem,
        )

    def wait(ncols, buf, sem):
        pltpu.make_async_copy(
            x_hbm.at[pl.ds(0, RB), pl.ds(0, ncols)], buf, sem
        ).wait()

    def chunk_pass(bufc, nvec, accs):
        def body(i, accs):
            m1s, m2s, zs = [list(t) for t in accs]
            for r in range(RB):
                v = bufc[r, pl.ds(i * LANES, LANES)]
                m2s[r] = jnp.maximum(m2s[r], jnp.minimum(v, m1s[r]))
                m1s[r] = jnp.maximum(m1s[r], v)
                zs[r] = zs[r] + jnp.exp(v)
            return tuple(m1s), tuple(m2s), tuple(zs)

        return lax.fori_loop(0, nvec, body, accs)

    accs = (
        tuple(_splat(_NEG_INF) for _ in range(RB)),
        tuple(_splat(_NEG_INF) for _ in range(RB)),
        tuple(jnp.zeros((LANES,), jnp.float32) for _ in range(RB)),
    )

    issue(qoff, CF, buf0, sem0)
    issue(qoff + CF, CF, buf1, sem1)

    def pair_body(i, accs):
        wait(CF, buf0, sem0)
        accs = chunk_pass(buf0, CF // LANES, accs)

        @pl.when(2 * i + 2 < NFULL)
        def _():
            issue(qoff + (2 * i + 2) * CF, CF, buf0, sem0)

        wait(CF, buf1, sem1)
        accs = chunk_pass(buf1, CF // LANES, accs)

        @pl.when(2 * i + 3 < NFULL)
        def _():
            issue(qoff + (2 * i + 3) * CF, CF, buf1, sem1)

        return accs

    accs = lax.fori_loop(0, (NFULL - 1) // 2, pair_body, accs)
    cps = issue(qoff + NFULL * CF, CS, bufs, sem1)
    wait(CF, buf0, sem0)
    accs = chunk_pass(buf0, CF // LANES, accs)
    cpt = pltpu.async_copy(
        xt_hbm.at[pl.ds(rstart, RB), pl.ds(0, CT)], buft, sem0
    )
    cps.wait()
    accs = chunk_pass(bufs, CS // LANES, accs)
    cpt.wait()

    is_q3 = jnp.full((LANES,), q == NQ - 1)
    ninf = _splat(_NEG_INF)
    m1s, m2s, zs = [list(t) for t in accs]
    for k in range(CTV):
        for r in range(RB):
            v = jnp.where(is_q3, buft[r, pl.ds(k * LANES, LANES)], ninf)
            m2s[r] = jnp.maximum(m2s[r], jnp.minimum(v, m1s[r]))
            m1s[r] = jnp.maximum(m1s[r], v)
            zs[r] = zs[r] + jnp.exp(v)

    lane_idx = lax.iota(jnp.int32, LANES)
    Mvec = ninf
    Svec = ninf
    Zvec = jnp.zeros((LANES,), jnp.float32)
    for r in range(RB):
        m1, m2, z = m1s[r], m2s[r], zs[r]
        M = jnp.max(m1)
        Mv = _splat(M)
        eq = m1 == Mv
        cnt = jnp.sum(jnp.where(eq, 1.0, 0.0))
        sec_rest = jnp.max(jnp.where(eq, ninf, m1))
        sec_at_max = jnp.max(jnp.where(eq, m2, ninf))
        second = jnp.where(cnt > 1.0, M, jnp.maximum(sec_rest, sec_at_max))
        zsum = jnp.sum(z)
        sel = lane_idx == r
        Mvec = jnp.where(sel, Mv, Mvec)
        Svec = jnp.where(sel, _splat(second), Svec)
        Zvec = jnp.where(sel, _splat(zsum), Zvec)

    obuf[pl.ds(0, LANES)] = Mvec
    obuf[pl.ds(LANES, LANES)] = Svec
    obuf[pl.ds(2 * LANES, LANES)] = Zvec
    pltpu.sync_copy(obuf, part_hbm.at[pl.ds(wid * PSTRIDE, PSTRIDE)])


@functools.partial(
    pl.kernel,
    mesh=_MESH,
    out_type=jax.ShapeDtypeStruct((NW * LANES,), jnp.float32),
    compiler_params=_PARAMS,
    scratch_types=[
        pltpu.VMEM((NQ * PSTRIDE,), jnp.float32),
        pltpu.VMEM((LANES,), jnp.float32),
        pltpu.SemaphoreType.DMA,
    ],
)
def _stage2(part_hbm, out_hbm, pbuf, obuf, sem):
    cid = lax.axis_index("c")
    sid = lax.axis_index("s")
    wid = sid * 2 + cid
    blk = wid // NQ

    pltpu.async_copy(
        part_hbm.at[pl.ds(blk * NQ * PSTRIDE, NQ * PSTRIDE)], pbuf, sem
    ).wait()

    lane_idx = lax.iota(jnp.int32, LANES)
    ninf = _splat(_NEG_INF)
    res = jnp.zeros((LANES,), jnp.float32)
    for rr in range(2):
        row = 2 * wid + rr
        l = lax.rem(row, RB)
        sel = lane_idx == l

        def at_lane(vec):
            return jnp.max(jnp.where(sel, vec, ninf))

        M = _NEG_INF
        S = _NEG_INF
        Z = 0.0
        for qq in range(NQ):
            Mq = at_lane(pbuf[pl.ds(qq * PSTRIDE, LANES)])
            Sq = at_lane(pbuf[pl.ds(qq * PSTRIDE + LANES, LANES)])
            Zq = at_lane(pbuf[pl.ds(qq * PSTRIDE + 2 * LANES, LANES)])
            lo = jnp.minimum(M, Mq)
            M = jnp.maximum(M, Mq)
            S = jnp.maximum(lo, jnp.maximum(S, Sq))
            Z = Z + Zq
        Mv = _splat(M)
        num = jnp.exp(_splat(S) - Mv) - 1.0
        den = _splat(Z) * jnp.exp(-Mv)
        res = jnp.where(lane_idx == rr, num / den, res)

    obuf[...] = res
    pltpu.sync_copy(obuf, out_hbm.at[pl.ds(wid * LANES, LANES)])


def kernel(x):
    xt = jnp.pad(
        x[:, NQ * QS :], ((0, 0), (0, CT - (N - NQ * QS))),
        constant_values=float("-inf"),
    )
    part = _stage1(x, xt)
    out = _stage2(part)
    return out.reshape(NW, LANES)[:, :2].reshape(R)

# --- scband reference (transcript-rebuilt; emitter-appended) ---
"""Pipeline reference for scband-margin-53833120088158 (READ-ONLY COPY).

The authoritative reference and input builder live on the scoring server;
editing this copy changes nothing except your own understanding.
"""

import jax, jax.numpy as jnp
import numpy as np

def setup_inputs(seed: int = 0) -> dict:
    key = jax.random.key(seed)
    x = jax.random.normal(key, (64, 1000000), dtype=jnp.float32)
    return {"x": x}

def reference(x):
    # Faithful translation of Margin.forward
    s = jax.nn.softmax(x, axis=1)
    top2, _ = jax.lax.top_k(s, 2)
    margin = top2[:, 1] - top2[:, 0]
    return margin

if __name__ == "__main__":
    import jax
    _d = setup_inputs()
    print(jax.jit(kernel)(*tuple(_d.values())))

</pallas_src>

<mosaic_0001>
#map = affine_map<(d0, d1) -> (0, 0)>
#map1 = affine_map<(d0, d1) -> (0)>
module attributes {stable_mosaic.version = 14 : i64} {
  func.func @_stage1(%arg0: i32, %arg1: i32, %arg2: memref<64x1000000xf32, #tpu.memory_space<hbm>>, %arg3: memref<64x128xf32, #tpu.memory_space<hbm>>, %arg4: memref<1536xf32, #tpu.memory_space<hbm>>, %arg5: memref<8x6400xf32, #tpu.memory_space<vmem>>, %arg6: memref<8x6400xf32, #tpu.memory_space<vmem>>, %arg7: memref<8x384xf32, #tpu.memory_space<vmem>>, %arg8: memref<8x128xf32, #tpu.memory_space<vmem>>, %arg9: memref<48xf32, #tpu.memory_space<vmem>>, %arg10: memref<!tpu.dma_semaphore, #tpu.memory_space<semaphore_mem>>, %arg11: memref<!tpu.dma_semaphore, #tpu.memory_space<semaphore_mem>>) attributes {dimension_semantics = [#tpu.dimension_semantics<core_parallel>, #tpu.dimension_semantics<subcore_parallel>], iteration_bounds = array<i64: 2, 16>, scalar_prefetch = 0 : i64, scratch_operands = 7 : i64, tpu.core_type = #tpu.core_type<sc_vector_subcore>, window_params = [{transform_indices = #map}, {transform_indices = #map}, {transform_indices = #map1}]} {
    %mul3A = arith.constant 2 : i32
    %mul3A_0 = arith.muli %arg1, %mul3A : i32
    %add3A = arith.addi %mul3A_0, %arg0 : i32
    %jit3A = arith.constant 4 : i32
    %div3A = arith.divsi %add3A, %jit3A : i32
    %sign3A = arith.constant 0 : i32
    %sign3A_1 = arith.cmpi sgt, %add3A, %sign3A : i32
    %sign3A_2 = arith.extui %sign3A_1 : i1 to i32
    %sign3A_3 = arith.constant 0 : i32
    %sign3A_4 = arith.cmpi slt, %add3A, %sign3A_3 : i32
    %sign3A_5 = arith.extui %sign3A_4 : i1 to i32
    %sign3A_6 = arith.subi %sign3A_2, %sign3A_5 : i32
    %sign3A_7 = arith.constant 0 : i32
    %sign3A_8 = arith.cmpi sgt, %jit3A, %sign3A_7 : i32
    %sign3A_9 = arith.extui %sign3A_8 : i1 to i32
    %sign3A_10 = arith.constant 0 : i32
    %sign3A_11 = arith.cmpi slt, %jit3A, %sign3A_10 : i32
    %sign3A_12 = arith.extui %sign3A_11 : i1 to i32
    %sign3A_13 = arith.subi %sign3A_9, %sign3A_12 : i32
    %ne3A = arith.cmpi ne, %sign3A_6, %sign3A_13 : i32
    %rem3A = arith.remsi %add3A, %jit3A : i32
    %ne3A_14 = arith.constant 0 : i32
    %ne3A_15 = arith.cmpi ne, %rem3A, %ne3A_14 : i32
    %and3A = arith.andi %ne3A, %ne3A_15 : i1
    %sub3A = arith.constant 1 : i32
    %sub3A_16 = arith.subi %div3A, %sub3A : i32
    %select_n3A = arith.select %and3A, %sub3A_16, %div3A : i32
    %jit3A_17 = arith.constant 4 : i32
    %eq3A = arith.constant 0 : i32
    %eq3A_18 = arith.cmpi eq, %jit3A_17, %eq3A : i32
    %jit3A_19 = arith.constant 1 : i32
    %select_n3A_20 = arith.select %eq3A_18, %jit3A_19, %jit3A_17 : i32
    %rem3A_21 = arith.remsi %add3A, %select_n3A_20 : i32
    %ne3A_22 = arith.constant 0 : i32
    %ne3A_23 = arith.cmpi ne, %rem3A_21, %ne3A_22 : i32
    %lt3A = arith.constant 0 : i32
    %lt3A_24 = arith.cmpi slt, %rem3A_21, %lt3A : i32
    %lt3A_25 = arith.constant 0 : i32
    %lt3A_26 = arith.cmpi slt, %select_n3A_20, %lt3A_25 : i32
    %ne3A_27 = arith.xori %lt3A_24, %lt3A_26 : i1
    %and3A_28 = arith.andi %ne3A_27, %ne3A_23 : i1
    %add3A_29 = arith.addi %rem3A_21, %select_n3A_20 : i32
    %select_n3A_30 = arith.select %and3A_28, %add3A_29, %rem3A_21 : i32
    %mul3A_31 = arith.constant 8 : i32
    %mul3A_32 = arith.muli %select_n3A, %mul3A_31 : i32
    %multiple_of3A = tpu.assume_multiple %mul3A_32, 8 : i32
    %mul3A_33 = arith.constant 249984 : i32
    %mul3A_34 = arith.muli %select_n3A_30, %mul3A_33 : i32
    %multiple_of3A_35 = tpu.assume_multiple %mul3A_34, 128 : i32
    %broadcast_in_dim3A = arith.constant 0xFF800000 : f32
    %broadcast_in_dim3A_36 = vector.broadcast %broadcast_in_dim3A : f32 to vector<16xf32>
    %broadcast_in_dim3A_37 = arith.constant 0xFF800000 : f32
    %broadcast_in_dim3A_38 = vector.broadcast %broadcast_in_dim3A_37 : f32 to vector<16xf32>
    %broadcast_in_dim3A_39 = arith.constant 0xFF800000 : f32
    %broadcast_in_dim3A_40 = vector.broadcast %broadcast_in_dim3A_39 : f32 to vector<16xf32>
    %broadcast_in_dim3A_41 = arith.constant 0xFF800000 : f32
    %broadcast_in_dim3A_42 = vector.broadcast %broadcast_in_dim3A_41 : f32 to vector<16xf32>
    %broadcast_in_dim3A_43 = arith.constant 0xFF800000 : f32
    %broadcast_in_dim3A_44 = vector.broadcast %broadcast_in_dim3A_43 : f32 to vector<16xf32>
    %broadcast_in_dim3A_45 = arith.constant 0xFF800000 : f32
    %broadcast_in_dim3A_46 = vector.broadcast %broadcast_in_dim3A_45 : f32 to vector<16xf32>
    %broadcast_in_dim3A_47 = arith.constant 0xFF800000 : f32
    %broadcast_in_dim3A_48 = vector.broadcast %broadcast_in_dim3A_47 : f32 to vector<16xf32>
    %broadcast_in_dim3A_49 = arith.constant 0xFF800000 : f32
    %broadcast_in_dim3A_50 = vector.broadcast %broadcast_in_dim3A_49 : f32 to vector<16xf32>
    %broadcast_in_dim3A_51 = arith.constant 0xFF800000 : f32
    %broadcast_in_dim3A_52 = vector.broadcast %broadcast_in_dim3A_51 : f32 to vector<16xf32>
    %broadcast_in_dim3A_53 = arith.constant 0xFF800000 : f32
    %broadcast_in_dim3A_54 = vector.broadcast %broadcast_in_dim3A_53 : f32 to vector<16xf32>
    %broadcast_in_dim3A_55 = arith.constant 0xFF800000 : f32
    %broadcast_in_dim3A_56 = vector.broadcast %broadcast_in_dim3A_55 : f32 to vector<16xf32>
    %broadcast_in_dim3A_57 = arith.constant 0xFF800000 : f32
    %broadcast_in_dim3A_58 = vector.broadcast %broadcast_in_dim3A_57 : f32 to vector<16xf32>
    %broadcast_in_dim3A_59 = arith.constant 0xFF800000 : f32
    %broadcast_in_dim3A_60 = vector.broadcast %broadcast_in_dim3A_59 : f32 to vector<16xf32>
    %broadcast_in_dim3A_61 = arith.constant 0xFF800000 : f32
    %broadcast_in_dim3A_62 = vector.broadcast %broadcast_in_dim3A_61 : f32 to vector<16xf32>
    %broadcast_in_dim3A_63 = arith.constant 0xFF800000 : f32
    %broadcast_in_dim3A_64 = vector.broadcast %broadcast_in_dim3A_63 : f32 to vector<16xf32>
    %broadcast_in_dim3A_65 = arith.constant 0xFF800000 : f32
    %broadcast_in_dim3A_66 = vector.broadcast %broadcast_in_dim3A_65 : f32 to vector<16xf32>
    %broadcast_in_dim3A_67 = arith.constant 0.000000e+00 : f32
    %broadcast_in_dim3A_68 = vector.broadcast %broadcast_in_dim3A_67 : f32 to vector<16xf32>
    %broadcast_in_dim3A_69 = arith.constant 0.000000e+00 : f32
    %broadcast_in_dim3A_70 = vector.broadcast %broadcast_in_dim3A_69 : f32 to vector<16xf32>
    %broadcast_in_dim3A_71 = arith.constant 0.000000e+00 : f32
    %broadcast_in_dim3A_72 = vector.broadcast %broadcast_in_dim3A_71 : f32 to vector<16xf32>
    %broadcast_in_dim3A_73 = arith.constant 0.000000e+00 : f32
    %broadcast_in_dim3A_74 = vector.broadcast %broadcast_in_dim3A_73 : f32 to vector<16xf32>
    %broadcast_in_dim3A_75 = arith.constant 0.000000e+00 : f32
    %broadcast_in_dim3A_76 = vector.broadcast %broadcast_in_dim3A_75 : f32 to vector<16xf32>
    %broadcast_in_dim3A_77 = arith.constant 0.000000e+00 : f32
    %broadcast_in_dim3A_78 = vector.broadcast %broadcast_in_dim3A_77 : f32 to vector<16xf32>
    %broadcast_in_dim3A_79 = arith.constant 0.000000e+00 : f32
    %broadcast_in_dim3A_80 = vector.broadcast %broadcast_in_dim3A_79 : f32 to vector<16xf32>
    %broadcast_in_dim3A_81 = arith.constant 0.000000e+00 : f32
    %broadcast_in_dim3A_82 = vector.broadcast %broadcast_in_dim3A_81 : f32 to vector<16xf32>
    %dma_start3A = tpu.memref_slice %arg2[%multiple_of3A, %multiple_of3A_35] : memref<64x1000000xf32, #tpu.memory_space<hbm>> -> memref<8x6400xf32, #tpu.memory_space<hbm>>
    %dma_start3A_83 = tpu.memref_slice %arg2[%multiple_of3A, %multiple_of3A_35] : memref<64x1000000xf32, #tpu.memory_space<hbm>> -> memref<8x6400xf32, #tpu.memory_space<hbm>>
    tpu.enqueue_dma source(%dma_start3A_83 : memref<8x6400xf32, #tpu.memory_space<hbm>>) target(%arg5 : memref<8x6400xf32, #tpu.memory_space<vmem>>) target_semaphore(%arg10 : memref<!tpu.dma_semaphore, #tpu.memory_space<semaphore_mem>>)
    %add3A_84 = arith.constant 6400 : i32
    %add3A_85 = arith.addi %multiple_of3A_35, %add3A_84 : i32
    %dma_start3A_86 = tpu.memref_slice %arg2[%multiple_of3A, %add3A_85] : memref<64x1000000xf32, #tpu.memory_space<hbm>> -> memref<8x6400xf32, #tpu.memory_space<hbm>>
    %dma_start3A_87 = tpu.memref_slice %arg2[%multiple_of3A, %add3A_85] : memref<64x1000000xf32, #tpu.memory_space<hbm>> -> memref<8x6400xf32, #tpu.memory_space<hbm>>
    tpu.enqueue_dma source(%dma_start3A_87 : memref<8x6400xf32, #tpu.memory_space<hbm>>) target(%arg6 : memref<8x6400xf32, #tpu.memory_space<vmem>>) target_semaphore(%arg11 : memref<!tpu.dma_semaphore, #tpu.memory_space<semaphore_mem>>)
    %scan3A = arith.constant 0 : i32
    %scan3A_88 = arith.constant 19 : i32
    %scan3A_89 = arith.addi %scan3A, %scan3A_88 : i32
    %scan3A_90 = arith.constant 1 : i32
    %scan3A_91:24 = scf.for %scan3A_1099 = %scan3A to %scan3A_89 step %scan3A_90 iter_args(%scan3A_1100 = %broadcast_in_dim3A_36, %scan3A_1101 = %broadcast_in_dim3A_38, %scan3A_1102 = %broadcast_in_dim3A_40, %scan3A_1103 = %broadcast_in_dim3A_42, %scan3A_1104 = %broadcast_in_dim3A_44, %scan3A_1105 = %broadcast_in_dim3A_46, %scan3A_1106 = %broadcast_in_dim3A_48, %scan3A_1107 = %broadcast_in_dim3A_50, %scan3A_1108 = %broadcast_in_dim3A_52, %scan3A_1109 = %broadcast_in_dim3A_54, %scan3A_1110 = %broadcast_in_dim3A_56, %scan3A_1111 = %broadcast_in_dim3A_58, %scan3A_1112 = %broadcast_in_dim3A_60, %scan3A_1113 = %broadcast_in_dim3A_62, %scan3A_1114 = %broadcast_in_dim3A_64, %scan3A_1115 = %broadcast_in_dim3A_66, %scan3A_1116 = %broadcast_in_dim3A_68, %scan3A_1117 = %broadcast_in_dim3A_70, %scan3A_1118 = %broadcast_in_dim3A_72, %scan3A_1119 = %broadcast_in_dim3A_74, %scan3A_1120 = %broadcast_in_dim3A_76, %scan3A_1121 = %broadcast_in_dim3A_78, %scan3A_1122 = %broadcast_in_dim3A_80, %scan3A_1123 = %broadcast_in_dim3A_82) -> (vector<16xf32>, vector<16xf32>, vector<16xf32>, vector<16xf32>, vector<16xf32>, vector<16xf32>, vector<16xf32>, vector<16xf32>, vector<16xf32>, vector<16xf32>, vector<16xf32>, vector<16xf32>, vector<16xf32>, vector<16xf32>, vector<16xf32>, vector<16xf32>, vector<16xf32>, vector<16xf32>, vector<16xf32>, vector<16xf32>, vector<16xf32>, vector<16xf32>, vector<16xf32>, vector<16xf32>)  : i32 {
      %dma_wait3A_1124 = arith.constant 0 : i32
      %dma_wait3A_1125 = arith.constant 0 : i32
      %dma_wait3A_1126 = tpu.memref_slice %arg2[%dma_wait3A_1124, %dma_wait3A_1125] : memref<64x1000000xf32, #tpu.memory_space<hbm>> -> memref<8x6400xf32, #tpu.memory_space<hbm>>
      %dma_wait3A_1127 = arith.constant 0 : i32
      %dma_wait3A_1128 = arith.constant 0 : i32
      %dma_wait3A_1129 = tpu.memref_slice %arg2[%dma_wait3A_1127, %dma_wait3A_1128] : memref<64x1000000xf32, #tpu.memory_space<hbm>> -> memref<8x6400xf32, #tpu.memory_space<hbm>>
      tpu.wait_dma2 semaphore(%arg10 : memref<!tpu.dma_semaphore, #tpu.memory_space<semaphore_mem>>) src(%dma_wait3A_1129 : memref<8x6400xf32, #tpu.memory_space<hbm>>) dst(%arg5 : memref<8x6400xf32, #tpu.memory_space<vmem>>)
      %scan3A_1130 = arith.constant 0 : i32
      %scan3A_1131 = arith.constant 400 : i32
      %scan3A_1132 = arith.addi %scan3A_1130, %scan3A_1131 : i32
      %scan3A_1133 = arith.constant 1 : i32
      %scan3A_1134:24 = scf.for %scan3A_1164 = %scan3A_1130 to %scan3A_1132 step %scan3A_1133 iter_args(%scan3A_1165 = %scan3A_1100, %scan3A_1166 = %scan3A_1101, %scan3A_1167 = %scan3A_1102, %scan3A_1168 = %scan3A_1103, %scan3A_1169 = %scan3A_1104, %scan3A_1170 = %scan3A_1105, %scan3A_1171 = %scan3A_1106, %scan3A_1172 = %scan3A_1107, %scan3A_1173 = %scan3A_1108, %scan3A_1174 = %scan3A_1109, %scan3A_1175 = %scan3A_1110, %scan3A_1176 = %scan3A_1111, %scan3A_1177 = %scan3A_1112, %scan3A_1178 = %scan3A_1113, %scan3A_1179 = %scan3A_1114, %scan3A_1180 = %scan3A_1115, %scan3A_1181 = %scan3A_1116, %scan3A_1182 = %scan3A_1117, %scan3A_1183 = %scan3A_1118, %scan3A_1184 = %scan3A_1119, %scan3A_1185 = %scan3A_1120, %scan3A_1186 = %scan3A_1121, %scan3A_1187 = %scan3A_1122, %scan3A_1188 = %scan3A_1123) -> (vector<16xf32>, vector<16xf32>, vector<16xf32>, vector<16xf32>, vector<16xf32>, vector<16xf32>, vector<16xf32>, vector<16xf32>, vector<16xf32>, vector<16xf32>, vector<16xf32>, vector<16xf32>, vector<16xf32>, vector<16xf32>, vector<16xf32>, vector<16xf32>, vector<16xf32>, vector<16xf32>, vector<16xf32>, vector<16xf32>, vector<16xf32>, vector<16xf32>, vector<16xf32>, vector<16xf32>)  : i32 {
        %mul3A_1189 = arith.constant 16 : i32
        %mul3A_1190 = arith.muli %scan3A_1164, %mul3A_1189 : i32
        %get3A_1191 = arith.constant 0 : i32
        %get3A_1192 = arith.index_cast %get3A_1191 : i32 to index
        %get3A_1193 = arith.index_cast %mul3A_1190 : i32 to index
        %get3A_1194 = tpu.vector_load %arg5[%get3A_1192, %get3A_1193] {strides = array<i32>} : memref<8x6400xf32, #tpu.memory_space<vmem>>, vector<16xf32>,
        %min3A_1195 = arith.minimumf %get3A_1194, %scan3A_1165 : vector<16xf32>
        %max3A_1196 = arith.maximumf %scan3A_1173, %min3A_1195 : vector<16xf32>
        %max3A_1197 = arith.maximumf %scan3A_1165, %get3A_1194 : vector<16xf32>
        %exp3A_1198 = math.exp %get3A_1194 : vector<16xf32>
        %add3A_1199 = arith.addf %scan3A_1181, %exp3A_1198 : vector<16xf32>
        %mul3A_1200 = arith.constant 16 : i32
        %mul3A_1201 = arith.muli %scan3A_1164, %mul3A_1200 : i32
        %get3A_1202 = arith.constant 1 : i32
        %get3A_1203 = arith.index_cast %get3A_1202 : i32 to index
        %get3A_1204 = arith.index_cast %mul3A_1201 : i32 to index
        %get3A_1205 = tpu.vector_load %arg5[%get3A_1203, %get3A_1204] {strides = array<i32>} : memref<8x6400xf32, #tpu.memory_space<vmem>>, vector<16xf32>,
        %min3A_1206 = arith.minimumf %get3A_1205, %scan3A_1166 : vector<16xf32>
        %max3A_1207 = arith.maximumf %scan3A_1174, %min3A_1206 : vector<16xf32>
        %max3A_1208 = arith.maximumf %scan3A_1166, %get3A_1205 : vector<16xf32>
        %exp3A_1209 = math.exp %get3A_1205 : vector<16xf32>
        %add3A_1210 = arith.addf %scan3A_1182, %exp3A_1209 : vector<16xf32>
        %mul3A_1211 = arith.constant 16 : i32
        %mul3A_1212 = arith.muli %scan3A_1164, %mul3A_1211 : i32
        %get3A_1213 = arith.constant 2 : i32
        %get3A_1214 = arith.index_cast %get3A_1213 : i32 to index
        %get3A_1215 = arith.index_cast %mul3A_1212 : i32 to index
        %get3A_1216 = tpu.vector_load %arg5[%get3A_1214, %get3A_1215] {strides = array<i32>} : memref<8x6400xf32, #tpu.memory_space<vmem>>, vector<16xf32>,
        %min3A_1217 = arith.minimumf %get3A_1216, %scan3A_1167 : vector<16xf32>
        %max3A_1218 = arith.maximumf %scan3A_1175, %min3A_1217 : vector<16xf32>
        %max3A_1219 = arith.maximumf %scan3A_1167, %get3A_1216 : vector<16xf32>
        %exp3A_1220 = math.exp %get3A_1216 : vector<16xf32>
        %add3A_1221 = arith.addf %scan3A_1183, %exp3A_1220 : vector<16xf32>
        %mul3A_1222 = arith.constant 16 : i32
        %mul3A_1223 = arith.muli %scan3A_1164, %mul3A_1222 : i32
        %get3A_1224 = arith.constant 3 : i32
        %get3A_1225 = arith.index_cast %get3A_1224 : i32 to index
        %get3A_1226 = arith.index_cast %mul3A_1223 : i32 to index
        %get3A_1227 = tpu.vector_load %arg5[%get3A_1225, %get3A_1226] {strides = array<i32>} : memref<8x6400xf32, #tpu.memory_space<vmem>>, vector<16xf32>,
        %min3A_1228 = arith.minimumf %get3A_1227, %scan3A_1168 : vector<16xf32>
        %max3A_1229 = arith.maximumf %scan3A_1176, %min3A_1228 : vector<16xf32>
        %max3A_1230 = arith.maximumf %scan3A_1168, %get3A_1227 : vector<16xf32>
        %exp3A_1231 = math.exp %get3A_1227 : vector<16xf32>
        %add3A_1232 = arith.addf %scan3A_1184, %exp3A_1231 : vector<16xf32>
        %mul3A_1233 = arith.constant 16 : i32
        %mul3A_1234 = arith.muli %scan3A_1164, %mul3A_1233 : i32
        %get3A_1235 = arith.constant 4 : i32
        %get3A_1236 = arith.index_cast %get3A_1235 : i32 to index
        %get3A_1237 = arith.index_cast %mul3A_1234 : i32 to index
        %get3A_1238 = tpu.vector_load %arg5[%get3A_1236, %get3A_1237] {strides = array<i32>} : memref<8x6400xf32, #tpu.memory_space<vmem>>, vector<16xf32>,
        %min3A_1239 = arith.minimumf %get3A_1238, %scan3A_1169 : vector<16xf32>
        %max3A_1240 = arith.maximumf %scan3A_1177, %min3A_1239 : vector<16xf32>
        %max3A_1241 = arith.maximumf %scan3A_1169, %get3A_1238 : vector<16xf32>
        %exp3A_1242 = math.exp %get3A_1238 : vector<16xf32>
        %add3A_1243 = arith.addf %scan3A_1185, %exp3A_1242 : vector<16xf32>
        %mul3A_1244 = arith.constant 16 : i32
        %mul3A_1245 = arith.muli %scan3A_1164, %mul3A_1244 : i32
        %get3A_1246 = arith.constant 5 : i32
        %get3A_1247 = arith.index_cast %get3A_1246 : i32 to index
        %get3A_1248 = arith.index_cast %mul3A_1245 : i32 to index
        %get3A_1249 = tpu.vector_load %arg5[%get3A_1247, %get3A_1248] {strides = array<i32>} : memref<8x6400xf32, #tpu.memory_space<vmem>>, vector<16xf32>,
        %min3A_1250 = arith.minimumf %get3A_1249, %scan3A_1170 : vector<16xf32>
        %max3A_1251 = arith.maximumf %scan3A_1178, %min3A_1250 : vector<16xf32>
        %max3A_1252 = arith.maximumf %scan3A_1170, %get3A_1249 : vector<16xf32>
        %exp3A_1253 = math.exp %get3A_1249 : vector<16xf32>
        %add3A_1254 = arith.addf %scan3A_1186, %exp3A_1253 : vector<16xf32>
        %mul3A_1255 = arith.constant 16 : i32
        %mul3A_1256 = arith.muli %scan3A_1164, %mul3A_1255 : i32
        %get3A_1257 = arith.constant 6 : i32
        %get3A_1258 = arith.index_cast %get3A_1257 : i32 to index
        %get3A_1259 = arith.index_cast %mul3A_1256 : i32 to index
        %get3A_1260 = tpu.vector_load %arg5[%get3A_1258, %get3A_1259] {strides = array<i32>} : memref<8x6400xf32, #tpu.memory_space<vmem>>, vector<16xf32>,
        %min3A_1261 = arith.minimumf %get3A_1260, %scan3A_1171 : vector<16xf32>
        %max3A_1262 = arith.maximumf %scan3A_1179, %min3A_1261 : vector<16xf32>
        %max3A_1263 = arith.maximumf %scan3A_1171, %get3A_1260 : vector<16xf32>
        %exp3A_1264 = math.exp %get3A_1260 : vector<16xf32>
        %add3A_1265 = arith.addf %scan3A_1187, %exp3A_1264 : vector<16xf32>
        %mul3A_1266 = arith.constant 16 : i32
        %mul3A_1267 = arith.muli %scan3A_1164, %mul3A_1266 : i32
        %get3A_1268 = arith.constant 7 : i32
        %get3A_1269 = arith.index_cast %get3A_1268 : i32 to index
        %get3A_1270 = arith.index_cast %mul3A_1267 : i32 to index
        %get3A_1271 = tpu.vector_load %arg5[%get3A_1269, %get3A_1270] {strides = array<i32>} : memref<8x6400xf32, #tpu.memory_space<vmem>>, vector<16xf32>,
        %min3A_1272 = arith.minimumf %get3A_1271, %scan3A_1172 : vector<16xf32>
        %max3A_1273 = arith.maximumf %scan3A_1180, %min3A_1272 : vector<16xf32>
        %max3A_1274 = arith.maximumf %scan3A_1172, %get3A_1271 : vector<16xf32>
        %exp3A_1275 = math.exp %get3A_1271 : vector<16xf32>
        %add3A_1276 = arith.addf %scan3A_1188, %exp3A_1275 : vector<16xf32>
        scf.yield %max3A_1197, %max3A_1208, %max3A_1219, %max3A_1230, %max3A_1241, %max3A_1252, %max3A_1263, %max3A_1274, %max3A_1196, %max3A_1207, %max3A_1218, %max3A_1229, %max3A_1240, %max3A_1251, %max3A_1262, %max3A_1273, %add3A_1199, %add3A_1210, %add3A_1221, %add3A_1232, %add3A_1243, %add3A_1254, %add3A_1265, %add3A_1276 : vector<16xf32>, vector<16xf32>, vector<16xf32>, vector<16xf32>, vector<16xf32>, vector<16xf32>, vector<16xf32>, vector<16xf32>, vector<16xf32>, vector<16xf32>, vector<16xf32>, vector<16xf32>, vector<16xf32>, vector<16xf32>, vector<16xf32>, vector<16xf32>, vector<16xf32>, vector<16xf32>, vector<16xf32>, vector<16xf32>, vector<16xf32>, vector<16xf32>, vector<16xf32>, vector<16xf32>
      }
      %scan3A_1135 = arith.constant 400 : i32
      %mul3A_1136 = arith.constant 2 : i32
      %mul3A_1137 = arith.muli %mul3A_1136, %scan3A_1099 : i32
      %add3A_1138 = arith.constant 2 : i32
      %add3A_1139 = arith.addi %mul3A_1137, %add3A_1138 : i32
      %lt3A_1140 = arith.constant 39 : i32
      %lt3A_1141 = arith.cmpi slt, %add3A_1139, %lt3A_1140 : i32
      %convert_element_type3A = arith.extui %lt3A_1141 : i1 to i32
      %cond3A = arith.constant 0 : i32
      %cond3A_1142 = arith.cmpi ne, %convert_element_type3A, %cond3A : i32
      scf.if %cond3A_1142 {
        %mul3A_1164 = arith.constant 2 : i32
        %mul3A_1165 = arith.muli %mul3A_1164, %scan3A_1099 : i32
        %add3A_1166 = arith.constant 2 : i32
        %add3A_1167 = arith.addi %mul3A_1165, %add3A_1166 : i32
        %mul3A_1168 = arith.constant 6400 : i32
        %mul3A_1169 = arith.muli %add3A_1167, %mul3A_1168 : i32
        %add3A_1170 = arith.addi %multiple_of3A_35, %mul3A_1169 : i32
        %dma_start3A_1171 = tpu.memref_slice %arg2[%multiple_of3A, %add3A_1170] : memref<64x1000000xf32, #tpu.memory_space<hbm>> -> memref<8x6400xf32, #tpu.memory_space<hbm>>
        %dma_start3A_1172 = tpu.memref_slice %arg2[%multiple_of3A, %add3A_1170] : memref<64x1000000xf32, #tpu.memory_space<hbm>> -> memref<8x6400xf32, #tpu.memory_space<hbm>>
        tpu.enqueue_dma source(%dma_start3A_1172 : memref<8x6400xf32, #tpu.memory_space<hbm>>) target(%arg5 : memref<8x6400xf32, #tpu.memory_space<vmem>>) target_semaphore(%arg10 : memref<!tpu.dma_semaphore, #tpu.memory_space<semaphore_mem>>)
      } else {
      }
      %dma_wait3A_1143 = arith.constant 0 : i32
      %dma_wait3A_1144 = arith.constant 0 : i32
      %dma_wait3A_1145 = tpu.memref_slice %arg2[%dma_wait3A_1143, %dma_wait3A_1144] : memref<64x1000000xf32, #tpu.memory_space<hbm>> -> memref<8x6400xf32, #tpu.memory_space<hbm>>
      %dma_wait3A_1146 = arith.constant 0 : i32
      %dma_wait3A_1147 = arith.constant 0 : i32
      %dma_wait3A_1148 = tpu.memref_slice %arg2[%dma_wait3A_1146, %dma_wait3A_1147] : memref<64x1000000xf32, #tpu.memory_space<hbm>> -> memref<8x6400xf32, #tpu.memory_space<hbm>>
      tpu.wait_dma2 semaphore(%arg11 : memref<!tpu.dma_semaphore, #tpu.memory_space<semaphore_mem>>) src(%dma_wait3A_1148 : memref<8x6400xf32, #tpu.memory_space<hbm>>) dst(%arg6 : memref<8x6400xf32, #tpu.memory_space<vmem>>)
      %scan3A_1149 = arith.constant 0 : i32
      %scan3A_1150 = arith.constant 400 : i32
      %scan3A_1151 = arith.addi %scan3A_1149, %scan3A_1150 : i32
      %scan3A_1152 = arith.constant 1 : i32
      %scan3A_1153:24 = scf.for %scan3A_1164 = %scan3A_1149 to %scan3A_1151 step %scan3A_1152 iter_args(%scan3A_1165 = %scan3A_1134#0, %scan3A_1166 = %scan3A_1134#1, %scan3A_1167 = %scan3A_1134#2, %scan3A_1168 = %scan3A_1134#3, %scan3A_1169 = %scan3A_1134#4, %scan3A_1170 = %scan3A_1134#5, %scan3A_1171 = %scan3A_1134#6, %scan3A_1172 = %scan3A_1134#7, %scan3A_1173 = %scan3A_1134#8, %scan3A_1174 = %scan3A_1134#9, %scan3A_1175 = %scan3A_1134#10, %scan3A_1176 = %scan3A_1134#11, %scan3A_1177 = %scan3A_1134#12, %scan3A_1178 = %scan3A_1134#13, %scan3A_1179 = %scan3A_1134#14, %scan3A_1180 = %scan3A_1134#15, %scan3A_1181 = %scan3A_1134#16, %scan3A_1182 = %scan3A_1134#17, %scan3A_1183 = %scan3A_1134#18, %scan3A_1184 = %scan3A_1134#19, %scan3A_1185 = %scan3A_1134#20, %scan3A_1186 = %scan3A_1134#21, %scan3A_1187 = %scan3A_1134#22, %scan3A_1188 = %scan3A_1134#23) -> (vector<16xf32>, vector<16xf32>, vector<16xf32>, vector<16xf32>, vector<16xf32>, vector<16xf32>, vector<16xf32>, vector<16xf32>, vector<16xf32>, vector<16xf32>, vector<16xf32>, vector<16xf32>, vector<16xf32>, vector<16xf32>, vector<16xf32>, vector<16xf32>, vector<16xf32>, vector<16xf32>, vector<16xf32>, vector<16xf32>, vector<16xf32>, vector<16xf32>, vector<16xf32>, vector<16xf32>)  : i32 {
        %mul3A_1189 = arith.constant 16 : i32
        %mul3A_1190 = arith.muli %scan3A_1164, %mul3A_1189 : i32
        %get3A_1191 = arith.constant 0 : i32
        %get3A_1192 = arith.index_cast %get3A_1191 : i32 to index
        %get3A_1193 = arith.index_cast %mul3A_1190 : i32 to index
        %get3A_1194 = tpu.vector_load %arg6[%get3A_1192, %get3A_1193] {strides = array<i32>} : memref<8x6400xf32, #tpu.memory_space<vmem>>, vector<16xf32>,
        %min3A_1195 = arith.minimumf %get3A_1194, %scan3A_1165 : vector<16xf32>
        %max3A_1196 = arith.maximumf %scan3A_1173, %min3A_1195 : vector<16xf32>
        %max3A_1197 = arith.maximumf %scan3A_1165, %get3A_1194 : vector<16xf32>
        %exp3A_1198 = math.exp %get3A_1194 : vector<16xf32>
        %add3A_1199 = arith.addf %scan3A_1181, %exp3A_1198 : vector<16xf32>
        %mul3A_1200 = arith.constant 16 : i32
        %mul3A_1201 = arith.muli %scan3A_1164, %mul3A_1200 : i32
        %get3A_1202 = arith.constant 1 : i32
        %get3A_1203 = arith.index_cast %get3A_1202 : i32 to index
        %get3A_1204 = arith.index_cast %mul3A_1201 : i32 to index
        %get3A_1205 = tpu.vector_load %arg6[%get3A_1203, %get3A_1204] {strides = array<i32>} : memref<8x6400xf32, #tpu.memory_space<vmem>>, vector<16xf32>,
        %min3A_1206 = arith.minimumf %get3A_1205, %scan3A_1166 : vector<16xf32>
        %max3A_1207 = arith.maximumf %scan3A_1174, %min3A_1206 : vector<16xf32>
        %max3A_1208 = arith.maximumf %scan3A_1166, %get3A_1205 : vector<16xf32>
        %exp3A_1209 = math.exp %get3A_1205 : vector<16xf32>
        %add3A_1210 = arith.addf %scan3A_1182, %exp3A_1209 : vector<16xf32>
        %mul3A_1211 = arith.constant 16 : i32
        %mul3A_1212 = arith.muli %scan3A_1164, %mul3A_1211 : i32
        %get3A_1213 = arith.constant 2 : i32
        %get3A_1214 = arith.index_cast %get3A_1213 : i32 to index
        %get3A_1215 = arith.index_cast %mul3A_1212 : i32 to index
        %get3A_1216 = tpu.vector_load %arg6[%get3A_1214, %get3A_1215] {strides = array<i32>} : memref<8x6400xf32, #tpu.memory_space<vmem>>, vector<16xf32>,
        %min3A_1217 = arith.minimumf %get3A_1216, %scan3A_1167 : vector<16xf32>
        %max3A_1218 = arith.maximumf %scan3A_1175, %min3A_1217 : vector<16xf32>
        %max3A_1219 = arith.maximumf %scan3A_1167, %get3A_1216 : vector<16xf32>
        %exp3A_1220 = math.exp %get3A_1216 : vector<16xf32>
        %add3A_1221 = arith.addf %scan3A_1183, %exp3A_1220 : vector<16xf32>
        %mul3A_1222 = arith.constant 16 : i32
        %mul3A_1223 = arith.muli %scan3A_1164, %mul3A_1222 : i32
        %get3A_1224 = arith.constant 3 : i32
        %get3A_1225 = arith.index_cast %get3A_1224 : i32 to index
        %get3A_1226 = arith.index_cast %mul3A_1223 : i32 to index
        %get3A_1227 = tpu.vector_load %arg6[%get3A_1225, %get3A_1226] {strides = array<i32>} : memref<8x6400xf32, #tpu.memory_space<vmem>>, vector<16xf32>,
        %min3A_1228 = arith.minimumf %get3A_1227, %scan3A_1168 : vector<16xf32>
        %max3A_1229 = arith.maximumf %scan3A_1176, %min3A_1228 : vector<16xf32>
        %max3A_1230 = arith.maximumf %scan3A_1168, %get3A_1227 : vector<16xf32>
        %exp3A_1231 = math.exp %get3A_1227 : vector<16xf32>
        %add3A_1232 = arith.addf %scan3A_1184, %exp3A_1231 : vector<16xf32>
        %mul3A_1233 = arith.constant 16 : i32
        %mul3A_1234 = arith.muli %scan3A_1164, %mul3A_1233 : i32
        %get3A_1235 = arith.constant 4 : i32
        %get3A_1236 = arith.index_cast %get3A_1235 : i32 to index
        %get3A_1237 = arith.index_cast %mul3A_1234 : i32 to index
        %get3A_1238 = tpu.vector_load %arg6[%get3A_1236, %get3A_1237] {strides = array<i32>} : memref<8x6400xf32, #tpu.memory_space<vmem>>, vector<16xf32>,
        %min3A_1239 = arith.minimumf %get3A_1238, %scan3A_1169 : vector<16xf32>
        %max3A_1240 = arith.maximumf %scan3A_1177, %min3A_1239 : vector<16xf32>
        %max3A_1241 = arith.maximumf %scan3A_1169, %get3A_1238 : vector<16xf32>
        %exp3A_1242 = math.exp %get3A_1238 : vector<16xf32>
        %add3A_1243 = arith.addf %scan3A_1185, %exp3A_1242 : vector<16xf32>
        %mul3A_1244 = arith.constant 16 : i32
        %mul3A_1245 = arith.muli %scan3A_1164, %mul3A_1244 : i32
        %get3A_1246 = arith.constant 5 : i32
        %get3A_1247 = arith.index_cast %get3A_1246 : i32 to index
        %get3A_1248 = arith.index_cast %mul3A_1245 : i32 to index
        %get3A_1249 = tpu.vector_load %arg6[%get3A_1247, %get3A_1248] {strides = array<i32>} : memref<8x6400xf32, #tpu.memory_space<vmem>>, vector<16xf32>,
        %min3A_1250 = arith.minimumf %get3A_1249, %scan3A_1170 : vector<16xf32>
        %max3A_1251 = arith.maximumf %scan3A_1178, %min3A_1250 : vector<16xf32>
        %max3A_1252 = arith.maximumf %scan3A_1170, %get3A_1249 : vector<16xf32>
        %exp3A_1253 = math.exp %get3A_1249 : vector<16xf32>
        %add3A_1254 = arith.addf %scan3A_1186, %exp3A_1253 : vector<16xf32>
        %mul3A_1255 = arith.constant 16 : i32
        %mul3A_1256 = arith.muli %scan3A_1164, %mul3A_1255 : i32
        %get3A_1257 = arith.constant 6 : i32
        %get3A_1258 = arith.index_cast %get3A_1257 : i32 to index
        %get3A_1259 = arith.index_cast %mul3A_1256 : i32 to index
        %get3A_1260 = tpu.vector_load %arg6[%get3A_1258, %get3A_1259] {strides = array<i32>} : memref<8x6400xf32, #tpu.memory_space<vmem>>, vector<16xf32>,
        %min3A_1261 = arith.minimumf %get3A_1260, %scan3A_1171 : vector<16xf32>
        %max3A_1262 = arith.maximumf %scan3A_1179, %min3A_1261 : vector<16xf32>
        %max3A_1263 = arith.maximumf %scan3A_1171, %get3A_1260 : vector<16xf32>
        %exp3A_1264 = math.exp %get3A_1260 : vector<16xf32>
        %add3A_1265 = arith.addf %scan3A_1187, %exp3A_1264 : vector<16xf32>
        %mul3A_1266 = arith.constant 16 : i32
        %mul3A_1267 = arith.muli %scan3A_1164, %mul3A_1266 : i32
        %get3A_1268 = arith.constant 7 : i32
        %get3A_1269 = arith.index_cast %get3A_1268 : i32 to index
        %get3A_1270 = arith.index_cast %mul3A_1267 : i32 to index
        %get3A_1271 = tpu.vector_load %arg6[%get3A_1269, %get3A_1270] {strides = array<i32>} : memref<8x6400xf32, #tpu.memory_space<vmem>>, vector<16xf32>,
        %min3A_1272 = arith.minimumf %get3A_1271, %scan3A_1172 : vector<16xf32>
        %max3A_1273 = arith.maximumf %scan3A_1180, %min3A_1272 : vector<16xf32>
        %max3A_1274 = arith.maximumf %scan3A_1172, %get3A_1271 : vector<16xf32>
        %exp3A_1275 = math.exp %get3A_1271 : vector<16xf32>
        %add3A_1276 = arith.addf %scan3A_1188, %exp3A_1275 : vector<16xf32>
        scf.yield %max3A_1197, %max3A_1208, %max3A_1219, %max3A_1230, %max3A_1241, %max3A_1252, %max3A_1263, %max3A_1274, %max3A_1196, %max3A_1207, %max3A_1218, %max3A_1229, %max3A_1240, %max3A_1251, %max3A_1262, %max3A_1273, %add3A_1199, %add3A_1210, %add3A_1221, %add3A_1232, %add3A_1243, %add3A_1254, %add3A_1265, %add3A_1276 : vector<16xf32>, vector<16xf32>, vector<16xf32>, vector<16xf32>, vector<16xf32>, vector<16xf32>, vector<16xf32>, vector<16xf32>, vector<16xf32>, vector<16xf32>, vector<16xf32>, vector<16xf32>, vector<16xf32>, vector<16xf32>, vector<16xf32>, vector<16xf32>, vector<16xf32>, vector<16xf32>, vector<16xf32>, vector<16xf32>, vector<16xf32>, vector<16xf32>, vector<16xf32>, vector<16xf32>
      }
      %scan3A_1154 = arith.constant 400 : i32
      %mul3A_1155 = arith.constant 2 : i32
      %mul3A_1156 = arith.muli %mul3A_1155, %scan3A_1099 : i32
      %add3A_1157 = arith.constant 3 : i32
      %add3A_1158 = arith.addi %mul3A_1156, %add3A_1157 : i32
      %lt3A_1159 = arith.constant 39 : i32
      %lt3A_1160 = arith.cmpi slt, %add3A_1158, %lt3A_1159 : i32
      %convert_element_type3A_1161 = arith.extui %lt3A_1160 : i1 to i32
      %cond3A_1162 = arith.constant 0 : i32
      %cond3A_1163 = arith.cmpi ne, %convert_element_type3A_1161, %cond3A_1162 : i32
      scf.if %cond3A_1163 {
        %mul3A_1164 = arith.constant 2 : i32
        %mul3A_1165 = arith.muli %mul3A_1164, %scan3A_1099 : i32
        %add3A_1166 = arith.constant 3 : i32
        %add3A_1167 = arith.addi %mul3A_1165, %add3A_1166 : i32
        %mul3A_1168 = arith.constant 6400 : i32
        %mul3A_1169 = arith.muli %add3A_1167, %mul3A_1168 : i32
        %add3A_1170 = arith.addi %multiple_of3A_35, %mul3A_1169 : i32
        %dma_start3A_1171 = tpu.memref_slice %arg2[%multiple_of3A, %add3A_1170] : memref<64x1000000xf32, #tpu.memory_space<hbm>> -> memref<8x6400xf32, #tpu.memory_space<hbm>>
        %dma_start3A_1172 = tpu.memref_slice %arg2[%multiple_of3A, %add3A_1170] : memref<64x1000000xf32, #tpu.memory_space<hbm>> -> memref<8x6400xf32, #tpu.memory_space<hbm>>
        tpu.enqueue_dma source(%dma_start3A_1172 : memref<8x6400xf32, #tpu.memory_space<hbm>>) target(%arg6 : memref<8x6400xf32, #tpu.memory_space<vmem>>) target_semaphore(%arg11 : memref<!tpu.dma_semaphore, #tpu.memory_space<semaphore_mem>>)
      } else {
      }
      scf.yield %scan3A_1153#0, %scan3A_1153#1, %scan3A_1153#2, %scan3A_1153#3, %scan3A_1153#4, %scan3A_1153#5, %scan3A_1153#6, %scan3A_1153#7, %scan3A_1153#8, %scan3A_1153#9, %scan3A_1153#10, %scan3A_1153#11, %scan3A_1153#12, %scan3A_1153#13, %scan3A_1153#14, %scan3A_1153#15, %scan3A_1153#16, %scan3A_1153#17, %scan3A_1153#18, %scan3A_1153#19, %scan3A_1153#20, %scan3A_1153#21, %scan3A_1153#22, %scan3A_1153#23 : vector<16xf32>, vector<16xf32>, vector<16xf32>, vector<16xf32>, vector<16xf32>, vector<16xf32>, vector<16xf32>, vector<16xf32>, vector<16xf32>, vector<16xf32>, vector<16xf32>, vector<16xf32>, vector<16xf32>, vector<16xf32>, vector<16xf32>, vector<16xf32>, vector<16xf32>, vector<16xf32>, vector<16xf32>, vector<16xf32>, vector<16xf32>, vector<16xf32>, vector<16xf32>, vector<16xf32>
    }
    %scan3A_92 = arith.constant 19 : i32
    %add3A_93 = arith.constant 249600 : i32
    %add3A_94 = arith.addi %multiple_of3A_35, %add3A_93 : i32
    %dma_start3A_95 = tpu.memref_slice %arg2[%multiple_of3A, %add3A_94] : memref<64x1000000xf32, #tpu.memory_space<hbm>> -> memref<8x384xf32, #tpu.memory_space<hbm>>
    %dma_start3A_96 = tpu.memref_slice %arg2[%multiple_of3A, %add3A_94] : memref<64x1000000xf32, #tpu.memory_space<hbm>> -> memref<8x384xf32, #tpu.memory_space<hbm>>
    tpu.enqueue_dma source(%dma_start3A_96 : memref<8x384xf32, #tpu.memory_space<hbm>>) target(%arg7 : memref<8x384xf32, #tpu.memory_space<vmem>>) target_semaphore(%arg11 : memref<!tpu.dma_semaphore, #tpu.memory_space<semaphore_mem>>)
    %dma_wait3A = arith.constant 0 : i32
    %dma_wait3A_97 = arith.constant 0 : i32
    %dma_wait3A_98 = tpu.memref_slice %arg2[%dma_wait3A, %dma_wait3A_97] : memref<64x1000000xf32, #tpu.memory_space<hbm>> -> memref<8x6400xf32, #tpu.memory_space<hbm>>
    %dma_wait3A_99 = arith.constant 0 : i32
    %dma_wait3A_100 = arith.constant 0 : i32
    %dma_wait3A_101 = tpu.memref_slice %arg2[%dma_wait3A_99, %dma_wait3A_100] : memref<64x1000000xf32, #tpu.memory_space<hbm>> -> memref<8x6400xf32, #tpu.memory_space<hbm>>
    tpu.wait_dma2 semaphore(%arg10 : memref<!tpu.dma_semaphore, #tpu.memory_space<semaphore_mem>>) src(%dma_wait3A_101 : memref<8x6400xf32, #tpu.memory_space<hbm>>) dst(%arg5 : memref<8x6400xf32, #tpu.memory_space<vmem>>)
    %scan3A_102 = arith.constant 0 : i32
    %scan3A_103 = arith.constant 400 : i32
    %scan3A_104 = arith.addi %scan3A_102, %scan3A_103 : i32
    %scan3A_105 = arith.constant 1 : i32
    %scan3A_106:24 = scf.for %scan3A_1099 = %scan3A_102 to %scan3A_104 step %scan3A_105 iter_args(%scan3A_1100 = %scan3A_91#0, %scan3A_1101 = %scan3A_91#1, %scan3A_1102 = %scan3A_91#2, %scan3A_1103 = %scan3A_91#3, %scan3A_1104 = %scan3A_91#4, %scan3A_1105 = %scan3A_91#5, %scan3A_1106 = %scan3A_91#6, %scan3A_1107 = %scan3A_91#7, %scan3A_1108 = %scan3A_91#8, %scan3A_1109 = %scan3A_91#9, %scan3A_1110 = %scan3A_91#10, %scan3A_1111 = %scan3A_91#11, %scan3A_1112 = %scan3A_91#12, %scan3A_1113 = %scan3A_91#13, %scan3A_1114 = %scan3A_91#14, %scan3A_1115 = %scan3A_91#15, %scan3A_1116 = %scan3A_91#16, %scan3A_1117 = %scan3A_91#17, %scan3A_1118 = %scan3A_91#18, %scan3A_1119 = %scan3A_91#19, %scan3A_1120 = %scan3A_91#20, %scan3A_1121 = %scan3A_91#21, %scan3A_1122 = %scan3A_91#22, %scan3A_1123 = %scan3A_91#23) -> (vector<16xf32>, vector<16xf32>, vector<16xf32>, vector<16xf32>, vector<16xf32>, vector<16xf32>, vector<16xf32>, vector<16xf32>, vector<16xf32>, vector<16xf32>, vector<16xf32>, vector<16xf32>, vector<16xf32>, vector<16xf32>, vector<16xf32>, vector<16xf32>, vector<16xf32>, vector<16xf32>, vector<16xf32>, vector<16xf32>, vector<16xf32>, vector<16xf32>, vector<16xf32>, vector<16xf32>)  : i32 {
      %mul3A_1124 = arith.constant 16 : i32
      %mul3A_1125 = arith.muli %scan3A_1099, %mul3A_1124 : i32
      %get3A_1126 = arith.constant 0 : i32
      %get3A_1127 = arith.index_cast %get3A_1126 : i32 to index
      %get3A_1128 = arith.index_cast %mul3A_1125 : i32 to index
      %get3A_1129 = tpu.vector_load %arg5[%get3A_1127, %get3A_1128] {strides = array<i32>} : memref<8x6400xf32, #tpu.memory_space<vmem>>, vector<16xf32>,
      %min3A_1130 = arith.minimumf %get3A_1129, %scan3A_1100 : vector<16xf32>
      %max3A_1131 = arith.maximumf %scan3A_1108, %min3A_1130 : vector<16xf32>
      %max3A_1132 = arith.maximumf %scan3A_1100, %get3A_1129 : vector<16xf32>
      %exp3A_1133 = math.exp %get3A_1129 : vector<16xf32>
      %add3A_1134 = arith.addf %scan3A_1116, %exp3A_1133 : vector<16xf32>
      %mul3A_1135 = arith.constant 16 : i32
      %mul3A_1136 = arith.muli %scan3A_1099, %mul3A_1135 : i32
      %get3A_1137 = arith.constant 1 : i32
      %get3A_1138 = arith.index_cast %get3A_1137 : i32 to index
      %get3A_1139 = arith.index_cast %mul3A_1136 : i32 to index
      %get3A_1140 = tpu.vector_load %arg5[%get3A_1138, %get3A_1139] {strides = array<i32>} : memref<8x6400xf32, #tpu.memory_space<vmem>>, vector<16xf32>,
      %min3A_1141 = arith.minimumf %get3A_1140, %scan3A_1101 : vector<16xf32>
      %max3A_1142 = arith.maximumf %scan3A_1109, %min3A_1141 : vector<16xf32>
      %max3A_1143 = arith.maximumf %scan3A_1101, %get3A_1140 : vector<16xf32>
      %exp3A_1144 = math.exp %get3A_1140 : vector<16xf32>
      %add3A_1145 = arith.addf %scan3A_1117, %exp3A_1144 : vector<16xf32>
      %mul3A_1146 = arith.constant 16 : i32
      %mul3A_1147 = arith.muli %scan3A_1099, %mul3A_1146 : i32
      %get3A_1148 = arith.constant 2 : i32
      %get3A_1149 = arith.index_cast %get3A_1148 : i32 to index
      %get3A_1150 = arith.index_cast %mul3A_1147 : i32 to index
      %get3A_1151 = tpu.vector_load %arg5[%get3A_1149, %get3A_1150] {strides = array<i32>} : memref<8x6400xf32, #tpu.memory_space<vmem>>, vector<16xf32>,
      %min3A_1152 = arith.minimumf %get3A_1151, %scan3A_1102 : vector<16xf32>
      %max3A_1153 = arith.maximumf %scan3A_1110, %min3A_1152 : vector<16xf32>
      %max3A_1154 = arith.maximumf %scan3A_1102, %get3A_1151 : vector<16xf32>
      %exp3A_1155 = math.exp %get3A_1151 : vector<16xf32>
      %add3A_1156 = arith.addf %scan3A_1118, %exp3A_1155 : vector<16xf32>
      %mul3A_1157 = arith.constant 16 : i32
      %mul3A_1158 = arith.muli %scan3A_1099, %mul3A_1157 : i32
      %get3A_1159 = arith.constant 3 : i32
      %get3A_1160 = arith.index_cast %get3A_1159 : i32 to index
      %get3A_1161 = arith.index_cast %mul3A_1158 : i32 to index
      %get3A_1162 = tpu.vector_load %arg5[%get3A_1160, %get3A_1161] {strides = array<i32>} : memref<8x6400xf32, #tpu.memory_space<vmem>>, vector<16xf32>,
      %min3A_1163 = arith.minimumf %get3A_1162, %scan3A_1103 : vector<16xf32>
      %max3A_1164 = arith.maximumf %scan3A_1111, %min3A_1163 : vector<16xf32>
      %max3A_1165 = arith.maximumf %scan3A_1103, %get3A_1162 : vector<16xf32>
      %exp3A_1166 = math.exp %get3A_1162 : vector<16xf32>
      %add3A_1167 = arith.addf %scan3A_1119, %exp3A_1166 : vector<16xf32>
      %mul3A_1168 = arith.constant 16 : i32
      %mul3A_1169 = arith.muli %scan3A_1099, %mul3A_1168 : i32
      %get3A_1170 = arith.constant 4 : i32
      %get3A_1171 = arith.index_cast %get3A_1170 : i32 to index
      %get3A_1172 = arith.index_cast %mul3A_1169 : i32 to index
      %get3A_1173 = tpu.vector_load %arg5[%get3A_1171, %get3A_1172] {strides = array<i32>} : memref<8x6400xf32, #tpu.memory_space<vmem>>, vector<16xf32>,
      %min3A_1174 = arith.minimumf %get3A_1173, %scan3A_1104 : vector<16xf32>
      %max3A_1175 = arith.maximumf %scan3A_1112, %min3A_1174 : vector<16xf32>
      %max3A_1176 = arith.maximumf %scan3A_1104, %get3A_1173 : vector<16xf32>
      %exp3A_1177 = math.exp %get3A_1173 : vector<16xf32>
      %add3A_1178 = arith.addf %scan3A_1120, %exp3A_1177 : vector<16xf32>
      %mul3A_1179 = arith.constant 16 : i32
      %mul3A_1180 = arith.muli %scan3A_1099, %mul3A_1179 : i32
      %get3A_1181 = arith.constant 5 : i32
      %get3A_1182 = arith.index_cast %get3A_1181 : i32 to index
      %get3A_1183 = arith.index_cast %mul3A_1180 : i32 to index
      %get3A_1184 = tpu.vector_load %arg5[%get3A_1182, %get3A_1183] {strides = array<i32>} : memref<8x6400xf32, #tpu.memory_space<vmem>>, vector<16xf32>,
      %min3A_1185 = arith.minimumf %get3A_1184, %scan3A_1105 : vector<16xf32>
      %max3A_1186 = arith.maximumf %scan3A_1113, %min3A_1185 : vector<16xf32>
      %max3A_1187 = arith.maximumf %scan3A_1105, %get3A_1184 : vector<16xf32>
      %exp3A_1188 = math.exp %get3A_1184 : vector<16xf32>
      %add3A_1189 = arith.addf %scan3A_1121, %exp3A_1188 : vector<16xf32>
      %mul3A_1190 = arith.constant 16 : i32
      %mul3A_1191 = arith.muli %scan3A_1099, %mul3A_1190 : i32
      %get3A_1192 = arith.constant 6 : i32
      %get3A_1193 = arith.index_cast %get3A_1192 : i32 to index
      %get3A_1194 = arith.index_cast %mul3A_1191 : i32 to index
      %get3A_1195 = tpu.vector_load %arg5[%get3A_1193, %get3A_1194] {strides = array<i32>} : memref<8x6400xf32, #tpu.memory_space<vmem>>, vector<16xf32>,
      %min3A_1196 = arith.minimumf %get3A_1195, %scan3A_1106 : vector<16xf32>
      %max3A_1197 = arith.maximumf %scan3A_1114, %min3A_1196 : vector<16xf32>
      %max3A_1198 = arith.maximumf %scan3A_1106, %get3A_1195 : vector<16xf32>
      %exp3A_1199 = math.exp %get3A_1195 : vector<16xf32>
      %add3A_1200 = arith.addf %scan3A_1122, %exp3A_1199 : vector<16xf32>
      %mul3A_1201 = arith.constant 16 : i32
      %mul3A_1202 = arith.muli %scan3A_1099, %mul3A_1201 : i32
      %get3A_1203 = arith.constant 7 : i32
      %get3A_1204 = arith.index_cast %get3A_1203 : i32 to index
      %get3A_1205 = arith.index_cast %mul3A_1202 : i32 to index
      %get3A_1206 = tpu.vector_load %arg5[%get3A_1204, %get3A_1205] {strides = array<i32>} : memref<8x6400xf32, #tpu.memory_space<vmem>>, vector<16xf32>,
      %min3A_1207 = arith.minimumf %get3A_1206, %scan3A_1107 : vector<16xf32>
      %max3A_1208 = arith.maximumf %scan3A_1115, %min3A_1207 : vector<16xf32>
      %max3A_1209 = arith.maximumf %scan3A_1107, %get3A_1206 : vector<16xf32>
      %exp3A_1210 = math.exp %get3A_1206 : vector<16xf32>
      %add3A_1211 = arith.addf %scan3A_1123, %exp3A_1210 : vector<16xf32>
      scf.yield %max3A_1132, %max3A_1143, %max3A_1154, %max3A_1165, %max3A_1176, %max3A_1187, %max3A_1198, %max3A_1209, %max3A_1131, %max3A_1142, %max3A_1153, %max3A_1164, %max3A_1175, %max3A_1186, %max3A_1197, %max3A_1208, %add3A_1134, %add3A_1145, %add3A_1156, %add3A_1167, %add3A_1178, %add3A_1189, %add3A_1200, %add3A_1211 : vector<16xf32>, vector<16xf32>, vector<16xf32>, vector<16xf32>, vector<16xf32>, vector<16xf32>, vector<16xf32>, vector<16xf32>, vector<16xf32>, vector<16xf32>, vector<16xf32>, vector<16xf32>, vector<16xf32>, vector<16xf32>, vector<16xf32>, vector<16xf32>, vector<16xf32>, vector<16xf32>, vector<16xf32>, vector<16xf32>, vector<16xf32>, vector<16xf32>, vector<16xf32>, vector<16xf32>
    }
    %scan3A_107 = arith.constant 400 : i32
    %dma_start3A_108 = arith.constant 0 : i32
    %dma_start3A_109 = tpu.memref_slice %arg3[%multiple_of3A, %dma_start3A_108] : memref<64x128xf32, #tpu.memory_space<hbm>> -> memref<8x128xf32, #tpu.memory_space<hbm>>
    %dma_start3A_110 = arith.constant 0 : i32
    %dma_start3A_111 = tpu.memref_slice %arg3[%multiple_of3A, %dma_start3A_110] : memref<64x128xf32, #tpu.memory_space<hbm>> -> memref<8x128xf32, #tpu.memory_space<hbm>>
    tpu.enqueue_dma source(%dma_start3A_111 : memref<8x128xf32, #tpu.memory_space<hbm>>) target(%arg8 : memref<8x128xf32, #tpu.memory_space<vmem>>) target_semaphore(%arg10 : memref<!tpu.dma_semaphore, #tpu.memory_space<semaphore_mem>>)
    %dma_wait3A_112 = tpu.memref_slice %arg2[%multiple_of3A, %add3A_94] : memref<64x1000000xf32, #tpu.memory_space<hbm>> -> memref<8x384xf32, #tpu.memory_space<hbm>>
    %dma_wait3A_113 = tpu.memref_slice %arg2[%multiple_of3A, %add3A_94] : memref<64x1000000xf32, #tpu.memory_space<hbm>> -> memref<8x384xf32, #tpu.memory_space<hbm>>
    tpu.wait_dma2 semaphore(%arg11 : memref<!tpu.dma_semaphore, #tpu.memory_space<semaphore_mem>>) src(%dma_wait3A_113 : memref<8x384xf32, #tpu.memory_space<hbm>>) dst(%arg7 : memref<8x384xf32, #tpu.memory_space<vmem>>)
    %scan3A_114 = arith.constant 0 : i32
    %scan3A_115 = arith.constant 24 : i32
    %scan3A_116 = arith.addi %scan3A_114, %scan3A_115 : i32
    %scan3A_117 = arith.constant 1 : i32
    %scan3A_118:24 = scf.for %scan3A_1099 = %scan3A_114 to %scan3A_116 step %scan3A_117 iter_args(%scan3A_1100 = %scan3A_106#0, %scan3A_1101 = %scan3A_106#1, %scan3A_1102 = %scan3A_106#2, %scan3A_1103 = %scan3A_106#3, %scan3A_1104 = %scan3A_106#4, %scan3A_1105 = %scan3A_106#5, %scan3A_1106 = %scan3A_106#6, %scan3A_1107 = %scan3A_106#7, %scan3A_1108 = %scan3A_106#8, %scan3A_1109 = %scan3A_106#9, %scan3A_1110 = %scan3A_106#10, %scan3A_1111 = %scan3A_106#11, %scan3A_1112 = %scan3A_106#12, %scan3A_1113 = %scan3A_106#13, %scan3A_1114 = %scan3A_106#14, %scan3A_1115 = %scan3A_106#15, %scan3A_1116 = %scan3A_106#16, %scan3A_1117 = %scan3A_106#17, %scan3A_1118 = %scan3A_106#18, %scan3A_1119 = %scan3A_106#19, %scan3A_1120 = %scan3A_106#20, %scan3A_1121 = %scan3A_106#21, %scan3A_1122 = %scan3A_106#22, %scan3A_1123 = %scan3A_106#23) -> (vector<16xf32>, vector<16xf32>, vector<16xf32>, vector<16xf32>, vector<16xf32>, vector<16xf32>, vector<16xf32>, vector<16xf32>, vector<16xf32>, vector<16xf32>, vector<16xf32>, vector<16xf32>, vector<16xf32>, vector<16xf32>, vector<16xf32>, vector<16xf32>, vector<16xf32>, vector<16xf32>, vector<16xf32>, vector<16xf32>, vector<16xf32>, vector<16xf32>, vector<16xf32>, vector<16xf32>)  : i32 {
      %mul3A_1124 = arith.constant 16 : i32
      %mul3A_1125 = arith.muli %scan3A_1099, %mul3A_1124 : i32
      %get3A_1126 = arith.constant 0 : i32
      %get3A_1127 = arith.index_cast %get3A_1126 : i32 to index
      %get3A_1128 = arith.index_cast %mul3A_1125 : i32 to index
      %get3A_1129 = tpu.vector_load %arg7[%get3A_1127, %get3A_1128] {strides = array<i32>} : memref<8x384xf32, #tpu.memory_space<vmem>>, vector<16xf32>,
      %min3A_1130 = arith.minimumf %get3A_1129, %scan3A_1100 : vector<16xf32>
      %max3A_1131 = arith.maximumf %scan3A_1108, %min3A_1130 : vector<16xf32>
      %max3A_1132 = arith.maximumf %scan3A_1100, %get3A_1129 : vector<16xf32>
      %exp3A_1133 = math.exp %get3A_1129 : vector<16xf32>
      %add3A_1134 = arith.addf %scan3A_1116, %exp3A_1133 : vector<16xf32>
      %mul3A_1135 = arith.constant 16 : i32
      %mul3A_1136 = arith.muli %scan3A_1099, %mul3A_1135 : i32
      %get3A_1137 = arith.constant 1 : i32
      %get3A_1138 = arith.index_cast %get3A_1137 : i32 to index
      %get3A_1139 = arith.index_cast %mul3A_1136 : i32 to index
      %get3A_1140 = tpu.vector_load %arg7[%get3A_1138, %get3A_1139] {strides = array<i32>} : memref<8x384xf32, #tpu.memory_space<vmem>>, vector<16xf32>,
      %min3A_1141 = arith.minimumf %get3A_1140, %scan3A_1101 : vector<16xf32>
      %max3A_1142 = arith.maximumf %scan3A_1109, %min3A_1141 : vector<16xf32>
      %max3A_1143 = arith.maximumf %scan3A_1101, %get3A_1140 : vector<16xf32>
      %exp3A_1144 = math.exp %get3A_1140 : vector<16xf32>
      %add3A_1145 = arith.addf %scan3A_1117, %exp3A_1144 : vector<16xf32>
      %mul3A_1146 = arith.constant 16 : i32
      %mul3A_1147 = arith.muli %scan3A_1099, %mul3A_1146 : i32
      %get3A_1148 = arith.constant 2 : i32
      %get3A_1149 = arith.index_cast %get3A_1148 : i32 to index
      %get3A_1150 = arith.index_cast %mul3A_1147 : i32 to index
      %get3A_1151 = tpu.vector_load %arg7[%get3A_1149, %get3A_1150] {strides = array<i32>} : memref<8x384xf32, #tpu.memory_space<vmem>>, vector<16xf32>,
      %min3A_1152 = arith.minimumf %get3A_1151, %scan3A_1102 : vector<16xf32>
      %max3A_1153 = arith.maximumf %scan3A_1110, %min3A_1152 : vector<16xf32>
      %max3A_1154 = arith.maximumf %scan3A_1102, %get3A_1151 : vector<16xf32>
      %exp3A_1155 = math.exp %get3A_1151 : vector<16xf32>
      %add3A_1156 = arith.addf %scan3A_1118, %exp3A_1155 : vector<16xf32>
      %mul3A_1157 = arith.constant 16 : i32
      %mul3A_1158 = arith.muli %scan3A_1099, %mul3A_1157 : i32
      %get3A_1159 = arith.constant 3 : i32
      %get3A_1160 = arith.index_cast %get3A_1159 : i32 to index
      %get3A_1161 = arith.index_cast %mul3A_1158 : i32 to index
      %get3A_1162 = tpu.vector_load %arg7[%get3A_1160, %get3A_1161] {strides = array<i32>} : memref<8x384xf32, #tpu.memory_space<vmem>>, vector<16xf32>,
      %min3A_1163 = arith.minimumf %get3A_1162, %scan3A_1103 : vector<16xf32>
      %max3A_1164 = arith.maximumf %scan3A_1111, %min3A_1163 : vector<16xf32>
      %max3A_1165 = arith.maximumf %scan3A_1103, %get3A_1162 : vector<16xf32>
      %exp3A_1166 = math.exp %get3A_1162 : vector<16xf32>
      %add3A_1167 = arith.addf %scan3A_1119, %exp3A_1166 : vector<16xf32>
      %mul3A_1168 = arith.constant 16 : i32
      %mul3A_1169 = arith.muli %scan3A_1099, %mul3A_1168 : i32
      %get3A_1170 = arith.constant 4 : i32
      %get3A_1171 = arith.index_cast %get3A_1170 : i32 to index
      %get3A_1172 = arith.index_cast %mul3A_1169 : i32 to index
      %get3A_1173 = tpu.vector_load %arg7[%get3A_1171, %get3A_1172] {strides = array<i32>} : memref<8x384xf32, #tpu.memory_space<vmem>>, vector<16xf32>,
      %min3A_1174 = arith.minimumf %get3A_1173, %scan3A_1104 : vector<16xf32>
      %max3A_1175 = arith.maximumf %scan3A_1112, %min3A_1174 : vector<16xf32>
      %max3A_1176 = arith.maximumf %scan3A_1104, %get3A_1173 : vector<16xf32>
      %exp3A_1177 = math.exp %get3A_1173 : vector<16xf32>
      %add3A_1178 = arith.addf %scan3A_1120, %exp3A_1177 : vector<16xf32>
      %mul3A_1179 = arith.constant 16 : i32
      %mul3A_1180 = arith.muli %scan3A_1099, %mul3A_1179 : i32
      %get3A_1181 = arith.constant 5 : i32
      %get3A_1182 = arith.index_cast %get3A_1181 : i32 to index
      %get3A_1183 = arith.index_cast %mul3A_1180 : i32 to index
      %get3A_1184 = tpu.vector_load %arg7[%get3A_1182, %get3A_1183] {strides = array<i32>} : memref<8x384xf32, #tpu.memory_space<vmem>>, vector<16xf32>,
      %min3A_1185 = arith.minimumf %get3A_1184, %scan3A_1105 : vector<16xf32>
      %max3A_1186 = arith.maximumf %scan3A_1113, %min3A_1185 : vector<16xf32>
      %max3A_1187 = arith.maximumf %scan3A_1105, %get3A_1184 : vector<16xf32>
      %exp3A_1188 = math.exp %get3A_1184 : vector<16xf32>
      %add3A_1189 = arith.addf %scan3A_1121, %exp3A_1188 : vector<16xf32>
      %mul3A_1190 = arith.constant 16 : i32
      %mul3A_1191 = arith.muli %scan3A_1099, %mul3A_1190 : i32
      %get3A_1192 = arith.constant 6 : i32
      %get3A_1193 = arith.index_cast %get3A_1192 : i32 to index
      %get3A_1194 = arith.index_cast %mul3A_1191 : i32 to index
      %get3A_1195 = tpu.vector_load %arg7[%get3A_1193, %get3A_1194] {strides = array<i32>} : memref<8x384xf32, #tpu.memory_space<vmem>>, vector<16xf32>,
      %min3A_1196 = arith.minimumf %get3A_1195, %scan3A_1106 : vector<16xf32>
      %max3A_1197 = arith.maximumf %scan3A_1114, %min3A_1196 : vector<16xf32>
      %max3A_1198 = arith.maximumf %scan3A_1106, %get3A_1195 : vector<16xf32>
      %exp3A_1199 = math.exp %get3A_1195 : vector<16xf32>
      %add3A_1200 = arith.addf %scan3A_1122, %exp3A_1199 : vector<16xf32>
      %mul3A_1201 = arith.constant 16 : i32
      %mul3A_1202 = arith.muli %scan3A_1099, %mul3A_1201 : i32
      %get3A_1203 = arith.constant 7 : i32
      %get3A_1204 = arith.index_cast %get3A_1203 : i32 to index
      %get3A_1205 = arith.index_cast %mul3A_1202 : i32 to index
      %get3A_1206 = tpu.vector_load %arg7[%get3A_1204, %get3A_1205] {strides = array<i32>} : memref<8x384xf32, #tpu.memory_space<vmem>>, vector<16xf32>,
      %min3A_1207 = arith.minimumf %get3A_1206, %scan3A_1107 : vector<16xf32>
      %max3A_1208 = arith.maximumf %scan3A_1115, %min3A_1207 : vector<16xf32>
      %max3A_1209 = arith.maximumf %scan3A_1107, %get3A_1206 : vector<16xf32>
      %exp3A_1210 = math.exp %get3A_1206 : vector<16xf32>
      %add3A_1211 = arith.addf %scan3A_1123, %exp3A_1210 : vector<16xf32>
      scf.yield %max3A_1132, %max3A_1143, %max3A_1154, %max3A_1165, %max3A_1176, %max3A_1187, %max3A_1198, %max3A_1209, %max3A_1131, %max3A_1142, %max3A_1153, %max3A_1164, %max3A_1175, %max3A_1186, %max3A_1197, %max3A_1208, %add3A_1134, %add3A_1145, %add3A_1156, %add3A_1167, %add3A_1178, %add3A_1189, %add3A_1200, %add3A_1211 : vector<16xf32>, vector<16xf32>, vector<16xf32>, vector<16xf32>, vector<16xf32>, vector<16xf32>, vector<16xf32>, vector<16xf32>, vector<16xf32>, vector<16xf32>, vector<16xf32>, vector<16xf32>, vector<16xf32>, vector<16xf32>, vector<16xf32>, vector<16xf32>, vector<16xf32>, vector<16xf32>, vector<16xf32>, vector<16xf32>, vector<16xf32>, vector<16xf32>, vector<16xf32>, vector<16xf32>
    }
    %scan3A_119 = arith.constant 24 : i32
    %dma_wait3A_120 = arith.constant 0 : i32
    %dma_wait3A_121 = tpu.memref_slice %arg3[%multiple_of3A, %dma_wait3A_120] : memref<64x128xf32, #tpu.memory_space<hbm>> -> memref<8x128xf32, #tpu.memory_space<hbm>>
    %dma_wait3A_122 = arith.constant 0 : i32
    %dma_wait3A_123 = tpu.memref_slice %arg3[%multiple_of3A, %dma_wait3A_122] : memref<64x128xf32, #tpu.memory_space<hbm>> -> memref<8x128xf32, #tpu.memory_space<hbm>>
    tpu.wait_dma2 semaphore(%arg10 : memref<!tpu.dma_semaphore, #tpu.memory_space<semaphore_mem>>) src(%dma_wait3A_123 : memref<8x128xf32, #tpu.memory_space<hbm>>) dst(%arg8 : memref<8x128xf32, #tpu.memory_space<vmem>>)
    %eq3A_124 = arith.constant 3 : i32
    %eq3A_125 = arith.cmpi eq, %select_n3A_30, %eq3A_124 : i32
    %broadcast_in_dim3A_126 = vector.broadcast %eq3A_125 : i1 to vector<16xi1>
    %broadcast_in_dim3A_127 = arith.constant 0xFF800000 : f32
    %broadcast_in_dim3A_128 = vector.broadcast %broadcast_in_dim3A_127 : f32 to vector<16xf32>
    %get3A = arith.constant 0 : i32
    %get3A_129 = arith.index_cast %get3A : i32 to index
    %get3A_130 = arith.constant 0 : index
    %get3A_131 = tpu.vector_load %arg8[%get3A_129, %get3A_130] {strides = array<i32>} : memref<8x128xf32, #tpu.memory_space<vmem>>, vector<16xf32>,
    %select_n3A_132 = arith.select %broadcast_in_dim3A_126, %get3A_131, %broadcast_in_dim3A_128 : vector<16xi1>, vector<16xf32>
    %min3A = arith.minimumf %select_n3A_132, %scan3A_118#0 : vector<16xf32>
    %max3A = arith.maximumf %scan3A_118#8, %min3A : vector<16xf32>
    %max3A_133 = arith.maximumf %scan3A_118#0, %select_n3A_132 : vector<16xf32>
    %exp3A = math.exp %select_n3A_132 : vector<16xf32>
    %add3A_134 = arith.addf %scan3A_118#16, %exp3A : vector<16xf32>
    %get3A_135 = arith.constant 1 : i32
    %get3A_136 = arith.index_cast %get3A_135 : i32 to index
    %get3A_137 = arith.constant 0 : index
    %get3A_138 = tpu.vector_load %arg8[%get3A_136, %get3A_137] {strides = array<i32>} : memref<8x128xf32, #tpu.memory_space<vmem>>, vector<16xf32>,
    %select_n3A_139 = arith.select %broadcast_in_dim3A_126, %get3A_138, %broadcast_in_dim3A_128 : vector<16xi1>, vector<16xf32>
    %min3A_140 = arith.minimumf %select_n3A_139, %scan3A_118#1 : vector<16xf32>
    %max3A_141 = arith.maximumf %scan3A_118#9, %min3A_140 : vector<16xf32>
    %max3A_142 = arith.maximumf %scan3A_118#1, %select_n3A_139 : vector<16xf32>
    %exp3A_143 = math.exp %select_n3A_139 : vector<16xf32>
    %add3A_144 = arith.addf %scan3A_118#17, %exp3A_143 : vector<16xf32>
    %get3A_145 = arith.constant 2 : i32
    %get3A_146 = arith.index_cast %get3A_145 : i32 to index
    %get3A_147 = arith.constant 0 : index
    %get3A_148 = tpu.vector_load %arg8[%get3A_146, %get3A_147] {strides = array<i32>} : memref<8x128xf32, #tpu.memory_space<vmem>>, vector<16xf32>,
    %select_n3A_149 = arith.select %broadcast_in_dim3A_126, %get3A_148, %broadcast_in_dim3A_128 : vector<16xi1>, vector<16xf32>
    %min3A_150 = arith.minimumf %select_n3A_149, %scan3A_118#2 : vector<16xf32>
    %max3A_151 = arith.maximumf %scan3A_118#10, %min3A_150 : vector<16xf32>
    %max3A_152 = arith.maximumf %scan3A_118#2, %select_n3A_149 : vector<16xf32>
    %exp3A_153 = math.exp %select_n3A_149 : vector<16xf32>
    %add3A_154 = arith.addf %scan3A_118#18, %exp3A_153 : vector<16xf32>
    %get3A_155 = arith.constant 3 : i32
    %get3A_156 = arith.index_cast %get3A_155 : i32 to index
    %get3A_157 = arith.constant 0 : index
    %get3A_158 = tpu.vector_load %arg8[%get3A_156, %get3A_157] {strides = array<i32>} : memref<8x128xf32, #tpu.memory_space<vmem>>, vector<16xf32>,
    %select_n3A_159 = arith.select %broadcast_in_dim3A_126, %get3A_158, %broadcast_in_dim3A_128 : vector<16xi1>, vector<16xf32>
    %min3A_160 = arith.minimumf %select_n3A_159, %scan3A_118#3 : vector<16xf32>
    %max3A_161 = arith.maximumf %scan3A_118#11, %min3A_160 : vector<16xf32>
    %max3A_162 = arith.maximumf %scan3A_118#3, %select_n3A_159 : vector<16xf32>
    %exp3A_163 = math.exp %select_n3A_159 : vector<16xf32>
    %add3A_164 = arith.addf %scan3A_118#19, %exp3A_163 : vector<16xf32>
    %get3A_165 = arith.constant 4 : i32
    %get3A_166 = arith.index_cast %get3A_165 : i32 to index
    %get3A_167 = arith.constant 0 : index
    %get3A_168 = tpu.vector_load %arg8[%get3A_166, %get3A_167] {strides = array<i32>} : memref<8x128xf32, #tpu.memory_space<vmem>>, vector<16xf32>,
    %select_n3A_169 = arith.select %broadcast_in_dim3A_126, %get3A_168, %broadcast_in_dim3A_128 : vector<16xi1>, vector<16xf32>
    %min3A_170 = arith.minimumf %select_n3A_169, %scan3A_118#4 : vector<16xf32>
    %max3A_171 = arith.maximumf %scan3A_118#12, %min3A_170 : vector<16xf32>
    %max3A_172 = arith.maximumf %scan3A_118#4, %select_n3A_169 : vector<16xf32>
    %exp3A_173 = math.exp %select_n3A_169 : vector<16xf32>
    %add3A_174 = arith.addf %scan3A_118#20, %exp3A_173 : vector<16xf32>
    %get3A_175 = arith.constant 5 : i32
    %get3A_176 = arith.index_cast %get3A_175 : i32 to index
    %get3A_177 = arith.constant 0 : index
    %get3A_178 = tpu.vector_load %arg8[%get3A_176, %get3A_177] {strides = array<i32>} : memref<8x128xf32, #tpu.memory_space<vmem>>, vector<16xf32>,
    %select_n3A_179 = arith.select %broadcast_in_dim3A_126, %get3A_178, %broadcast_in_dim3A_128 : vector<16xi1>, vector<16xf32>
    %min3A_180 = arith.minimumf %select_n3A_179, %scan3A_118#5 : vector<16xf32>
    %max3A_181 = arith.maximumf %scan3A_118#13, %min3A_180 : vector<16xf32>
    %max3A_182 = arith.maximumf %scan3A_118#5, %select_n3A_179 : vector<16xf32>
    %exp3A_183 = math.exp %select_n3A_179 : vector<16xf32>
    %add3A_184 = arith.addf %scan3A_118#21, %exp3A_183 : vector<16xf32>
    %get3A_185 = arith.constant 6 : i32
    %get3A_186 = arith.index_cast %get3A_185 : i32 to index
    %get3A_187 = arith.constant 0 : index
    %get3A_188 = tpu.vector_load %arg8[%get3A_186, %get3A_187] {strides = array<i32>} : memref<8x128xf32, #tpu.memory_space<vmem>>, vector<16xf32>,
    %select_n3A_189 = arith.select %broadcast_in_dim3A_126, %get3A_188, %broadcast_in_dim3A_128 : vector<16xi1>, vector<16xf32>
    %min3A_190 = arith.minimumf %select_n3A_189, %scan3A_118#6 : vector<16xf32>
    %max3A_191 = arith.maximumf %scan3A_118#14, %min3A_190 : vector<16xf32>
    %max3A_192 = arith.maximumf %scan3A_118#6, %select_n3A_189 : vector<16xf32>
    %exp3A_193 = math.exp %select_n3A_189 : vector<16xf32>
    %add3A_194 = arith.addf %scan3A_118#22, %exp3A_193 : vector<16xf32>
    %get3A_195 = arith.constant 7 : i32
    %get3A_196 = arith.index_cast %get3A_195 : i32 to index
    %get3A_197 = arith.constant 0 : index
    %get3A_198 = tpu.vector_load %arg8[%get3A_196, %get3A_197] {strides = array<i32>} : memref<8x128xf32, #tpu.memory_space<vmem>>, vector<16xf32>,
    %select_n3A_199 = arith.select %broadcast_in_dim3A_126, %get3A_198, %broadcast_in_dim3A_128 : vector<16xi1>, vector<16xf32>
    %min3A_200 = arith.minimumf %select_n3A_199, %scan3A_118#7 : vector<16xf32>
    %max3A_201 = arith.maximumf %scan3A_118#15, %min3A_200 : vector<16xf32>
    %max3A_202 = arith.maximumf %scan3A_118#7, %select_n3A_199 : vector<16xf32>
    %exp3A_203 = math.exp %select_n3A_199 : vector<16xf32>
    %add3A_204 = arith.addf %scan3A_118#23, %exp3A_203 : vector<16xf32>
    %get3A_205 = arith.constant 0 : i32
    %get3A_206 = arith.index_cast %get3A_205 : i32 to index
    %get3A_207 = arith.constant 16 : index
    %get3A_208 = tpu.vector_load %arg8[%get3A_206, %get3A_207] {strides = array<i32>} : memref<8x128xf32, #tpu.memory_space<vmem>>, vector<16xf32>,
    %select_n3A_209 = arith.select %broadcast_in_dim3A_126, %get3A_208, %broadcast_in_dim3A_128 : vector<16xi1>, vector<16xf32>
    %min3A_210 = arith.minimumf %select_n3A_209, %max3A_133 : vector<16xf32>
    %max3A_211 = arith.maximumf %max3A, %min3A_210 : vector<16xf32>
    %max3A_212 = arith.maximumf %max3A_133, %select_n3A_209 : vector<16xf32>
    %exp3A_213 = math.exp %select_n3A_209 : vector<16xf32>
    %add3A_214 = arith.addf %add3A_134, %exp3A_213 : vector<16xf32>
    %get3A_215 = arith.constant 1 : i32
    %get3A_216 = arith.index_cast %get3A_215 : i32 to index
    %get3A_217 = arith.constant 16 : index
    %get3A_218 = tpu.vector_load %arg8[%get3A_216, %get3A_217] {strides = array<i32>} : memref<8x128xf32, #tpu.memory_space<vmem>>, vector<16xf32>,
    %select_n3A_219 = arith.select %broadcast_in_dim3A_126, %get3A_218, %broadcast_in_dim3A_128 : vector<16xi1>, vector<16xf32>
    %min3A_220 = arith.minimumf %select_n3A_219, %max3A_142 : vector<16xf32>
    %max3A_221 = arith.maximumf %max3A_141, %min3A_220 : vector<16xf32>
    %max3A_222 = arith.maximumf %max3A_142, %select_n3A_219 : vector<16xf32>
    %exp3A_223 = math.exp %select_n3A_219 : vector<16xf32>
    %add3A_224 = arith.addf %add3A_144, %exp3A_223 : vector<16xf32>
    %get3A_225 = arith.constant 2 : i32
    %get3A_226 = arith.index_cast %get3A_225 : i32 to index
    %get3A_227 = arith.constant 16 : index
    %get3A_228 = tpu.vector_load %arg8[%get3A_226, %get3A_227] {strides = array<i32>} : memref<8x128xf32, #tpu.memory_space<vmem>>, vector<16xf32>,
    %select_n3A_229 = arith.select %broadcast_in_dim3A_126, %get3A_228, %broadcast_in_dim3A_128 : vector<16xi1>, vector<16xf32>
    %min3A_230 = arith.minimumf %select_n3A_229, %max3A_152 : vector<16xf32>
    %max3A_231 = arith.maximumf %max3A_151, %min3A_230 : vector<16xf32>
    %max3A_232 = arith.maximumf %max3A_152, %select_n3A_229 : vector<16xf32>
    %exp3A_233 = math.exp %select_n3A_229 : vector<16xf32>
    %add3A_234 = arith.addf %add3A_154, %exp3A_233 : vector<16xf32>
    %get3A_235 = arith.constant 3 : i32
    %get3A_236 = arith.index_cast %get3A_235 : i32 to index
    %get3A_237 = arith.constant 16 : index
    %get3A_238 = tpu.vector_load %arg8[%get3A_236, %get3A_237] {strides = array<i32>} : memref<8x128xf32, #tpu.memory_space<vmem>>, vector<16xf32>,
    %select_n3A_239 = arith.select %broadcast_in_dim3A_126, %get3A_238, %broadcast_in_dim3A_128 : vector<16xi1>, vector<16xf32>
    %min3A_240 = arith.minimumf %select_n3A_239, %max3A_162 : vector<16xf32>
    %max3A_241 = arith.maximumf %max3A_161, %min3A_240 : vector<16xf32>
    %max3A_242 = arith.maximumf %max3A_162, %select_n3A_239 : vector<16xf32>
    %exp3A_243 = math.exp %select_n3A_239 : vector<16xf32>
    %add3A_244 = arith.addf %add3A_164, %exp3A_243 : vector<16xf32>
    %get3A_245 = arith.constant 4 : i32
    %get3A_246 = arith.index_cast %get3A_245 : i32 to index
    %get3A_247 = arith.constant 16 : index
    %get3A_248 = tpu.vector_load %arg8[%get3A_246, %get3A_247] {strides = array<i32>} : memref<8x128xf32, #tpu.memory_space<vmem>>, vector<16xf32>,
    %select_n3A_249 = arith.select %broadcast_in_dim3A_126, %get3A_248, %broadcast_in_dim3A_128 : vector<16xi1>, vector<16xf32>
    %min3A_250 = arith.minimumf %select_n3A_249, %max3A_172 : vector<16xf32>
    %max3A_251 = arith.maximumf %max3A_171, %min3A_250 : vector<16xf32>
    %max3A_252 = arith.maximumf %max3A_172, %select_n3A_249 : vector<16xf32>
    %exp3A_253 = math.exp %select_n3A_249 : vector<16xf32>
    %add3A_254 = arith.addf %add3A_174, %exp3A_253 : vector<16xf32>
    %get3A_255 = arith.constant 5 : i32
    %get3A_256 = arith.index_cast %get3A_255 : i32 to index
    %get3A_257 = arith.constant 16 : index
    %get3A_258 = tpu.vector_load %arg8[%get3A_256, %get3A_257] {strides = array<i32>} : memref<8x128xf32, #tpu.memory_space<vmem>>, vector<16xf32>,
    %select_n3A_259 = arith.select %broadcast_in_dim3A_126, %get3A_258, %broadcast_in_dim3A_128 : vector<16xi1>, vector<16xf32>
    %min3A_260 = arith.minimumf %select_n3A_259, %max3A_182 : vector<16xf32>
    %max3A_261 = arith.maximumf %max3A_181, %min3A_260 : vector<16xf32>
    %max3A_262 = arith.maximumf %max3A_182, %select_n3A_259 : vector<16xf32>
    %exp3A_263 = math.exp %select_n3A_259 : vector<16xf32>
    %add3A_264 = arith.addf %add3A_184, %exp3A_263 : vector<16xf32>
    %get3A_265 = arith.constant 6 : i32
    %get3A_266 = arith.index_cast %get3A_265 : i32 to index
    %get3A_267 = arith.constant 16 : index
    %get3A_268 = tpu.vector_load %arg8[%get3A_266, %get3A_267] {strides = array<i32>} : memref<8x128xf32, #tpu.memory_space<vmem>>, vector<16xf32>,
    %select_n3A_269 = arith.select %broadcast_in_dim3A_126, %get3A_268, %broadcast_in_dim3A_128 : vector<16xi1>, vector<16xf32>
    %min3A_270 = arith.minimumf %select_n3A_269, %max3A_192 : vector<16xf32>
    %max3A_271 = arith.maximumf %max3A_191, %min3A_270 : vector<16xf32>
    %max3A_272 = arith.maximumf %max3A_192, %select_n3A_269 : vector<16xf32>
    %exp3A_273 = math.exp %select_n3A_269 : vector<16xf32>
    %add3A_274 = arith.addf %add3A_194, %exp3A_273 : vector<16xf32>
    %get3A_275 = arith.constant 7 : i32
    %get3A_276 = arith.index_cast %get3A_275 : i32 to index
    %get3A_277 = arith.constant 16 : index
    %get3A_278 = tpu.vector_load %arg8[%get3A_276, %get3A_277] {strides = array<i32>} : memref<8x128xf32, #tpu.memory_space<vmem>>, vector<16xf32>,
    %select_n3A_279 = arith.select %broadcast_in_dim3A_126, %get3A_278, %broadcast_in_dim3A_128 : vector<16xi1>, vector<16xf32>
    %min3A_280 = arith.minimumf %select_n3A_279, %max3A_202 : vector<16xf32>
    %max3A_281 = arith.maximumf %max3A_201, %min3A_280 : vector<16xf32>
    %max3A_282 = arith.maximumf %max3A_202, %select_n3A_279 : vector<16xf32>
    %exp3A_283 = math.exp %select_n3A_279 : vector<16xf32>
    %add3A_284 = arith.addf %add3A_204, %exp3A_283 : vector<16xf32>
    %get3A_285 = arith.constant 0 : i32
    %get3A_286 = arith.index_cast %get3A_285 : i32 to index
    %get3A_287 = arith.constant 32 : index
    %get3A_288 = tpu.vector_load %arg8[%get3A_286, %get3A_287] {strides = array<i32>} : memref<8x128xf32, #tpu.memory_space<vmem>>, vector<16xf32>,
    %select_n3A_289 = arith.select %broadcast_in_dim3A_126, %get3A_288, %broadcast_in_dim3A_128 : vector<16xi1>, vector<16xf32>
    %min3A_290 = arith.minimumf %select_n3A_289, %max3A_212 : vector<16xf32>
    %max3A_291 = arith.maximumf %max3A_211, %min3A_290 : vector<16xf32>
    %max3A_292 = arith.maximumf %max3A_212, %select_n3A_289 : vector<16xf32>
    %exp3A_293 = math.exp %select_n3A_289 : vector<16xf32>
    %add3A_294 = arith.addf %add3A_214, %exp3A_293 : vector<16xf32>
    %get3A_295 = arith.constant 1 : i32
    %get3A_296 = arith.index_cast %get3A_295 : i32 to index
    %get3A_297 = arith.constant 32 : index
    %get3A_298 = tpu.vector_load %arg8[%get3A_296, %get3A_297] {strides = array<i32>} : memref<8x128xf32, #tpu.memory_space<vmem>>, vector<16xf32>,
    %select_n3A_299 = arith.select %broadcast_in_dim3A_126, %get3A_298, %broadcast_in_dim3A_128 : vector<16xi1>, vector<16xf32>
    %min3A_300 = arith.minimumf %select_n3A_299, %max3A_222 : vector<16xf32>
    %max3A_301 = arith.maximumf %max3A_221, %min3A_300 : vector<16xf32>
    %max3A_302 = arith.maximumf %max3A_222, %select_n3A_299 : vector<16xf32>
    %exp3A_303 = math.exp %select_n3A_299 : vector<16xf32>
    %add3A_304 = arith.addf %add3A_224, %exp3A_303 : vector<16xf32>
    %get3A_305 = arith.constant 2 : i32
    %get3A_306 = arith.index_cast %get3A_305 : i32 to index
    %get3A_307 = arith.constant 32 : index
    %get3A_308 = tpu.vector_load %arg8[%get3A_306, %get3A_307] {strides = array<i32>} : memref<8x128xf32, #tpu.memory_space<vmem>>, vector<16xf32>,
    %select_n3A_309 = arith.select %broadcast_in_dim3A_126, %get3A_308, %broadcast_in_dim3A_128 : vector<16xi1>, vector<16xf32>
    %min3A_310 = arith.minimumf %select_n3A_309, %max3A_232 : vector<16xf32>
    %max3A_311 = arith.maximumf %max3A_231, %min3A_310 : vector<16xf32>
    %max3A_312 = arith.maximumf %max3A_232, %select_n3A_309 : vector<16xf32>
    %exp3A_313 = math.exp %select_n3A_309 : vector<16xf32>
    %add3A_314 = arith.addf %add3A_234, %exp3A_313 : vector<16xf32>
    %get3A_315 = arith.constant 3 : i32
    %get3A_316 = arith.index_cast %get3A_315 : i32 to index
    %get3A_317 = arith.constant 32 : index
    %get3A_318 = tpu.vector_load %arg8[%get3A_316, %get3A_317] {strides = array<i32>} : memref<8x128xf32, #tpu.memory_space<vmem>>, vector<16xf32>,
    %select_n3A_319 = arith.select %broadcast_in_dim3A_126, %get3A_318, %broadcast_in_dim3A_128 : vector<16xi1>, vector<16xf32>
    %min3A_320 = arith.minimumf %select_n3A_319, %max3A_242 : vector<16xf32>
    %max3A_321 = arith.maximumf %max3A_241, %min3A_320 : vector<16xf32>
    %max3A_322 = arith.maximumf %max3A_242, %select_n3A_319 : vector<16xf32>
    %exp3A_323 = math.exp %select_n3A_319 : vector<16xf32>
    %add3A_324 = arith.addf %add3A_244, %exp3A_323 : vector<16xf32>
    %get3A_325 = arith.constant 4 : i32
    %get3A_326 = arith.index_cast %get3A_325 : i32 to index
    %get3A_327 = arith.constant 32 : index
    %get3A_328 = tpu.vector_load %arg8[%get3A_326, %get3A_327] {strides = array<i32>} : memref<8x128xf32, #tpu.memory_space<vmem>>, vector<16xf32>,
    %select_n3A_329 = arith.select %broadcast_in_dim3A_126, %get3A_328, %broadcast_in_dim3A_128 : vector<16xi1>, vector<16xf32>
    %min3A_330 = arith.minimumf %select_n3A_329, %max3A_252 : vector<16xf32>
    %max3A_331 = arith.maximumf %max3A_251, %min3A_330 : vector<16xf32>
    %max3A_332 = arith.maximumf %max3A_252, %select_n3A_329 : vector<16xf32>
    %exp3A_333 = math.exp %select_n3A_329 : vector<16xf32>
    %add3A_334 = arith.addf %add3A_254, %exp3A_333 : vector<16xf32>
    %get3A_335 = arith.constant 5 : i32
    %get3A_336 = arith.index_cast %get3A_335 : i32 to index
    %get3A_337 = arith.constant 32 : index
    %get3A_338 = tpu.vector_load %arg8[%get3A_336, %get3A_337] {strides = array<i32>} : memref<8x128xf32, #tpu.memory_space<vmem>>, vector<16xf32>,
    %select_n3A_339 = arith.select %broadcast_in_dim3A_126, %get3A_338, %broadcast_in_dim3A_128 : vector<16xi1>, vector<16xf32>
    %min3A_340 = arith.minimumf %select_n3A_339, %max3A_262 : vector<16xf32>
    %max3A_341 = arith.maximumf %max3A_261, %min3A_340 : vector<16xf32>
    %max3A_342 = arith.maximumf %max3A_262, %select_n3A_339 : vector<16xf32>
    %exp3A_343 = math.exp %select_n3A_339 : vector<16xf32>
    %add3A_344 = arith.addf %add3A_264, %exp3A_343 : vector<16xf32>
    %get3A_345 = arith.constant 6 : i32
    %get3A_346 = arith.index_cast %get3A_345 : i32 to index
    %get3A_347 = arith.constant 32 : index
    %get3A_348 = tpu.vector_load %arg8[%get3A_346, %get3A_347] {strides = array<i32>} : memref<8x128xf32, #tpu.memory_space<vmem>>, vector<16xf32>,
    %select_n3A_349 = arith.select %broadcast_in_dim3A_126, %get3A_348, %broadcast_in_dim3A_128 : vector<16xi1>, vector<16xf32>
    %min3A_350 = arith.minimumf %select_n3A_349, %max3A_272 : vector<16xf32>
    %max3A_351 = arith.maximumf %max3A_271, %min3A_350 : vector<16xf32>
    %max3A_352 = arith.maximumf %max3A_272, %select_n3A_349 : vector<16xf32>
    %exp3A_353 = math.exp %select_n3A_349 : vector<16xf32>
    %add3A_354 = arith.addf %add3A_274, %exp3A_353 : vector<16xf32>
    %get3A_355 = arith.constant 7 : i32
    %get3A_356 = arith.index_cast %get3A_355 : i32 to index
    %get3A_357 = arith.constant 32 : index
    %get3A_358 = tpu.vector_load %arg8[%get3A_356, %get3A_357] {strides = array<i32>} : memref<8x128xf32, #tpu.memory_space<vmem>>, vector<16xf32>,
    %select_n3A_359 = arith.select %broadcast_in_dim3A_126, %get3A_358, %broadcast_in_dim3A_128 : vector<16xi1>, vector<16xf32>
    %min3A_360 = arith.minimumf %select_n3A_359, %max3A_282 : vector<16xf32>
    %max3A_361 = arith.maximumf %max3A_281, %min3A_360 : vector<16xf32>
    %max3A_362 = arith.maximumf %max3A_282, %select_n3A_359 : vector<16xf32>
    %exp3A_363 = math.exp %select_n3A_359 : vector<16xf32>
    %add3A_364 = arith.addf %add3A_284, %exp3A_363 : vector<16xf32>
    %get3A_365 = arith.constant 0 : i32
    %get3A_366 = arith.index_cast %get3A_365 : i32 to index
    %get3A_367 = arith.constant 48 : index
    %get3A_368 = tpu.vector_load %arg8[%get3A_366, %get3A_367] {strides = array<i32>} : memref<8x128xf32, #tpu.memory_space<vmem>>, vector<16xf32>,
    %select_n3A_369 = arith.select %broadcast_in_dim3A_126, %get3A_368, %broadcast_in_dim3A_128 : vector<16xi1>, vector<16xf32>
    %min3A_370 = arith.minimumf %select_n3A_369, %max3A_292 : vector<16xf32>
    %max3A_371 = arith.maximumf %max3A_291, %min3A_370 : vector<16xf32>
    %max3A_372 = arith.maximumf %max3A_292, %select_n3A_369 : vector<16xf32>
    %exp3A_373 = math.exp %select_n3A_369 : vector<16xf32>
    %add3A_374 = arith.addf %add3A_294, %exp3A_373 : vector<16xf32>
    %get3A_375 = arith.constant 1 : i32
    %get3A_376 = arith.index_cast %get3A_375 : i32 to index
    %get3A_377 = arith.constant 48 : index
    %get3A_378 = tpu.vector_load %arg8[%get3A_376, %get3A_377] {strides = array<i32>} : memref<8x128xf32, #tpu.memory_space<vmem>>, vector<16xf32>,
    %select_n3A_379 = arith.select %broadcast_in_dim3A_126, %get3A_378, %broadcast_in_dim3A_128 : vector<16xi1>, vector<16xf32>
    %min3A_380 = arith.minimumf %select_n3A_379, %max3A_302 : vector<16xf32>
    %max3A_381 = arith.maximumf %max3A_301, %min3A_380 : vector<16xf32>
    %max3A_382 = arith.maximumf %max3A_302, %select_n3A_379 : vector<16xf32>
    %exp3A_383 = math.exp %select_n3A_379 : vector<16xf32>
    %add3A_384 = arith.addf %add3A_304, %exp3A_383 : vector<16xf32>
    %get3A_385 = arith.constant 2 : i32
    %get3A_386 = arith.index_cast %get3A_385 : i32 to index
    %get3A_387 = arith.constant 48 : index
    %get3A_388 = tpu.vector_load %arg8[%get3A_386, %get3A_387] {strides = array<i32>} : memref<8x128xf32, #tpu.memory_space<vmem>>, vector<16xf32>,
    %select_n3A_389 = arith.select %broadcast_in_dim3A_126, %get3A_388, %broadcast_in_dim3A_128 : vector<16xi1>, vector<16xf32>
    %min3A_390 = arith.minimumf %select_n3A_389, %max3A_312 : vector<16xf32>
    %max3A_391 = arith.maximumf %max3A_311, %min3A_390 : vector<16xf32>
    %max3A_392 = arith.maximumf %max3A_312, %select_n3A_389 : vector<16xf32>
    %exp3A_393 = math.exp %select_n3A_389 : vector<16xf32>
    %add3A_394 = arith.addf %add3A_314, %exp3A_393 : vector<16xf32>
    %get3A_395 = arith.constant 3 : i32
    %get3A_396 = arith.index_cast %get3A_395 : i32 to index
    %get3A_397 = arith.constant 48 : index
    %get3A_398 = tpu.vector_load %arg8[%get3A_396, %get3A_397] {strides = array<i32>} : memref<8x128xf32, #tpu.memory_space<vmem>>, vector<16xf32>,
    %select_n3A_399 = arith.select %broadcast_in_dim3A_126, %get3A_398, %broadcast_in_dim3A_128 : vector<16xi1>, vector<16xf32>
    %min3A_400 = arith.minimumf %select_n3A_399, %max3A_322 : vector<16xf32>
    %max3A_401 = arith.maximumf %max3A_321, %min3A_400 : vector<16xf32>
    %max3A_402 = arith.maximumf %max3A_322, %select_n3A_399 : vector<16xf32>
    %exp3A_403 = math.exp %select_n3A_399 : vector<16xf32>
    %add3A_404 = arith.addf %add3A_324, %exp3A_403 : vector<16xf32>
    %get3A_405 = arith.constant 4 : i32
    %get3A_406 = arith.index_cast %get3A_405 : i32 to index
    %get3A_407 = arith.constant 48 : index
    %get3A_408 = tpu.vector_load %arg8[%get3A_406, %get3A_407] {strides = array<i32>} : memref<8x128xf32, #tpu.memory_space<vmem>>, vector<16xf32>,
    %select_n3A_409 = arith.select %broadcast_in_dim3A_126, %get3A_408, %broadcast_in_dim3A_128 : vector<16xi1>, vector<16xf32>
    %min3A_410 = arith.minimumf %select_n3A_409, %max3A_332 : vector<16xf32>
    %max3A_411 = arith.maximumf %max3A_331, %min3A_410 : vector<16xf32>
    %max3A_412 = arith.maximumf %max3A_332, %select_n3A_409 : vector<16xf32>
    %exp3A_413 = math.exp %select_n3A_409 : vector<16xf32>
    %add3A_414 = arith.addf %add3A_334, %exp3A_413 : vector<16xf32>
    %get3A_415 = arith.constant 5 : i32
    %get3A_416 = arith.index_cast %get3A_415 : i32 to index
    %get3A_417 = arith.constant 48 : index
    %get3A_418 = tpu.vector_load %arg8[%get3A_416, %get3A_417] {strides = array<i32>} : memref<8x128xf32, #tpu.memory_space<vmem>>, vector<16xf32>,
    %select_n3A_419 = arith.select %broadcast_in_dim3A_126, %get3A_418, %broadcast_in_dim3A_128 : vector<16xi1>, vector<16xf32>
    %min3A_420 = arith.minimumf %select_n3A_419, %max3A_342 : vector<16xf32>
    %max3A_421 = arith.maximumf %max3A_341, %min3A_420 : vector<16xf32>
    %max3A_422 = arith.maximumf %max3A_342, %select_n3A_419 : vector<16xf32>
    %exp3A_423 = math.exp %select_n3A_419 : vector<16xf32>
    %add3A_424 = arith.addf %add3A_344, %exp3A_423 : vector<16xf32>
    %get3A_425 = arith.constant 6 : i32
    %get3A_426 = arith.index_cast %get3A_425 : i32 to index
    %get3A_427 = arith.constant 48 : index
    %get3A_428 = tpu.vector_load %arg8[%get3A_426, %get3A_427] {strides = array<i32>} : memref<8x128xf32, #tpu.memory_space<vmem>>, vector<16xf32>,
    %select_n3A_429 = arith.select %broadcast_in_dim3A_126, %get3A_428, %broadcast_in_dim3A_128 : vector<16xi1>, vector<16xf32>
    %min3A_430 = arith.minimumf %select_n3A_429, %max3A_352 : vector<16xf32>
    %max3A_431 = arith.maximumf %max3A_351, %min3A_430 : vector<16xf32>
    %max3A_432 = arith.maximumf %max3A_352, %select_n3A_429 : vector<16xf32>
    %exp3A_433 = math.exp %select_n3A_429 : vector<16xf32>
    %add3A_434 = arith.addf %add3A_354, %exp3A_433 : vector<16xf32>
    %get3A_435 = arith.constant 7 : i32
    %get3A_436 = arith.index_cast %get3A_435 : i32 to index
    %get3A_437 = arith.constant 48 : index
    %get3A_438 = tpu.vector_load %arg8[%get3A_436, %get3A_437] {strides = array<i32>} : memref<8x128xf32, #tpu.memory_space<vmem>>, vector<16xf32>,
    %select_n3A_439 = arith.select %broadcast_in_dim3A_126, %get3A_438, %broadcast_in_dim3A_128 : vector<16xi1>, vector<16xf32>
    %min3A_440 = arith.minimumf %select_n3A_439, %max3A_362 : vector<16xf32>
    %max3A_441 = arith.maximumf %max3A_361, %min3A_440 : vector<16xf32>
    %max3A_442 = arith.maximumf %max3A_362, %select_n3A_439 : vector<16xf32>
    %exp3A_443 = math.exp %select_n3A_439 : vector<16xf32>
    %add3A_444 = arith.addf %add3A_364, %exp3A_443 : vector<16xf32>
    %get3A_445 = arith.constant 0 : i32
    %get3A_446 = arith.index_cast %get3A_445 : i32 to index
    %get3A_447 = arith.constant 64 : index
    %get3A_448 = tpu.vector_load %arg8[%get3A_446, %get3A_447] {strides = array<i32>} : memref<8x128xf32, #tpu.memory_space<vmem>>, vector<16xf32>,
    %select_n3A_449 = arith.select %broadcast_in_dim3A_126, %get3A_448, %broadcast_in_dim3A_128 : vector<16xi1>, vector<16xf32>
    %min3A_450 = arith.minimumf %select_n3A_449, %max3A_372 : vector<16xf32>
    %max3A_451 = arith.maximumf %max3A_371, %min3A_450 : vector<16xf32>
    %max3A_452 = arith.maximumf %max3A_372, %select_n3A_449 : vector<16xf32>
    %exp3A_453 = math.exp %select_n3A_449 : vector<16xf32>
    %add3A_454 = arith.addf %add3A_374, %exp3A_453 : vector<16xf32>
    %get3A_455 = arith.constant 1 : i32
    %get3A_456 = arith.index_cast %get3A_455 : i32 to index
    %get3A_457 = arith.constant 64 : index
    %get3A_458 = tpu.vector_load %arg8[%get3A_456, %get3A_457] {strides = array<i32>} : memref<8x128xf32, #tpu.memory_space<vmem>>, vector<16xf32>,
    %select_n3A_459 = arith.select %broadcast_in_dim3A_126, %get3A_458, %broadcast_in_dim3A_128 : vector<16xi1>, vector<16xf32>
    %min3A_460 = arith.minimumf %select_n3A_459, %max3A_382 : vector<16xf32>
    %max3A_461 = arith.maximumf %max3A_381, %min3A_460 : vector<16xf32>
    %max3A_462 = arith.maximumf %max3A_382, %select_n3A_459 : vector<16xf32>
    %exp3A_463 = math.exp %select_n3A_459 : vector<16xf32>
    %add3A_464 = arith.addf %add3A_384, %exp3A_463 : vector<16xf32>
    %get3A_465 = arith.constant 2 : i32
    %get3A_466 = arith.index_cast %get3A_465 : i32 to index
    %get3A_467 = arith.constant 64 : index
    %get3A_468 = tpu.vector_load %arg8[%get3A_466, %get3A_467] {strides = array<i32>} : memref<8x128xf32, #tpu.memory_space<vmem>>, vector<16xf32>,
    %select_n3A_469 = arith.select %broadcast_in_dim3A_126, %get3A_468, %broadcast_in_dim3A_128 : vector<16xi1>, vector<16xf32>
    %min3A_470 = arith.minimumf %select_n3A_469, %max3A_392 : vector<16xf32>
    %max3A_471 = arith.maximumf %max3A_391, %min3A_470 : vector<16xf32>
    %max3A_472 = arith.maximumf %max3A_392, %select_n3A_469 : vector<16xf32>
    %exp3A_473 = math.exp %select_n3A_469 : vector<16xf32>
    %add3A_474 = arith.addf %add3A_394, %exp3A_473 : vector<16xf32>
    %get3A_475 = arith.constant 3 : i32
    %get3A_476 = arith.index_cast %get3A_475 : i32 to index
    %get3A_477 = arith.constant 64 : index
    %get3A_478 = tpu.vector_load %arg8[%get3A_476, %get3A_477] {strides = array<i32>} : memref<8x128xf32, #tpu.memory_space<vmem>>, vector<16xf32>,
    %select_n3A_479 = arith.select %broadcast_in_dim3A_126, %get3A_478, %broadcast_in_dim3A_128 : vector<16xi1>, vector<16xf32>
    %min3A_480 = arith.minimumf %select_n3A_479, %max3A_402 : vector<16xf32>
    %max3A_481 = arith.maximumf %max3A_401, %min3A_480 : vector<16xf32>
    %max3A_482 = arith.maximumf %max3A_402, %select_n3A_479 : vector<16xf32>
    %exp3A_483 = math.exp %select_n3A_479 : vector<16xf32>
    %add3A_484 = arith.addf %add3A_404, %exp3A_483 : vector<16xf32>
    %get3A_485 = arith.constant 4 : i32
    %get3A_486 = arith.index_cast %get3A_485 : i32 to index
    %get3A_487 = arith.constant 64 : index
    %get3A_488 = tpu.vector_load %arg8[%get3A_486, %get3A_487] {strides = array<i32>} : memref<8x128xf32, #tpu.memory_space<vmem>>, vector<16xf32>,
    %select_n3A_489 = arith.select %broadcast_in_dim3A_126, %get3A_488, %broadcast_in_dim3A_128 : vector<16xi1>, vector<16xf32>
    %min3A_490 = arith.minimumf %select_n3A_489, %max3A_412 : vector<16xf32>
    %max3A_491 = arith.maximumf %max3A_411, %min3A_490 : vector<16xf32>
    %max3A_492 = arith.maximumf %max3A_412, %select_n3A_489 : vector<16xf32>
    %exp3A_493 = math.exp %select_n3A_489 : vector<16xf32>
    %add3A_494 = arith.addf %add3A_414, %exp3A_493 : vector<16xf32>
    %get3A_495 = arith.constant 5 : i32
    %get3A_496 = arith.index_cast %get3A_495 : i32 to index
    %get3A_497 = arith.constant 64 : index
    %get3A_498 = tpu.vector_load %arg8[%get3A_496, %get3A_497] {strides = array<i32>} : memref<8x128xf32, #tpu.memory_space<vmem>>, vector<16xf32>,
    %select_n3A_499 = arith.select %broadcast_in_dim3A_126, %get3A_498, %broadcast_in_dim3A_128 : vector<16xi1>, vector<16xf32>
    %min3A_500 = arith.minimumf %select_n3A_499, %max3A_422 : vector<16xf32>
    %max3A_501 = arith.maximumf %max3A_421, %min3A_500 : vector<16xf32>
    %max3A_502 = arith.maximumf %max3A_422, %select_n3A_499 : vector<16xf32>
    %exp3A_503 = math.exp %select_n3A_499 : vector<16xf32>
    %add3A_504 = arith.addf %add3A_424, %exp3A_503 : vector<16xf32>
    %get3A_505 = arith.constant 6 : i32
    %get3A_506 = arith.index_cast %get3A_505 : i32 to index
    %get3A_507 = arith.constant 64 : index
    %get3A_508 = tpu.vector_load %arg8[%get3A_506, %get3A_507] {strides = array<i32>} : memref<8x128xf32, #tpu.memory_space<vmem>>, vector<16xf32>,
    %select_n3A_509 = arith.select %broadcast_in_dim3A_126, %get3A_508, %broadcast_in_dim3A_128 : vector<16xi1>, vector<16xf32>
    %min3A_510 = arith.minimumf %select_n3A_509, %max3A_432 : vector<16xf32>
    %max3A_511 = arith.maximumf %max3A_431, %min3A_510 : vector<16xf32>
    %max3A_512 = arith.maximumf %max3A_432, %select_n3A_509 : vector<16xf32>
    %exp3A_513 = math.exp %select_n3A_509 : vector<16xf32>
    %add3A_514 = arith.addf %add3A_434, %exp3A_513 : vector<16xf32>
    %get3A_515 = arith.constant 7 : i32
    %get3A_516 = arith.index_cast %get3A_515 : i32 to index
    %get3A_517 = arith.constant 64 : index
    %get3A_518 = tpu.vector_load %arg8[%get3A_516, %get3A_517] {strides = array<i32>} : memref<8x128xf32, #tpu.memory_space<vmem>>, vector<16xf32>,
    %select_n3A_519 = arith.select %broadcast_in_dim3A_126, %get3A_518, %broadcast_in_dim3A_128 : vector<16xi1>, vector<16xf32>
    %min3A_520 = arith.minimumf %select_n3A_519, %max3A_442 : vector<16xf32>
    %max3A_521 = arith.maximumf %max3A_441, %min3A_520 : vector<16xf32>
    %max3A_522 = arith.maximumf %max3A_442, %select_n3A_519 : vector<16xf32>
    %exp3A_523 = math.exp %select_n3A_519 : vector<16xf32>
    %add3A_524 = arith.addf %add3A_444, %exp3A_523 : vector<16xf32>
    %get3A_525 = arith.constant 0 : i32
    %get3A_526 = arith.index_cast %get3A_525 : i32 to index
    %get3A_527 = arith.constant 80 : index
    %get3A_528 = tpu.vector_load %arg8[%get3A_526, %get3A_527] {strides = array<i32>} : memref<8x128xf32, #tpu.memory_space<vmem>>, vector<16xf32>,
    %select_n3A_529 = arith.select %broadcast_in_dim3A_126, %get3A_528, %broadcast_in_dim3A_128 : vector<16xi1>, vector<16xf32>
    %min3A_530 = arith.minimumf %select_n3A_529, %max3A_452 : vector<16xf32>
    %max3A_531 = arith.maximumf %max3A_451, %min3A_530 : vector<16xf32>
    %max3A_532 = arith.maximumf %max3A_452, %select_n3A_529 : vector<16xf32>
    %exp3A_533 = math.exp %select_n3A_529 : vector<16xf32>
    %add3A_534 = arith.addf %add3A_454, %exp3A_533 : vector<16xf32>
    %get3A_535 = arith.constant 1 : i32
    %get3A_536 = arith.index_cast %get3A_535 : i32 to index
    %get3A_537 = arith.constant 80 : index
    %get3A_538 = tpu.vector_load %arg8[%get3A_536, %get3A_537] {strides = array<i32>} : memref<8x128xf32, #tpu.memory_space<vmem>>, vector<16xf32>,
    %select_n3A_539 = arith.select %broadcast_in_dim3A_126, %get3A_538, %broadcast_in_dim3A_128 : vector<16xi1>, vector<16xf32>
    %min3A_540 = arith.minimumf %select_n3A_539, %max3A_462 : vector<16xf32>
    %max3A_541 = arith.maximumf %max3A_461, %min3A_540 : vector<16xf32>
    %max3A_542 = arith.maximumf %max3A_462, %select_n3A_539 : vector<16xf32>
    %exp3A_543 = math.exp %select_n3A_539 : vector<16xf32>
    %add3A_544 = arith.addf %add3A_464, %exp3A_543 : vector<16xf32>
    %get3A_545 = arith.constant 2 : i32
    %get3A_546 = arith.index_cast %get3A_545 : i32 to index
    %get3A_547 = arith.constant 80 : index
    %get3A_548 = tpu.vector_load %arg8[%get3A_546, %get3A_547] {strides = array<i32>} : memref<8x128xf32, #tpu.memory_space<vmem>>, vector<16xf32>,
    %select_n3A_549 = arith.select %broadcast_in_dim3A_126, %get3A_548, %broadcast_in_dim3A_128 : vector<16xi1>, vector<16xf32>
    %min3A_550 = arith.minimumf %select_n3A_549, %max3A_472 : vector<16xf32>
    %max3A_551 = arith.maximumf %max3A_471, %min3A_550 : vector<16xf32>
    %max3A_552 = arith.maximumf %max3A_472, %select_n3A_549 : vector<16xf32>
    %exp3A_553 = math.exp %select_n3A_549 : vector<16xf32>
    %add3A_554 = arith.addf %add3A_474, %exp3A_553 : vector<16xf32>
    %get3A_555 = arith.constant 3 : i32
    %get3A_556 = arith.index_cast %get3A_555 : i32 to index
    %get3A_557 = arith.constant 80 : index
    %get3A_558 = tpu.vector_load %arg8[%get3A_556, %get3A_557] {strides = array<i32>} : memref<8x128xf32, #tpu.memory_space<vmem>>, vector<16xf32>,
    %select_n3A_559 = arith.select %broadcast_in_dim3A_126, %get3A_558, %broadcast_in_dim3A_128 : vector<16xi1>, vector<16xf32>
    %min3A_560 = arith.minimumf %select_n3A_559, %max3A_482 : vector<16xf32>
    %max3A_561 = arith.maximumf %max3A_481, %min3A_560 : vector<16xf32>
    %max3A_562 = arith.maximumf %max3A_482, %select_n3A_559 : vector<16xf32>
    %exp3A_563 = math.exp %select_n3A_559 : vector<16xf32>
    %add3A_564 = arith.addf %add3A_484, %exp3A_563 : vector<16xf32>
    %get3A_565 = arith.constant 4 : i32
    %get3A_566 = arith.index_cast %get3A_565 : i32 to index
    %get3A_567 = arith.constant 80 : index
    %get3A_568 = tpu.vector_load %arg8[%get3A_566, %get3A_567] {strides = array<i32>} : memref<8x128xf32, #tpu.memory_space<vmem>>, vector<16xf32>,
    %select_n3A_569 = arith.select %broadcast_in_dim3A_126, %get3A_568, %broadcast_in_dim3A_128 : vector<16xi1>, vector<16xf32>
    %min3A_570 = arith.minimumf %select_n3A_569, %max3A_492 : vector<16xf32>
    %max3A_571 = arith.maximumf %max3A_491, %min3A_570 : vector<16xf32>
    %max3A_572 = arith.maximumf %max3A_492, %select_n3A_569 : vector<16xf32>
    %exp3A_573 = math.exp %select_n3A_569 : vector<16xf32>
    %add3A_574 = arith.addf %add3A_494, %exp3A_573 : vector<16xf32>
    %get3A_575 = arith.constant 5 : i32
    %get3A_576 = arith.index_cast %get3A_575 : i32 to index
    %get3A_577 = arith.constant 80 : index
    %get3A_578 = tpu.vector_load %arg8[%get3A_576, %get3A_577] {strides = array<i32>} : memref<8x128xf32, #tpu.memory_space<vmem>>, vector<16xf32>,
    %select_n3A_579 = arith.select %broadcast_in_dim3A_126, %get3A_578, %broadcast_in_dim3A_128 : vector<16xi1>, vector<16xf32>
    %min3A_580 = arith.minimumf %select_n3A_579, %max3A_502 : vector<16xf32>
    %max3A_581 = arith.maximumf %max3A_501, %min3A_580 : vector<16xf32>
    %max3A_582 = arith.maximumf %max3A_502, %select_n3A_579 : vector<16xf32>
    %exp3A_583 = math.exp %select_n3A_579 : vector<16xf32>
    %add3A_584 = arith.addf %add3A_504, %exp3A_583 : vector<16xf32>
    %get3A_585 = arith.constant 6 : i32
    %get3A_586 = arith.index_cast %get3A_585 : i32 to index
    %get3A_587 = arith.constant 80 : index
    %get3A_588 = tpu.vector_load %arg8[%get3A_586, %get3A_587] {strides = array<i32>} : memref<8x128xf32, #tpu.memory_space<vmem>>, vector<16xf32>,
    %select_n3A_589 = arith.select %broadcast_in_dim3A_126, %get3A_588, %broadcast_in_dim3A_128 : vector<16xi1>, vector<16xf32>
    %min3A_590 = arith.minimumf %select_n3A_589, %max3A_512 : vector<16xf32>
    %max3A_591 = arith.maximumf %max3A_511, %min3A_590 : vector<16xf32>
    %max3A_592 = arith.maximumf %max3A_512, %select_n3A_589 : vector<16xf32>
    %exp3A_593 = math.exp %select_n3A_589 : vector<16xf32>
    %add3A_594 = arith.addf %add3A_514, %exp3A_593 : vector<16xf32>
    %get3A_595 = arith.constant 7 : i32
    %get3A_596 = arith.index_cast %get3A_595 : i32 to index
    %get3A_597 = arith.constant 80 : index
    %get3A_598 = tpu.vector_load %arg8[%get3A_596, %get3A_597] {strides = array<i32>} : memref<8x128xf32, #tpu.memory_space<vmem>>, vector<16xf32>,
    %select_n3A_599 = arith.select %broadcast_in_dim3A_126, %get3A_598, %broadcast_in_dim3A_128 : vector<16xi1>, vector<16xf32>
    %min3A_600 = arith.minimumf %select_n3A_599, %max3A_522 : vector<16xf32>
    %max3A_601 = arith.maximumf %max3A_521, %min3A_600 : vector<16xf32>
    %max3A_602 = arith.maximumf %max3A_522, %select_n3A_599 : vector<16xf32>
    %exp3A_603 = math.exp %select_n3A_599 : vector<16xf32>
    %add3A_604 = arith.addf %add3A_524, %exp3A_603 : vector<16xf32>
    %get3A_605 = arith.constant 0 : i32
    %get3A_606 = arith.index_cast %get3A_605 : i32 to index
    %get3A_607 = arith.constant 96 : index
    %get3A_608 = tpu.vector_load %arg8[%get3A_606, %get3A_607] {strides = array<i32>} : memref<8x128xf32, #tpu.memory_space<vmem>>, vector<16xf32>,
    %select_n3A_609 = arith.select %broadcast_in_dim3A_126, %get3A_608, %broadcast_in_dim3A_128 : vector<16xi1>, vector<16xf32>
    %min3A_610 = arith.minimumf %select_n3A_609, %max3A_532 : vector<16xf32>
    %max3A_611 = arith.maximumf %max3A_531, %min3A_610 : vector<16xf32>
    %max3A_612 = arith.maximumf %max3A_532, %select_n3A_609 : vector<16xf32>
    %exp3A_613 = math.exp %select_n3A_609 : vector<16xf32>
    %add3A_614 = arith.addf %add3A_534, %exp3A_613 : vector<16xf32>
    %get3A_615 = arith.constant 1 : i32
    %get3A_616 = arith.index_cast %get3A_615 : i32 to index
    %get3A_617 = arith.constant 96 : index
    %get3A_618 = tpu.vector_load %arg8[%get3A_616, %get3A_617] {strides = array<i32>} : memref<8x128xf32, #tpu.memory_space<vmem>>, vector<16xf32>,
    %select_n3A_619 = arith.select %broadcast_in_dim3A_126, %get3A_618, %broadcast_in_dim3A_128 : vector<16xi1>, vector<16xf32>
    %min3A_620 = arith.minimumf %select_n3A_619, %max3A_542 : vector<16xf32>
    %max3A_621 = arith.maximumf %max3A_541, %min3A_620 : vector<16xf32>
    %max3A_622 = arith.maximumf %max3A_542, %select_n3A_619 : vector<16xf32>
    %exp3A_623 = math.exp %select_n3A_619 : vector<16xf32>
    %add3A_624 = arith.addf %add3A_544, %exp3A_623 : vector<16xf32>
    %get3A_625 = arith.constant 2 : i32
    %get3A_626 = arith.index_cast %get3A_625 : i32 to index
    %get3A_627 = arith.constant 96 : index
    %get3A_628 = tpu.vector_load %arg8[%get3A_626, %get3A_627] {strides = array<i32>} : memref<8x128xf32, #tpu.memory_space<vmem>>, vector<16xf32>,
    %select_n3A_629 = arith.select %broadcast_in_dim3A_126, %get3A_628, %broadcast_in_dim3A_128 : vector<16xi1>, vector<16xf32>
    %min3A_630 = arith.minimumf %select_n3A_629, %max3A_552 : vector<16xf32>
    %max3A_631 = arith.maximumf %max3A_551, %min3A_630 : vector<16xf32>
    %max3A_632 = arith.maximumf %max3A_552, %select_n3A_629 : vector<16xf32>
    %exp3A_633 = math.exp %select_n3A_629 : vector<16xf32>
    %add3A_634 = arith.addf %add3A_554, %exp3A_633 : vector<16xf32>
    %get3A_635 = arith.constant 3 : i32
    %get3A_636 = arith.index_cast %get3A_635 : i32 to index
    %get3A_637 = arith.constant 96 : index
    %get3A_638 = tpu.vector_load %arg8[%get3A_636, %get3A_637] {strides = array<i32>} : memref<8x128xf32, #tpu.memory_space<vmem>>, vector<16xf32>,
    %select_n3A_639 = arith.select %broadcast_in_dim3A_126, %get3A_638, %broadcast_in_dim3A_128 : vector<16xi1>, vector<16xf32>
    %min3A_640 = arith.minimumf %select_n3A_639, %max3A_562 : vector<16xf32>
    %max3A_641 = arith.maximumf %max3A_561, %min3A_640 : vector<16xf32>
    %max3A_642 = arith.maximumf %max3A_562, %select_n3A_639 : vector<16xf32>
    %exp3A_643 = math.exp %select_n3A_639 : vector<16xf32>
    %add3A_644 = arith.addf %add3A_564, %exp3A_643 : vector<16xf32>
    %get3A_645 = arith.constant 4 : i32
    %get3A_646 = arith.index_cast %get3A_645 : i32 to index
    %get3A_647 = arith.constant 96 : index
    %get3A_648 = tpu.vector_load %arg8[%get3A_646, %get3A_647] {strides = array<i32>} : memref<8x128xf32, #tpu.memory_space<vmem>>, vector<16xf32>,
    %select_n3A_649 = arith.select %broadcast_in_dim3A_126, %get3A_648, %broadcast_in_dim3A_128 : vector<16xi1>, vector<16xf32>
    %min3A_650 = arith.minimumf %select_n3A_649, %max3A_572 : vector<16xf32>
    %max3A_651 = arith.maximumf %max3A_571, %min3A_650 : vector<16xf32>
    %max3A_652 = arith.maximumf %max3A_572, %select_n3A_649 : vector<16xf32>
    %exp3A_653 = math.exp %select_n3A_649 : vector<16xf32>
    %add3A_654 = arith.addf %add3A_574, %exp3A_653 : vector<16xf32>
    %get3A_655 = arith.constant 5 : i32
    %get3A_656 = arith.index_cast %get3A_655 : i32 to index
    %get3A_657 = arith.constant 96 : index
    %get3A_658 = tpu.vector_load %arg8[%get3A_656, %get3A_657] {strides = array<i32>} : memref<8x128xf32, #tpu.memory_space<vmem>>, vector<16xf32>,
    %select_n3A_659 = arith.select %broadcast_in_dim3A_126, %get3A_658, %broadcast_in_dim3A_128 : vector<16xi1>, vector<16xf32>
    %min3A_660 = arith.minimumf %select_n3A_659, %max3A_582 : vector<16xf32>
    %max3A_661 = arith.maximumf %max3A_581, %min3A_660 : vector<16xf32>
    %max3A_662 = arith.maximumf %max3A_582, %select_n3A_659 : vector<16xf32>
    %exp3A_663 = math.exp %select_n3A_659 : vector<16xf32>
    %add3A_664 = arith.addf %add3A_584, %exp3A_663 : vector<16xf32>
    %get3A_665 = arith.constant 6 : i32
    %get3A_666 = arith.index_cast %get3A_665 : i32 to index
    %get3A_667 = arith.constant 96 : index
    %get3A_668 = tpu.vector_load %arg8[%get3A_666, %get3A_667] {strides = array<i32>} : memref<8x128xf32, #tpu.memory_space<vmem>>, vector<16xf32>,
    %select_n3A_669 = arith.select %broadcast_in_dim3A_126, %get3A_668, %broadcast_in_dim3A_128 : vector<16xi1>, vector<16xf32>
    %min3A_670 = arith.minimumf %select_n3A_669, %max3A_592 : vector<16xf32>
    %max3A_671 = arith.maximumf %max3A_591, %min3A_670 : vector<16xf32>
    %max3A_672 = arith.maximumf %max3A_592, %select_n3A_669 : vector<16xf32>
    %exp3A_673 = math.exp %select_n3A_669 : vector<16xf32>
    %add3A_674 = arith.addf %add3A_594, %exp3A_673 : vector<16xf32>
    %get3A_675 = arith.constant 7 : i32
    %get3A_676 = arith.index_cast %get3A_675 : i32 to index
    %get3A_677 = arith.constant 96 : index
    %get3A_678 = tpu.vector_load %arg8[%get3A_676, %get3A_677] {strides = array<i32>} : memref<8x128xf32, #tpu.memory_space<vmem>>, vector<16xf32>,
    %select_n3A_679 = arith.select %broadcast_in_dim3A_126, %get3A_678, %broadcast_in_dim3A_128 : vector<16xi1>, vector<16xf32>
    %min3A_680 = arith.minimumf %select_n3A_679, %max3A_602 : vector<16xf32>
    %max3A_681 = arith.maximumf %max3A_601, %min3A_680 : vector<16xf32>
    %max3A_682 = arith.maximumf %max3A_602, %select_n3A_679 : vector<16xf32>
    %exp3A_683 = math.exp %select_n3A_679 : vector<16xf32>
    %add3A_684 = arith.addf %add3A_604, %exp3A_683 : vector<16xf32>
    %get3A_685 = arith.constant 0 : i32
    %get3A_686 = arith.index_cast %get3A_685 : i32 to index
    %get3A_687 = arith.constant 112 : index
    %get3A_688 = tpu.vector_load %arg8[%get3A_686, %get3A_687] {strides = array<i32>} : memref<8x128xf32, #tpu.memory_space<vmem>>, vector<16xf32>,
    %select_n3A_689 = arith.select %broadcast_in_dim3A_126, %get3A_688, %broadcast_in_dim3A_128 : vector<16xi1>, vector<16xf32>
    %min3A_690 = arith.minimumf %select_n3A_689, %max3A_612 : vector<16xf32>
    %max3A_691 = arith.maximumf %max3A_611, %min3A_690 : vector<16xf32>
    %max3A_692 = arith.maximumf %max3A_612, %select_n3A_689 : vector<16xf32>
    %exp3A_693 = math.exp %select_n3A_689 : vector<16xf32>
    %add3A_694 = arith.addf %add3A_614, %exp3A_693 : vector<16xf32>
    %get3A_695 = arith.constant 1 : i32
    %get3A_696 = arith.index_cast %get3A_695 : i32 to index
    %get3A_697 = arith.constant 112 : index
    %get3A_698 = tpu.vector_load %arg8[%get3A_696, %get3A_697] {strides = array<i32>} : memref<8x128xf32, #tpu.memory_space<vmem>>, vector<16xf32>,
    %select_n3A_699 = arith.select %broadcast_in_dim3A_126, %get3A_698, %broadcast_in_dim3A_128 : vector<16xi1>, vector<16xf32>
    %min3A_700 = arith.minimumf %select_n3A_699, %max3A_622 : vector<16xf32>
    %max3A_701 = arith.maximumf %max3A_621, %min3A_700 : vector<16xf32>
    %max3A_702 = arith.maximumf %max3A_622, %select_n3A_699 : vector<16xf32>
    %exp3A_703 = math.exp %select_n3A_699 : vector<16xf32>
    %add3A_704 = arith.addf %add3A_624, %exp3A_703 : vector<16xf32>
    %get3A_705 = arith.constant 2 : i32
    %get3A_706 = arith.index_cast %get3A_705 : i32 to index
    %get3A_707 = arith.constant 112 : index
    %get3A_708 = tpu.vector_load %arg8[%get3A_706, %get3A_707] {strides = array<i32>} : memref<8x128xf32, #tpu.memory_space<vmem>>, vector<16xf32>,
    %select_n3A_709 = arith.select %broadcast_in_dim3A_126, %get3A_708, %broadcast_in_dim3A_128 : vector<16xi1>, vector<16xf32>
    %min3A_710 = arith.minimumf %select_n3A_709, %max3A_632 : vector<16xf32>
    %max3A_711 = arith.maximumf %max3A_631, %min3A_710 : vector<16xf32>
    %max3A_712 = arith.maximumf %max3A_632, %select_n3A_709 : vector<16xf32>
    %exp3A_713 = math.exp %select_n3A_709 : vector<16xf32>
    %add3A_714 = arith.addf %add3A_634, %exp3A_713 : vector<16xf32>
    %get3A_715 = arith.constant 3 : i32
    %get3A_716 = arith.index_cast %get3A_715 : i32 to index
    %get3A_717 = arith.constant 112 : index
    %get3A_718 = tpu.vector_load %arg8[%get3A_716, %get3A_717] {strides = array<i32>} : memref<8x128xf32, #tpu.memory_space<vmem>>, vector<16xf32>,
    %select_n3A_719 = arith.select %broadcast_in_dim3A_126, %get3A_718, %broadcast_in_dim3A_128 : vector<16xi1>, vector<16xf32>
    %min3A_720 = arith.minimumf %select_n3A_719, %max3A_642 : vector<16xf32>
    %max3A_721 = arith.maximumf %max3A_641, %min3A_720 : vector<16xf32>
    %max3A_722 = arith.maximumf %max3A_642, %select_n3A_719 : vector<16xf32>
    %exp3A_723 = math.exp %select_n3A_719 : vector<16xf32>
    %add3A_724 = arith.addf %add3A_644, %exp3A_723 : vector<16xf32>
    %get3A_725 = arith.constant 4 : i32
    %get3A_726 = arith.index_cast %get3A_725 : i32 to index
    %get3A_727 = arith.constant 112 : index
    %get3A_728 = tpu.vector_load %arg8[%get3A_726, %get3A_727] {strides = array<i32>} : memref<8x128xf32, #tpu.memory_space<vmem>>, vector<16xf32>,
    %select_n3A_729 = arith.select %broadcast_in_dim3A_126, %get3A_728, %broadcast_in_dim3A_128 : vector<16xi1>, vector<16xf32>
    %min3A_730 = arith.minimumf %select_n3A_729, %max3A_652 : vector<16xf32>
    %max3A_731 = arith.maximumf %max3A_651, %min3A_730 : vector<16xf32>
    %max3A_732 = arith.maximumf %max3A_652, %select_n3A_729 : vector<16xf32>
    %exp3A_733 = math.exp %select_n3A_729 : vector<16xf32>
    %add3A_734 = arith.addf %add3A_654, %exp3A_733 : vector<16xf32>
    %get3A_735 = arith.constant 5 : i32
    %get3A_736 = arith.index_cast %get3A_735 : i32 to index
    %get3A_737 = arith.constant 112 : index
    %get3A_738 = tpu.vector_load %arg8[%get3A_736, %get3A_737] {strides = array<i32>} : memref<8x128xf32, #tpu.memory_space<vmem>>, vector<16xf32>,
    %select_n3A_739 = arith.select %broadcast_in_dim3A_126, %get3A_738, %broadcast_in_dim3A_128 : vector<16xi1>, vector<16xf32>
    %min3A_740 = arith.minimumf %select_n3A_739, %max3A_662 : vector<16xf32>
    %max3A_741 = arith.maximumf %max3A_661, %min3A_740 : vector<16xf32>
    %max3A_742 = arith.maximumf %max3A_662, %select_n3A_739 : vector<16xf32>
    %exp3A_743 = math.exp %select_n3A_739 : vector<16xf32>
    %add3A_744 = arith.addf %add3A_664, %exp3A_743 : vector<16xf32>
    %get3A_745 = arith.constant 6 : i32
    %get3A_746 = arith.index_cast %get3A_745 : i32 to index
    %get3A_747 = arith.constant 112 : index
    %get3A_748 = tpu.vector_load %arg8[%get3A_746, %get3A_747] {strides = array<i32>} : memref<8x128xf32, #tpu.memory_space<vmem>>, vector<16xf32>,
    %select_n3A_749 = arith.select %broadcast_in_dim3A_126, %get3A_748, %broadcast_in_dim3A_128 : vector<16xi1>, vector<16xf32>
    %min3A_750 = arith.minimumf %select_n3A_749, %max3A_672 : vector<16xf32>
    %max3A_751 = arith.maximumf %max3A_671, %min3A_750 : vector<16xf32>
    %max3A_752 = arith.maximumf %max3A_672, %select_n3A_749 : vector<16xf32>
    %exp3A_753 = math.exp %select_n3A_749 : vector<16xf32>
    %add3A_754 = arith.addf %add3A_674, %exp3A_753 : vector<16xf32>
    %get3A_755 = arith.constant 7 : i32
    %get3A_756 = arith.index_cast %get3A_755 : i32 to index
    %get3A_757 = arith.constant 112 : index
    %get3A_758 = tpu.vector_load %arg8[%get3A_756, %get3A_757] {strides = array<i32>} : memref<8x128xf32, #tpu.memory_space<vmem>>, vector<16xf32>,
    %select_n3A_759 = arith.select %broadcast_in_dim3A_126, %get3A_758, %broadcast_in_dim3A_128 : vector<16xi1>, vector<16xf32>
    %min3A_760 = arith.minimumf %select_n3A_759, %max3A_682 : vector<16xf32>
    %max3A_761 = arith.maximumf %max3A_681, %min3A_760 : vector<16xf32>
    %max3A_762 = arith.maximumf %max3A_682, %select_n3A_759 : vector<16xf32>
    %exp3A_763 = math.exp %select_n3A_759 : vector<16xf32>
    %add3A_764 = arith.addf %add3A_684, %exp3A_763 : vector<16xf32>
    %iota3A = tpu.iota {dimensions = array<i32: 0>} : vector<16xi32>
    %broadcast_in_dim3A_765 = arith.constant 0.000000e+00 : f32
    %broadcast_in_dim3A_766 = vector.broadcast %broadcast_in_dim3A_765 : f32 to vector<16xf32>
    %reduce_max3A = arith.constant true
    %reduce_max3A_767 = vector.broadcast %reduce_max3A : i1 to vector<16xi1>
    %reduce_max3A_768 = tpu.scan <max>, %max3A_692 masked %reduce_max3A_767 : vector<16xf32>, vector<16xi1> -> vector<16xf32>
    %reduce_max3A_769 = vector.extract %reduce_max3A_768[15] : f32 from vector<16xf32>
    %broadcast_in_dim3A_770 = vector.broadcast %reduce_max3A_769 : f32 to vector<16xf32>
    %eq3A_771 = arith.cmpf oeq, %max3A_692, %broadcast_in_dim3A_770 : vector<16xf32>
    %jit3A_772 = arith.constant 1.000000e+00 : f32
    %jit3A_773 = arith.constant 0.000000e+00 : f32
    %broadcast_in_dim3A_774 = vector.broadcast %jit3A_772 : f32 to vector<16xf32>
    %broadcast_in_dim3A_775 = vector.broadcast %jit3A_773 : f32 to vector<16xf32>
    %select_n3A_776 = arith.select %eq3A_771, %broadcast_in_dim3A_774, %broadcast_in_dim3A_775 : vector<16xi1>, vector<16xf32>
    %reduce_sum3A = arith.constant true
    %reduce_sum3A_777 = vector.broadcast %reduce_sum3A : i1 to vector<16xi1>
    %reduce_sum3A_778 = tpu.scan <sum>, %select_n3A_776 masked %reduce_sum3A_777 : vector<16xf32>, vector<16xi1> -> vector<16xf32>
    %reduce_sum3A_779 = vector.extract %reduce_sum3A_778[15] : f32 from vector<16xf32>
    %select_n3A_780 = arith.select %eq3A_771, %broadcast_in_dim3A_128, %max3A_692 : vector<16xi1>, vector<16xf32>
    %reduce_max3A_781 = arith.constant true
    %reduce_max3A_782 = vector.broadcast %reduce_max3A_781 : i1 to vector<16xi1>
    %reduce_max3A_783 = tpu.scan <max>, %select_n3A_780 masked %reduce_max3A_782 : vector<16xf32>, vector<16xi1> -> vector<16xf32>
    %reduce_max3A_784 = vector.extract %reduce_max3A_783[15] : f32 from vector<16xf32>
    %select_n3A_785 = arith.select %eq3A_771, %max3A_691, %broadcast_in_dim3A_128 : vector<16xi1>, vector<16xf32>
    %reduce_max3A_786 = arith.constant true
    %reduce_max3A_787 = vector.broadcast %reduce_max3A_786 : i1 to vector<16xi1>
    %reduce_max3A_788 = tpu.scan <max>, %select_n3A_785 masked %reduce_max3A_787 : vector<16xf32>, vector<16xi1> -> vector<16xf32>
    %reduce_max3A_789 = vector.extract %reduce_max3A_788[15] : f32 from vector<16xf32>
    %gt3A = arith.constant 1.000000e+00 : f32
    %gt3A_790 = arith.cmpf ogt, %reduce_sum3A_779, %gt3A : f32
    %max3A_791 = arith.maximumf %reduce_max3A_784, %reduce_max3A_789 : f32
    %select_n3A_792 = arith.select %gt3A_790, %reduce_max3A_769, %max3A_791 : f32
    %reduce_sum3A_793 = arith.constant true
    %reduce_sum3A_794 = vector.broadcast %reduce_sum3A_793 : i1 to vector<16xi1>
    %reduce_sum3A_795 = tpu.scan <sum>, %add3A_694 masked %reduce_sum3A_794 : vector<16xf32>, vector<16xi1> -> vector<16xf32>
    %reduce_sum3A_796 = vector.extract %reduce_sum3A_795[15] : f32 from vector<16xf32>
    %eq3A_797 = arith.constant 0 : i32
    %eq3A_798 = vector.broadcast %eq3A_797 : i32 to vector<16xi32>
    %eq3A_799 = arith.cmpi eq, %iota3A, %eq3A_798 : vector<16xi32>
    %select_n3A_800 = arith.select %eq3A_799, %broadcast_in_dim3A_770, %broadcast_in_dim3A_128 : vector<16xi1>, vector<16xf32>
    %broadcast_in_dim3A_801 = vector.broadcast %select_n3A_792 : f32 to vector<16xf32>
    %select_n3A_802 = arith.select %eq3A_799, %broadcast_in_dim3A_801, %broadcast_in_dim3A_128 : vector<16xi1>, vector<16xf32>
    %broadcast_in_dim3A_803 = vector.broadcast %reduce_sum3A_796 : f32 to vector<16xf32>
    %select_n3A_804 = arith.select %eq3A_799, %broadcast_in_dim3A_803, %broadcast_in_dim3A_766 : vector<16xi1>, vector<16xf32>
    %reduce_max3A_805 = arith.constant true
    %reduce_max3A_806 = vector.broadcast %reduce_max3A_805 : i1 to vector<16xi1>
    %reduce_max3A_807 = tpu.scan <max>, %max3A_702 masked %reduce_max3A_806 : vector<16xf32>, vector<16xi1> -> vector<16xf32>
    %reduce_max3A_808 = vector.extract %reduce_max3A_807[15] : f32 from vector<16xf32>
    %broadcast_in_dim3A_809 = vector.broadcast %reduce_max3A_808 : f32 to vector<16xf32>
    %eq3A_810 = arith.cmpf oeq, %max3A_702, %broadcast_in_dim3A_809 : vector<16xf32>
    %jit3A_811 = arith.constant 1.000000e+00 : f32
    %jit3A_812 = arith.constant 0.000000e+00 : f32
    %broadcast_in_dim3A_813 = vector.broadcast %jit3A_811 : f32 to vector<16xf32>
    %broadcast_in_dim3A_814 = vector.broadcast %jit3A_812 : f32 to vector<16xf32>
    %select_n3A_815 = arith.select %eq3A_810, %broadcast_in_dim3A_813, %broadcast_in_dim3A_814 : vector<16xi1>, vector<16xf32>
    %reduce_sum3A_816 = arith.constant true
    %reduce_sum3A_817 = vector.broadcast %reduce_sum3A_816 : i1 to vector<16xi1>
    %reduce_sum3A_818 = tpu.scan <sum>, %select_n3A_815 masked %reduce_sum3A_817 : vector<16xf32>, vector<16xi1> -> vector<16xf32>
    %reduce_sum3A_819 = vector.extract %reduce_sum3A_818[15] : f32 from vector<16xf32>
    %select_n3A_820 = arith.select %eq3A_810, %broadcast_in_dim3A_128, %max3A_702 : vector<16xi1>, vector<16xf32>
    %reduce_max3A_821 = arith.constant true
    %reduce_max3A_822 = vector.broadcast %reduce_max3A_821 : i1 to vector<16xi1>
    %reduce_max3A_823 = tpu.scan <max>, %select_n3A_820 masked %reduce_max3A_822 : vector<16xf32>, vector<16xi1> -> vector<16xf32>
    %reduce_max3A_824 = vector.extract %reduce_max3A_823[15] : f32 from vector<16xf32>
    %select_n3A_825 = arith.select %eq3A_810, %max3A_701, %broadcast_in_dim3A_128 : vector<16xi1>, vector<16xf32>
    %reduce_max3A_826 = arith.constant true
    %reduce_max3A_827 = vector.broadcast %reduce_max3A_826 : i1 to vector<16xi1>
    %reduce_max3A_828 = tpu.scan <max>, %select_n3A_825 masked %reduce_max3A_827 : vector<16xf32>, vector<16xi1> -> vector<16xf32>
    %reduce_max3A_829 = vector.extract %reduce_max3A_828[15] : f32 from vector<16xf32>
    %gt3A_830 = arith.constant 1.000000e+00 : f32
    %gt3A_831 = arith.cmpf ogt, %reduce_sum3A_819, %gt3A_830 : f32
    %max3A_832 = arith.maximumf %reduce_max3A_824, %reduce_max3A_829 : f32
    %select_n3A_833 = arith.select %gt3A_831, %reduce_max3A_808, %max3A_832 : f32
    %reduce_sum3A_834 = arith.constant true
    %reduce_sum3A_835 = vector.broadcast %reduce_sum3A_834 : i1 to vector<16xi1>
    %reduce_sum3A_836 = tpu.scan <sum>, %add3A_704 masked %reduce_sum3A_835 : vector<16xf32>, vector<16xi1> -> vector<16xf32>
    %reduce_sum3A_837 = vector.extract %reduce_sum3A_836[15] : f32 from vector<16xf32>
    %eq3A_838 = arith.constant 1 : i32
    %eq3A_839 = vector.broadcast %eq3A_838 : i32 to vector<16xi32>
    %eq3A_840 = arith.cmpi eq, %iota3A, %eq3A_839 : vector<16xi32>
    %select_n3A_841 = arith.select %eq3A_840, %broadcast_in_dim3A_809, %select_n3A_800 : vector<16xi1>, vector<16xf32>
    %broadcast_in_dim3A_842 = vector.broadcast %select_n3A_833 : f32 to vector<16xf32>
    %select_n3A_843 = arith.select %eq3A_840, %broadcast_in_dim3A_842, %select_n3A_802 : vector<16xi1>, vector<16xf32>
    %broadcast_in_dim3A_844 = vector.broadcast %reduce_sum3A_837 : f32 to vector<16xf32>
    %select_n3A_845 = arith.select %eq3A_840, %broadcast_in_dim3A_844, %select_n3A_804 : vector<16xi1>, vector<16xf32>
    %reduce_max3A_846 = arith.constant true
    %reduce_max3A_847 = vector.broadcast %reduce_max3A_846 : i1 to vector<16xi1>
    %reduce_max3A_848 = tpu.scan <max>, %max3A_712 masked %reduce_max3A_847 : vector<16xf32>, vector<16xi1> -> vector<16xf32>
    %reduce_max3A_849 = vector.extract %reduce_max3A_848[15] : f32 from vector<16xf32>
    %broadcast_in_dim3A_850 = vector.broadcast %reduce_max3A_849 : f32 to vector<16xf32>
    %eq3A_851 = arith.cmpf oeq, %max3A_712, %broadcast_in_dim3A_850 : vector<16xf32>
    %jit3A_852 = arith.constant 1.000000e+00 : f32
    %jit3A_853 = arith.constant 0.000000e+00 : f32
    %broadcast_in_dim3A_854 = vector.broadcast %jit3A_852 : f32 to vector<16xf32>
    %broadcast_in_dim3A_855 = vector.broadcast %jit3A_853 : f32 to vector<16xf32>
    %select_n3A_856 = arith.select %eq3A_851, %broadcast_in_dim3A_854, %broadcast_in_dim3A_855 : vector<16xi1>, vector<16xf32>
    %reduce_sum3A_857 = arith.constant true
    %reduce_sum3A_858 = vector.broadcast %reduce_sum3A_857 : i1 to vector<16xi1>
    %reduce_sum3A_859 = tpu.scan <sum>, %select_n3A_856 masked %reduce_sum3A_858 : vector<16xf32>, vector<16xi1> -> vector<16xf32>
    %reduce_sum3A_860 = vector.extract %reduce_sum3A_859[15] : f32 from vector<16xf32>
    %select_n3A_861 = arith.select %eq3A_851, %broadcast_in_dim3A_128, %max3A_712 : vector<16xi1>, vector<16xf32>
    %reduce_max3A_862 = arith.constant true
    %reduce_max3A_863 = vector.broadcast %reduce_max3A_862 : i1 to vector<16xi1>
    %reduce_max3A_864 = tpu.scan <max>, %select_n3A_861 masked %reduce_max3A_863 : vector<16xf32>, vector<16xi1> -> vector<16xf32>
    %reduce_max3A_865 = vector.extract %reduce_max3A_864[15] : f32 from vector<16xf32>
    %select_n3A_866 = arith.select %eq3A_851, %max3A_711, %broadcast_in_dim3A_128 : vector<16xi1>, vector<16xf32>
    %reduce_max3A_867 = arith.constant true
    %reduce_max3A_868 = vector.broadcast %reduce_max3A_867 : i1 to vector<16xi1>
    %reduce_max3A_869 = tpu.scan <max>, %select_n3A_866 masked %reduce_max3A_868 : vector<16xf32>, vector<16xi1> -> vector<16xf32>
    %reduce_max3A_870 = vector.extract %reduce_max3A_869[15] : f32 from vector<16xf32>
    %gt3A_871 = arith.constant 1.000000e+00 : f32
    %gt3A_872 = arith.cmpf ogt, %reduce_sum3A_860, %gt3A_871 : f32
    %max3A_873 = arith.maximumf %reduce_max3A_865, %reduce_max3A_870 : f32
    %select_n3A_874 = arith.select %gt3A_872, %reduce_max3A_849, %max3A_873 : f32
    %reduce_sum3A_875 = arith.constant true
    %reduce_sum3A_876 = vector.broadcast %reduce_sum3A_875 : i1 to vector<16xi1>
    %reduce_sum3A_877 = tpu.scan <sum>, %add3A_714 masked %reduce_sum3A_876 : vector<16xf32>, vector<16xi1> -> vector<16xf32>
    %reduce_sum3A_878 = vector.extract %reduce_sum3A_877[15] : f32 from vector<16xf32>
    %eq3A_879 = arith.constant 2 : i32
    %eq3A_880 = vector.broadcast %eq3A_879 : i32 to vector<16xi32>
    %eq3A_881 = arith.cmpi eq, %iota3A, %eq3A_880 : vector<16xi32>
    %select_n3A_882 = arith.select %eq3A_881, %broadcast_in_dim3A_850, %select_n3A_841 : vector<16xi1>, vector<16xf32>
    %broadcast_in_dim3A_883 = vector.broadcast %select_n3A_874 : f32 to vector<16xf32>
    %select_n3A_884 = arith.select %eq3A_881, %broadcast_in_dim3A_883, %select_n3A_843 : vector<16xi1>, vector<16xf32>
    %broadcast_in_dim3A_885 = vector.broadcast %reduce_sum3A_878 : f32 to vector<16xf32>
    %select_n3A_886 = arith.select %eq3A_881, %broadcast_in_dim3A_885, %select_n3A_845 : vector<16xi1>, vector<16xf32>
    %reduce_max3A_887 = arith.constant true
    %reduce_max3A_888 = vector.broadcast %reduce_max3A_887 : i1 to vector<16xi1>
    %reduce_max3A_889 = tpu.scan <max>, %max3A_722 masked %reduce_max3A_888 : vector<16xf32>, vector<16xi1> -> vector<16xf32>
    %reduce_max3A_890 = vector.extract %reduce_max3A_889[15] : f32 from vector<16xf32>
    %broadcast_in_dim3A_891 = vector.broadcast %reduce_max3A_890 : f32 to vector<16xf32>
    %eq3A_892 = arith.cmpf oeq, %max3A_722, %broadcast_in_dim3A_891 : vector<16xf32>
    %jit3A_893 = arith.constant 1.000000e+00 : f32
    %jit3A_894 = arith.constant 0.000000e+00 : f32
    %broadcast_in_dim3A_895 = vector.broadcast %jit3A_893 : f32 to vector<16xf32>
    %broadcast_in_dim3A_896 = vector.broadcast %jit3A_894 : f32 to vector<16xf32>
    %select_n3A_897 = arith.select %eq3A_892, %broadcast_in_dim3A_895, %broadcast_in_dim3A_896 : vector<16xi1>, vector<16xf32>
    %reduce_sum3A_898 = arith.constant true
    %reduce_sum3A_899 = vector.broadcast %reduce_sum3A_898 : i1 to vector<16xi1>
    %reduce_sum3A_900 = tpu.scan <sum>, %select_n3A_897 masked %reduce_sum3A_899 : vector<16xf32>, vector<16xi1> -> vector<16xf32>
    %reduce_sum3A_901 = vector.extract %reduce_sum3A_900[15] : f32 from vector<16xf32>
    %select_n3A_902 = arith.select %eq3A_892, %broadcast_in_dim3A_128, %max3A_722 : vector<16xi1>, vector<16xf32>
    %reduce_max3A_903 = arith.constant true
    %reduce_max3A_904 = vector.broadcast %reduce_max3A_903 : i1 to vector<16xi1>
    %reduce_max3A_905 = tpu.scan <max>, %select_n3A_902 masked %reduce_max3A_904 : vector<16xf32>, vector<16xi1> -> vector<16xf32>
    %reduce_max3A_906 = vector.extract %reduce_max3A_905[15] : f32 from vector<16xf32>
    %select_n3A_907 = arith.select %eq3A_892, %max3A_721, %broadcast_in_dim3A_128 : vector<16xi1>, vector<16xf32>
    %reduce_max3A_908 = arith.constant true
    %reduce_max3A_909 = vector.broadcast %reduce_max3A_908 : i1 to vector<16xi1>
    %reduce_max3A_910 = tpu.scan <max>, %select_n3A_907 masked %reduce_max3A_909 : vector<16xf32>, vector<16xi1> -> vector<16xf32>
    %reduce_max3A_911 = vector.extract %reduce_max3A_910[15] : f32 from vector<16xf32>
    %gt3A_912 = arith.constant 1.000000e+00 : f32
    %gt3A_913 = arith.cmpf ogt, %reduce_sum3A_901, %gt3A_912 : f32
    %max3A_914 = arith.maximumf %reduce_max3A_906, %reduce_max3A_911 : f32
    %select_n3A_915 = arith.select %gt3A_913, %reduce_max3A_890, %max3A_914 : f32
    %reduce_sum3A_916 = arith.constant true
    %reduce_sum3A_917 = vector.broadcast %reduce_sum3A_916 : i1 to vector<16xi1>
    %reduce_sum3A_918 = tpu.scan <sum>, %add3A_724 masked %reduce_sum3A_917 : vector<16xf32>, vector<16xi1> -> vector<16xf32>
    %reduce_sum3A_919 = vector.extract %reduce_sum3A_918[15] : f32 from vector<16xf32>
    %eq3A_920 = arith.constant 3 : i32
    %eq3A_921 = vector.broadcast %eq3A_920 : i32 to vector<16xi32>
    %eq3A_922 = arith.cmpi eq, %iota3A, %eq3A_921 : vector<16xi32>
    %select_n3A_923 = arith.select %eq3A_922, %broadcast_in_dim3A_891, %select_n3A_882 : vector<16xi1>, vector<16xf32>
    %broadcast_in_dim3A_924 = vector.broadcast %select_n3A_915 : f32 to vector<16xf32>
    %select_n3A_925 = arith.select %eq3A_922, %broadcast_in_dim3A_924, %select_n3A_884 : vector<16xi1>, vector<16xf32>
    %broadcast_in_dim3A_926 = vector.broadcast %reduce_sum3A_919 : f32 to vector<16xf32>
    %select_n3A_927 = arith.select %eq3A_922, %broadcast_in_dim3A_926, %select_n3A_886 : vector<16xi1>, vector<16xf32>
    %reduce_max3A_928 = arith.constant true
    %reduce_max3A_929 = vector.broadcast %reduce_max3A_928 : i1 to vector<16xi1>
    %reduce_max3A_930 = tpu.scan <max>, %max3A_732 masked %reduce_max3A_929 : vector<16xf32>, vector<16xi1> -> vector<16xf32>
    %reduce_max3A_931 = vector.extract %reduce_max3A_930[15] : f32 from vector<16xf32>
    %broadcast_in_dim3A_932 = vector.broadcast %reduce_max3A_931 : f32 to vector<16xf32>
    %eq3A_933 = arith.cmpf oeq, %max3A_732, %broadcast_in_dim3A_932 : vector<16xf32>
    %jit3A_934 = arith.constant 1.000000e+00 : f32
    %jit3A_935 = arith.constant 0.000000e+00 : f32
    %broadcast_in_dim3A_936 = vector.broadcast %jit3A_934 : f32 to vector<16xf32>
    %broadcast_in_dim3A_937 = vector.broadcast %jit3A_935 : f32 to vector<16xf32>
    %select_n3A_938 = arith.select %eq3A_933, %broadcast_in_dim3A_936, %broadcast_in_dim3A_937 : vector<16xi1>, vector<16xf32>
    %reduce_sum3A_939 = arith.constant true
    %reduce_sum3A_940 = vector.broadcast %reduce_sum3A_939 : i1 to vector<16xi1>
    %reduce_sum3A_941 = tpu.scan <sum>, %select_n3A_938 masked %reduce_sum3A_940 : vector<16xf32>, vector<16xi1> -> vector<16xf32>
    %reduce_sum3A_942 = vector.extract %reduce_sum3A_941[15] : f32 from vector<16xf32>
    %select_n3A_943 = arith.select %eq3A_933, %broadcast_in_dim3A_128, %max3A_732 : vector<16xi1>, vector<16xf32>
    %reduce_max3A_944 = arith.constant true
    %reduce_max3A_945 = vector.broadcast %reduce_max3A_944 : i1 to vector<16xi1>
    %reduce_max3A_946 = tpu.scan <max>, %select_n3A_943 masked %reduce_max3A_945 : vector<16xf32>, vector<16xi1> -> vector<16xf32>
    %reduce_max3A_947 = vector.extract %reduce_max3A_946[15] : f32 from vector<16xf32>
    %select_n3A_948 = arith.select %eq3A_933, %max3A_731, %broadcast_in_dim3A_128 : vector<16xi1>, vector<16xf32>
    %reduce_max3A_949 = arith.constant true
    %reduce_max3A_950 = vector.broadcast %reduce_max3A_949 : i1 to vector<16xi1>
    %reduce_max3A_951 = tpu.scan <max>, %select_n3A_948 masked %reduce_max3A_950 : vector<16xf32>, vector<16xi1> -> vector<16xf32>
    %reduce_max3A_952 = vector.extract %reduce_max3A_951[15] : f32 from vector<16xf32>
    %gt3A_953 = arith.constant 1.000000e+00 : f32
    %gt3A_954 = arith.cmpf ogt, %reduce_sum3A_942, %gt3A_953 : f32
    %max3A_955 = arith.maximumf %reduce_max3A_947, %reduce_max3A_952 : f32
    %select_n3A_956 = arith.select %gt3A_954, %reduce_max3A_931, %max3A_955 : f32
    %reduce_sum3A_957 = arith.constant true
    %reduce_sum3A_958 = vector.broadcast %reduce_sum3A_957 : i1 to vector<16xi1>
    %reduce_sum3A_959 = tpu.scan <sum>, %add3A_734 masked %reduce_sum3A_958 : vector<16xf32>, vector<16xi1> -> vector<16xf32>
    %reduce_sum3A_960 = vector.extract %reduce_sum3A_959[15] : f32 from vector<16xf32>
    %eq3A_961 = arith.constant 4 : i32
    %eq3A_962 = vector.broadcast %eq3A_961 : i32 to vector<16xi32>
    %eq3A_963 = arith.cmpi eq, %iota3A, %eq3A_962 : vector<16xi32>
    %select_n3A_964 = arith.select %eq3A_963, %broadcast_in_dim3A_932, %select_n3A_923 : vector<16xi1>, vector<16xf32>
    %broadcast_in_dim3A_965 = vector.broadcast %select_n3A_956 : f32 to vector<16xf32>
    %select_n3A_966 = arith.select %eq3A_963, %broadcast_in_dim3A_965, %select_n3A_925 : vector<16xi1>, vector<16xf32>
    %broadcast_in_dim3A_967 = vector.broadcast %reduce_sum3A_960 : f32 to vector<16xf32>
    %select_n3A_968 = arith.select %eq3A_963, %broadcast_in_dim3A_967, %select_n3A_927 : vector<16xi1>, vector<16xf32>
    %reduce_max3A_969 = arith.constant true
    %reduce_max3A_970 = vector.broadcast %reduce_max3A_969 : i1 to vector<16xi1>
    %reduce_max3A_971 = tpu.scan <max>, %max3A_742 masked %reduce_max3A_970 : vector<16xf32>, vector<16xi1> -> vector<16xf32>
    %reduce_max3A_972 = vector.extract %reduce_max3A_971[15] : f32 from vector<16xf32>
    %broadcast_in_dim3A_973 = vector.broadcast %reduce_max3A_972 : f32 to vector<16xf32>
    %eq3A_974 = arith.cmpf oeq, %max3A_742, %broadcast_in_dim3A_973 : vector<16xf32>
    %jit3A_975 = arith.constant 1.000000e+00 : f32
    %jit3A_976 = arith.constant 0.000000e+00 : f32
    %broadcast_in_dim3A_977 = vector.broadcast %jit3A_975 : f32 to vector<16xf32>
    %broadcast_in_dim3A_978 = vector.broadcast %jit3A_976 : f32 to vector<16xf32>
    %select_n3A_979 = arith.select %eq3A_974, %broadcast_in_dim3A_977, %broadcast_in_dim3A_978 : vector<16xi1>, vector<16xf32>
    %reduce_sum3A_980 = arith.constant true
    %reduce_sum3A_981 = vector.broadcast %reduce_sum3A_980 : i1 to vector<16xi1>
    %reduce_sum3A_982 = tpu.scan <sum>, %select_n3A_979 masked %reduce_sum3A_981 : vector<16xf32>, vector<16xi1> -> vector<16xf32>
    %reduce_sum3A_983 = vector.extract %reduce_sum3A_982[15] : f32 from vector<16xf32>
    %select_n3A_984 = arith.select %eq3A_974, %broadcast_in_dim3A_128, %max3A_742 : vector<16xi1>, vector<16xf32>
    %reduce_max3A_985 = arith.constant true
    %reduce_max3A_986 = vector.broadcast %reduce_max3A_985 : i1 to vector<16xi1>
    %reduce_max3A_987 = tpu.scan <max>, %select_n3A_984 masked %reduce_max3A_986 : vector<16xf32>, vector<16xi1> -> vector<16xf32>
    %reduce_max3A_988 = vector.extract %reduce_max3A_987[15] : f32 from vector<16xf32>
    %select_n3A_989 = arith.select %eq3A_974, %max3A_741, %broadcast_in_dim3A_128 : vector<16xi1>, vector<16xf32>
    %reduce_max3A_990 = arith.constant true
    %reduce_max3A_991 = vector.broadcast %reduce_max3A_990 : i1 to vector<16xi1>
    %reduce_max3A_992 = tpu.scan <max>, %select_n3A_989 masked %reduce_max3A_991 : vector<16xf32>, vector<16xi1> -> vector<16xf32>
    %reduce_max3A_993 = vector.extract %reduce_max3A_992[15] : f32 from vector<16xf32>
    %gt3A_994 = arith.constant 1.000000e+00 : f32
    %gt3A_995 = arith.cmpf ogt, %reduce_sum3A_983, %gt3A_994 : f32
    %max3A_996 = arith.maximumf %reduce_max3A_988, %reduce_max3A_993 : f32
    %select_n3A_997 = arith.select %gt3A_995, %reduce_max3A_972, %max3A_996 : f32
    %reduce_sum3A_998 = arith.constant true
    %reduce_sum3A_999 = vector.broadcast %reduce_sum3A_998 : i1 to vector<16xi1>
    %reduce_sum3A_1000 = tpu.scan <sum>, %add3A_744 masked %reduce_sum3A_999 : vector<16xf32>, vector<16xi1> -> vector<16xf32>
    %reduce_sum3A_1001 = vector.extract %reduce_sum3A_1000[15] : f32 from vector<16xf32>
    %eq3A_1002 = arith.constant 5 : i32
    %eq3A_1003 = vector.broadcast %eq3A_1002 : i32 to vector<16xi32>
    %eq3A_1004 = arith.cmpi eq, %iota3A, %eq3A_1003 : vector<16xi32>
    %select_n3A_1005 = arith.select %eq3A_1004, %broadcast_in_dim3A_973, %select_n3A_964 : vector<16xi1>, vector<16xf32>
    %broadcast_in_dim3A_1006 = vector.broadcast %select_n3A_997 : f32 to vector<16xf32>
    %select_n3A_1007 = arith.select %eq3A_1004, %broadcast_in_dim3A_1006, %select_n3A_966 : vector<16xi1>, vector<16xf32>
    %broadcast_in_dim3A_1008 = vector.broadcast %reduce_sum3A_1001 : f32 to vector<16xf32>
    %select_n3A_1009 = arith.select %eq3A_1004, %broadcast_in_dim3A_1008, %select_n3A_968 : vector<16xi1>, vector<16xf32>
    %reduce_max3A_1010 = arith.constant true
    %reduce_max3A_1011 = vector.broadcast %reduce_max3A_1010 : i1 to vector<16xi1>
    %reduce_max3A_1012 = tpu.scan <max>, %max3A_752 masked %reduce_max3A_1011 : vector<16xf32>, vector<16xi1> -> vector<16xf32>
    %reduce_max3A_1013 = vector.extract %reduce_max3A_1012[15] : f32 from vector<16xf32>
    %broadcast_in_dim3A_1014 = vector.broadcast %reduce_max3A_1013 : f32 to vector<16xf32>
    %eq3A_1015 = arith.cmpf oeq, %max3A_752, %broadcast_in_dim3A_1014 : vector<16xf32>
    %jit3A_1016 = arith.constant 1.000000e+00 : f32
    %jit3A_1017 = arith.constant 0.000000e+00 : f32
    %broadcast_in_dim3A_1018 = vector.broadcast %jit3A_1016 : f32 to vector<16xf32>
    %broadcast_in_dim3A_1019 = vector.broadcast %jit3A_1017 : f32 to vector<16xf32>
    %select_n3A_1020 = arith.select %eq3A_1015, %broadcast_in_dim3A_1018, %broadcast_in_dim3A_1019 : vector<16xi1>, vector<16xf32>
    %reduce_sum3A_1021 = arith.constant true
    %reduce_sum3A_1022 = vector.broadcast %reduce_sum3A_1021 : i1 to vector<16xi1>
    %reduce_sum3A_1023 = tpu.scan <sum>, %select_n3A_1020 masked %reduce_sum3A_1022 : vector<16xf32>, vector<16xi1> -> vector<16xf32>
    %reduce_sum3A_1024 = vector.extract %reduce_sum3A_1023[15] : f32 from vector<16xf32>
    %select_n3A_1025 = arith.select %eq3A_1015, %broadcast_in_dim3A_128, %max3A_752 : vector<16xi1>, vector<16xf32>
    %reduce_max3A_1026 = arith.constant true
    %reduce_max3A_1027 = vector.broadcast %reduce_max3A_1026 : i1 to vector<16xi1>
    %reduce_max3A_1028 = tpu.scan <max>, %select_n3A_1025 masked %reduce_max3A_1027 : vector<16xf32>, vector<16xi1> -> vector<16xf32>
    %reduce_max3A_1029 = vector.extract %reduce_max3A_1028[15] : f32 from vector<16xf32>
    %select_n3A_1030 = arith.select %eq3A_1015, %max3A_751, %broadcast_in_dim3A_128 : vector<16xi1>, vector<16xf32>
    %reduce_max3A_1031 = arith.constant true
    %reduce_max3A_1032 = vector.broadcast %reduce_max3A_1031 : i1 to vector<16xi1>
    %reduce_max3A_1033 = tpu.scan <max>, %select_n3A_1030 masked %reduce_max3A_1032 : vector<16xf32>, vector<16xi1> -> vector<16xf32>
    %reduce_max3A_1034 = vector.extract %reduce_max3A_1033[15] : f32 from vector<16xf32>
    %gt3A_1035 = arith.constant 1.000000e+00 : f32
    %gt3A_1036 = arith.cmpf ogt, %reduce_sum3A_1024, %gt3A_1035 : f32
    %max3A_1037 = arith.maximumf %reduce_max3A_1029, %reduce_max3A_1034 : f32
    %select_n3A_1038 = arith.select %gt3A_1036, %reduce_max3A_1013, %max3A_1037 : f32
    %reduce_sum3A_1039 = arith.constant true
    %reduce_sum3A_1040 = vector.broadcast %reduce_sum3A_1039 : i1 to vector<16xi1>
    %reduce_sum3A_1041 = tpu.scan <sum>, %add3A_754 masked %reduce_sum3A_1040 : vector<16xf32>, vector<16xi1> -> vector<16xf32>
    %reduce_sum3A_1042 = vector.extract %reduce_sum3A_1041[15] : f32 from vector<16xf32>
    %eq3A_1043 = arith.constant 6 : i32
    %eq3A_1044 = vector.broadcast %eq3A_1043 : i32 to vector<16xi32>
    %eq3A_1045 = arith.cmpi eq, %iota3A, %eq3A_1044 : vector<16xi32>
    %select_n3A_1046 = arith.select %eq3A_1045, %broadcast_in_dim3A_1014, %select_n3A_1005 : vector<16xi1>, vector<16xf32>
    %broadcast_in_dim3A_1047 = vector.broadcast %select_n3A_1038 : f32 to vector<16xf32>
    %select_n3A_1048 = arith.select %eq3A_1045, %broadcast_in_dim3A_1047, %select_n3A_1007 : vector<16xi1>, vector<16xf32>
    %broadcast_in_dim3A_1049 = vector.broadcast %reduce_sum3A_1042 : f32 to vector<16xf32>
    %select_n3A_1050 = arith.select %eq3A_1045, %broadcast_in_dim3A_1049, %select_n3A_1009 : vector<16xi1>, vector<16xf32>
    %reduce_max3A_1051 = arith.constant true
    %reduce_max3A_1052 = vector.broadcast %reduce_max3A_1051 : i1 to vector<16xi1>
    %reduce_max3A_1053 = tpu.scan <max>, %max3A_762 masked %reduce_max3A_1052 : vector<16xf32>, vector<16xi1> -> vector<16xf32>
    %reduce_max3A_1054 = vector.extract %reduce_max3A_1053[15] : f32 from vector<16xf32>
    %broadcast_in_dim3A_1055 = vector.broadcast %reduce_max3A_1054 : f32 to vector<16xf32>
    %eq3A_1056 = arith.cmpf oeq, %max3A_762, %broadcast_in_dim3A_1055 : vector<16xf32>
    %jit3A_1057 = arith.constant 1.000000e+00 : f32
    %jit3A_1058 = arith.constant 0.000000e+00 : f32
    %broadcast_in_dim3A_1059 = vector.broadcast %jit3A_1057 : f32 to vector<16xf32>
    %broadcast_in_dim3A_1060 = vector.broadcast %jit3A_1058 : f32 to vector<16xf32>
    %select_n3A_1061 = arith.select %eq3A_1056, %broadcast_in_dim3A_1059, %broadcast_in_dim3A_1060 : vector<16xi1>, vector<16xf32>
    %reduce_sum3A_1062 = arith.constant true
    %reduce_sum3A_1063 = vector.broadcast %reduce_sum3A_1062 : i1 to vector<16xi1>
    %reduce_sum3A_1064 = tpu.scan <sum>, %select_n3A_1061 masked %reduce_sum3A_1063 : vector<16xf32>, vector<16xi1> -> vector<16xf32>
    %reduce_sum3A_1065 = vector.extract %reduce_sum3A_1064[15] : f32 from vector<16xf32>
    %select_n3A_1066 = arith.select %eq3A_1056, %broadcast_in_dim3A_128, %max3A_762 : vector<16xi1>, vector<16xf32>
    %reduce_max3A_1067 = arith.constant true
    %reduce_max3A_1068 = vector.broadcast %reduce_max3A_1067 : i1 to vector<16xi1>
    %reduce_max3A_1069 = tpu.scan <max>, %select_n3A_1066 masked %reduce_max3A_1068 : vector<16xf32>, vector<16xi1> -> vector<16xf32>
    %reduce_max3A_1070 = vector.extract %reduce_max3A_1069[15] : f32 from vector<16xf32>
    %select_n3A_1071 = arith.select %eq3A_1056, %max3A_761, %broadcast_in_dim3A_128 : vector<16xi1>, vector<16xf32>
    %reduce_max3A_1072 = arith.constant true
    %reduce_max3A_1073 = vector.broadcast %reduce_max3A_1072 : i1 to vector<16xi1>
    %reduce_max3A_1074 = tpu.scan <max>, %select_n3A_1071 masked %reduce_max3A_1073 : vector<16xf32>, vector<16xi1> -> vector<16xf32>
    %reduce_max3A_1075 = vector.extract %reduce_max3A_1074[15] : f32 from vector<16xf32>
    %gt3A_1076 = arith.constant 1.000000e+00 : f32
    %gt3A_1077 = arith.cmpf ogt, %reduce_sum3A_1065, %gt3A_1076 : f32
    %max3A_1078 = arith.maximumf %reduce_max3A_1070, %reduce_max3A_1075 : f32
    %select_n3A_1079 = arith.select %gt3A_1077, %reduce_max3A_1054, %max3A_1078 : f32
    %reduce_sum3A_1080 = arith.constant true
    %reduce_sum3A_1081 = vector.broadcast %reduce_sum3A_1080 : i1 to vector<16xi1>
    %reduce_sum3A_1082 = tpu.scan <sum>, %add3A_764 masked %reduce_sum3A_1081 : vector<16xf32>, vector<16xi1> -> vector<16xf32>
    %reduce_sum3A_1083 = vector.extract %reduce_sum3A_1082[15] : f32 from vector<16xf32>
    %eq3A_1084 = arith.constant 7 : i32
    %eq3A_1085 = vector.broadcast %eq3A_1084 : i32 to vector<16xi32>
    %eq3A_1086 = arith.cmpi eq, %iota3A, %eq3A_1085 : vector<16xi32>
    %select_n3A_1087 = arith.select %eq3A_1086, %broadcast_in_dim3A_1055, %select_n3A_1046 : vector<16xi1>, vector<16xf32>
    %broadcast_in_dim3A_1088 = vector.broadcast %select_n3A_1079 : f32 to vector<16xf32>
    %select_n3A_1089 = arith.select %eq3A_1086, %broadcast_in_dim3A_1088, %select_n3A_1048 : vector<16xi1>, vector<16xf32>
    %broadcast_in_dim3A_1090 = vector.broadcast %reduce_sum3A_1083 : f32 to vector<16xf32>
    %select_n3A_1091 = arith.select %eq3A_1086, %broadcast_in_dim3A_1090, %select_n3A_1050 : vector<16xi1>, vector<16xf32>
    %swap3A = arith.constant 0 : index
    %swap3A_1092 = tpu.vector_load %arg9[%swap3A] {strides = array<i32>} : memref<48xf32, #tpu.memory_space<vmem>>, vector<16xf32>,
    tpu.vector_store %arg9[%swap3A], %select_n3A_1087 {strides = array<i32>} : memref<48xf32, #tpu.memory_space<vmem>>, vector<16xf32>,
    %swap3A_1093 = arith.constant 16 : index
    %swap3A_1094 = tpu.vector_load %arg9[%swap3A_1093] {strides = array<i32>} : memref<48xf32, #tpu.memory_space<vmem>>, vector<16xf32>,
    tpu.vector_store %arg9[%swap3A_1093], %select_n3A_1089 {strides = array<i32>} : memref<48xf32, #tpu.memory_space<vmem>>, vector<16xf32>,
    %swap3A_1095 = arith.constant 32 : index
    %swap3A_1096 = tpu.vector_load %arg9[%swap3A_1095] {strides = array<i32>} : memref<48xf32, #tpu.memory_space<vmem>>, vector<16xf32>,
    tpu.vector_store %arg9[%swap3A_1095], %select_n3A_1091 {strides = array<i32>} : memref<48xf32, #tpu.memory_space<vmem>>, vector<16xf32>,
    %mul3A_1097 = arith.constant 48 : i32
    %mul3A_1098 = arith.muli %add3A, %mul3A_1097 : i32
    "tpu.region"() ({
      %run_scoped3A = tpu.sem_alloc : memref<!tpu.dma_semaphore, #tpu.memory_space<semaphore_mem>>
      %dma_start3A_1099 = tpu.memref_slice %arg4[%mul3A_1098] : memref<1536xf32, #tpu.memory_space<hbm>> -> memref<48xf32, #tpu.memory_space<hbm>>
      %dma_start3A_1100 = tpu.memref_slice %arg4[%mul3A_1098] : memref<1536xf32, #tpu.memory_space<hbm>> -> memref<48xf32, #tpu.memory_space<hbm>>
      tpu.enqueue_dma source(%arg9 : memref<48xf32, #tpu.memory_space<vmem>>) target(%dma_start3A_1100 : memref<48xf32, #tpu.memory_space<hbm>>) target_semaphore(%run_scoped3A : memref<!tpu.dma_semaphore, #tpu.memory_space<semaphore_mem>>)
      %dma_wait3A_1101 = tpu.memref_slice %arg4[%mul3A_1098] : memref<1536xf32, #tpu.memory_space<hbm>> -> memref<48xf32, #tpu.memory_space<hbm>>
      %dma_wait3A_1102 = tpu.memref_slice %arg4[%mul3A_1098] : memref<1536xf32, #tpu.memory_space<hbm>> -> memref<48xf32, #tpu.memory_space<hbm>>
      tpu.wait_dma2 semaphore(%run_scoped3A : memref<!tpu.dma_semaphore, #tpu.memory_space<semaphore_mem>>) src(%arg9 : memref<48xf32, #tpu.memory_space<vmem>>) dst(%dma_wait3A_1102 : memref<48xf32, #tpu.memory_space<hbm>>)
      tpu.yield
    }) : () -> ()
    return
  }
}

#map = affine_map<(d0, d1) -> (0)>
module attributes {stable_mosaic.version = 14 : i64} {
  func.func @_stage2(%arg0: i32, %arg1: i32, %arg2: memref<1536xf32, #tpu.memory_space<hbm>>, %arg3: memref<512xf32, #tpu.memory_space<hbm>>, %arg4: memref<192xf32, #tpu.memory_space<vmem>>, %arg5: memref<16xf32, #tpu.memory_space<vmem>>, %arg6: memref<!tpu.dma_semaphore, #tpu.memory_space<semaphore_mem>>) attributes {dimension_semantics = [#tpu.dimension_semantics<core_parallel>, #tpu.dimension_semantics<subcore_parallel>], iteration_bounds = array<i64: 2, 16>, scalar_prefetch = 0 : i64, scratch_operands = 3 : i64, tpu.core_type = #tpu.core_type<sc_vector_subcore>, window_params = [{transform_indices = #map}, {transform_indices = #map}]} {
    %mul3A = arith.constant 2 : i32
    %mul3A_0 = arith.muli %arg1, %mul3A : i32
    %add3A = arith.addi %mul3A_0, %arg0 : i32
    %jit3A = arith.constant 4 : i32
    %div3A = arith.divsi %add3A, %jit3A : i32
    %sign3A = arith.constant 0 : i32
    %sign3A_1 = arith.cmpi sgt, %add3A, %sign3A : i32
    %sign3A_2 = arith.extui %sign3A_1 : i1 to i32
    %sign3A_3 = arith.constant 0 : i32
    %sign3A_4 = arith.cmpi slt, %add3A, %sign3A_3 : i32
    %sign3A_5 = arith.extui %sign3A_4 : i1 to i32
    %sign3A_6 = arith.subi %sign3A_2, %sign3A_5 : i32
    %sign3A_7 = arith.constant 0 : i32
    %sign3A_8 = arith.cmpi sgt, %jit3A, %sign3A_7 : i32
    %sign3A_9 = arith.extui %sign3A_8 : i1 to i32
    %sign3A_10 = arith.constant 0 : i32
    %sign3A_11 = arith.cmpi slt, %jit3A, %sign3A_10 : i32
    %sign3A_12 = arith.extui %sign3A_11 : i1 to i32
    %sign3A_13 = arith.subi %sign3A_9, %sign3A_12 : i32
    %ne3A = arith.cmpi ne, %sign3A_6, %sign3A_13 : i32
    %rem3A = arith.remsi %add3A, %jit3A : i32
    %ne3A_14 = arith.constant 0 : i32
    %ne3A_15 = arith.cmpi ne, %rem3A, %ne3A_14 : i32
    %and3A = arith.andi %ne3A, %ne3A_15 : i1
    %sub3A = arith.constant 1 : i32
    %sub3A_16 = arith.subi %div3A, %sub3A : i32
    %select_n3A = arith.select %and3A, %sub3A_16, %div3A : i32
    %mul3A_17 = arith.constant 4 : i32
    %mul3A_18 = arith.muli %select_n3A, %mul3A_17 : i32
    %mul3A_19 = arith.constant 48 : i32
    %mul3A_20 = arith.muli %mul3A_18, %mul3A_19 : i32
    %dma_start3A = tpu.memref_slice %arg2[%mul3A_20] : memref<1536xf32, #tpu.memory_space<hbm>> -> memref<192xf32, #tpu.memory_space<hbm>>
    %dma_start3A_21 = tpu.memref_slice %arg2[%mul3A_20] : memref<1536xf32, #tpu.memory_space<hbm>> -> memref<192xf32, #tpu.memory_space<hbm>>
    tpu.enqueue_dma source(%dma_start3A_21 : memref<192xf32, #tpu.memory_space<hbm>>) target(%arg4 : memref<192xf32, #tpu.memory_space<vmem>>) target_semaphore(%arg6 : memref<!tpu.dma_semaphore, #tpu.memory_space<semaphore_mem>>)
    %dma_wait3A = tpu.memref_slice %arg2[%mul3A_20] : memref<1536xf32, #tpu.memory_space<hbm>> -> memref<192xf32, #tpu.memory_space<hbm>>
    %dma_wait3A_22 = tpu.memref_slice %arg2[%mul3A_20] : memref<1536xf32, #tpu.memory_space<hbm>> -> memref<192xf32, #tpu.memory_space<hbm>>
    tpu.wait_dma2 semaphore(%arg6 : memref<!tpu.dma_semaphore, #tpu.memory_space<semaphore_mem>>) src(%dma_wait3A_22 : memref<192xf32, #tpu.memory_space<hbm>>) dst(%arg4 : memref<192xf32, #tpu.memory_space<vmem>>)
    %iota3A = tpu.iota {dimensions = array<i32: 0>} : vector<16xi32>
    %broadcast_in_dim3A = arith.constant 0xFF800000 : f32
    %broadcast_in_dim3A_23 = vector.broadcast %broadcast_in_dim3A : f32 to vector<16xf32>
    %broadcast_in_dim3A_24 = arith.constant 0.000000e+00 : f32
    %broadcast_in_dim3A_25 = vector.broadcast %broadcast_in_dim3A_24 : f32 to vector<16xf32>
    %mul3A_26 = arith.constant 2 : i32
    %mul3A_27 = arith.muli %mul3A_26, %add3A : i32
    %add3A_28 = arith.constant 0 : i32
    %add3A_29 = arith.addi %mul3A_27, %add3A_28 : i32
    %rem3A_30 = arith.constant 8 : i32
    %rem3A_31 = arith.remsi %add3A_29, %rem3A_30 : i32
    %eq3A = vector.broadcast %rem3A_31 : i32 to vector<16xi32>
    %eq3A_32 = arith.cmpi eq, %iota3A, %eq3A : vector<16xi32>
    %get3A = arith.constant 0 : index
    %get3A_33 = tpu.vector_load %arg4[%get3A] {strides = array<i32>} : memref<192xf32, #tpu.memory_space<vmem>>, vector<16xf32>,
    %select_n3A_34 = arith.select %eq3A_32, %get3A_33, %broadcast_in_dim3A_23 : vector<16xi1>, vector<16xf32>
    %reduce_max3A = arith.constant true
    %reduce_max3A_35 = vector.broadcast %reduce_max3A : i1 to vector<16xi1>
    %reduce_max3A_36 = tpu.scan <max>, %select_n3A_34 masked %reduce_max3A_35 : vector<16xf32>, vector<16xi1> -> vector<16xf32>
    %reduce_max3A_37 = vector.extract %reduce_max3A_36[15] : f32 from vector<16xf32>
    %get3A_38 = arith.constant 16 : index
    %get3A_39 = tpu.vector_load %arg4[%get3A_38] {strides = array<i32>} : memref<192xf32, #tpu.memory_space<vmem>>, vector<16xf32>,
    %select_n3A_40 = arith.select %eq3A_32, %get3A_39, %broadcast_in_dim3A_23 : vector<16xi1>, vector<16xf32>
    %reduce_max3A_41 = arith.constant true
    %reduce_max3A_42 = vector.broadcast %reduce_max3A_41 : i1 to vector<16xi1>
    %reduce_max3A_43 = tpu.scan <max>, %select_n3A_40 masked %reduce_max3A_42 : vector<16xf32>, vector<16xi1> -> vector<16xf32>
    %reduce_max3A_44 = vector.extract %reduce_max3A_43[15] : f32 from vector<16xf32>
    %get3A_45 = arith.constant 32 : index
    %get3A_46 = tpu.vector_load %arg4[%get3A_45] {strides = array<i32>} : memref<192xf32, #tpu.memory_space<vmem>>, vector<16xf32>,
    %select_n3A_47 = arith.select %eq3A_32, %get3A_46, %broadcast_in_dim3A_23 : vector<16xi1>, vector<16xf32>
    %reduce_max3A_48 = arith.constant true
    %reduce_max3A_49 = vector.broadcast %reduce_max3A_48 : i1 to vector<16xi1>
    %reduce_max3A_50 = tpu.scan <max>, %select_n3A_47 masked %reduce_max3A_49 : vector<16xf32>, vector<16xi1> -> vector<16xf32>
    %reduce_max3A_51 = vector.extract %reduce_max3A_50[15] : f32 from vector<16xf32>
    %min3A = arith.constant 0xFF800000 : f32
    %min3A_52 = arith.minimumf %min3A, %reduce_max3A_37 : f32
    %max3A = arith.constant 0xFF800000 : f32
    %max3A_53 = arith.maximumf %max3A, %reduce_max3A_37 : f32
    %max3A_54 = arith.constant 0xFF800000 : f32
    %max3A_55 = arith.maximumf %max3A_54, %reduce_max3A_44 : f32
    %max3A_56 = arith.maximumf %min3A_52, %max3A_55 : f32
    %add3A_57 = arith.constant 0.000000e+00 : f32
    %add3A_58 = arith.addf %add3A_57, %reduce_max3A_51 : f32
    %get3A_59 = arith.constant 48 : index
    %get3A_60 = tpu.vector_load %arg4[%get3A_59] {strides = array<i32>} : memref<192xf32, #tpu.memory_space<vmem>>, vector<16xf32>,
    %select_n3A_61 = arith.select %eq3A_32, %get3A_60, %broadcast_in_dim3A_23 : vector<16xi1>, vector<16xf32>
    %reduce_max3A_62 = arith.constant true
    %reduce_max3A_63 = vector.broadcast %reduce_max3A_62 : i1 to vector<16xi1>
    %reduce_max3A_64 = tpu.scan <max>, %select_n3A_61 masked %reduce_max3A_63 : vector<16xf32>, vector<16xi1> -> vector<16xf32>
    %reduce_max3A_65 = vector.extract %reduce_max3A_64[15] : f32 from vector<16xf32>
    %get3A_66 = arith.constant 64 : index
    %get3A_67 = tpu.vector_load %arg4[%get3A_66] {strides = array<i32>} : memref<192xf32, #tpu.memory_space<vmem>>, vector<16xf32>,
    %select_n3A_68 = arith.select %eq3A_32, %get3A_67, %broadcast_in_dim3A_23 : vector<16xi1>, vector<16xf32>
    %reduce_max3A_69 = arith.constant true
    %reduce_max3A_70 = vector.broadcast %reduce_max3A_69 : i1 to vector<16xi1>
    %reduce_max3A_71 = tpu.scan <max>, %select_n3A_68 masked %reduce_max3A_70 : vector<16xf32>, vector<16xi1> -> vector<16xf32>
    %reduce_max3A_72 = vector.extract %reduce_max3A_71[15] : f32 from vector<16xf32>
    %get3A_73 = arith.constant 80 : index
    %get3A_74 = tpu.vector_load %arg4[%get3A_73] {strides = array<i32>} : memref<192xf32, #tpu.memory_space<vmem>>, vector<16xf32>,
    %select_n3A_75 = arith.select %eq3A_32, %get3A_74, %broadcast_in_dim3A_23 : vector<16xi1>, vector<16xf32>
    %reduce_max3A_76 = arith.constant true
    %reduce_max3A_77 = vector.broadcast %reduce_max3A_76 : i1 to vector<16xi1>
    %reduce_max3A_78 = tpu.scan <max>, %select_n3A_75 masked %reduce_max3A_77 : vector<16xf32>, vector<16xi1> -> vector<16xf32>
    %reduce_max3A_79 = vector.extract %reduce_max3A_78[15] : f32 from vector<16xf32>
    %min3A_80 = arith.minimumf %max3A_53, %reduce_max3A_65 : f32
    %max3A_81 = arith.maximumf %max3A_53, %reduce_max3A_65 : f32
    %max3A_82 = arith.maximumf %max3A_56, %reduce_max3A_72 : f32
    %max3A_83 = arith.maximumf %min3A_80, %max3A_82 : f32
    %add3A_84 = arith.addf %add3A_58, %reduce_max3A_79 : f32
    %get3A_85 = arith.constant 96 : index
    %get3A_86 = tpu.vector_load %arg4[%get3A_85] {strides = array<i32>} : memref<192xf32, #tpu.memory_space<vmem>>, vector<16xf32>,
    %select_n3A_87 = arith.select %eq3A_32, %get3A_86, %broadcast_in_dim3A_23 : vector<16xi1>, vector<16xf32>
    %reduce_max3A_88 = arith.constant true
    %reduce_max3A_89 = vector.broadcast %reduce_max3A_88 : i1 to vector<16xi1>
    %reduce_max3A_90 = tpu.scan <max>, %select_n3A_87 masked %reduce_max3A_89 : vector<16xf32>, vector<16xi1> -> vector<16xf32>
    %reduce_max3A_91 = vector.extract %reduce_max3A_90[15] : f32 from vector<16xf32>
    %get3A_92 = arith.constant 112 : index
    %get3A_93 = tpu.vector_load %arg4[%get3A_92] {strides = array<i32>} : memref<192xf32, #tpu.memory_space<vmem>>, vector<16xf32>,
    %select_n3A_94 = arith.select %eq3A_32, %get3A_93, %broadcast_in_dim3A_23 : vector<16xi1>, vector<16xf32>
    %reduce_max3A_95 = arith.constant true
    %reduce_max3A_96 = vector.broadcast %reduce_max3A_95 : i1 to vector<16xi1>
    %reduce_max3A_97 = tpu.scan <max>, %select_n3A_94 masked %reduce_max3A_96 : vector<16xf32>, vector<16xi1> -> vector<16xf32>
    %reduce_max3A_98 = vector.extract %reduce_max3A_97[15] : f32 from vector<16xf32>
    %get3A_99 = arith.constant 128 : index
    %get3A_100 = tpu.vector_load %arg4[%get3A_99] {strides = array<i32>} : memref<192xf32, #tpu.memory_space<vmem>>, vector<16xf32>,
    %select_n3A_101 = arith.select %eq3A_32, %get3A_100, %broadcast_in_dim3A_23 : vector<16xi1>, vector<16xf32>
    %reduce_max3A_102 = arith.constant true
    %reduce_max3A_103 = vector.broadcast %reduce_max3A_102 : i1 to vector<16xi1>
    %reduce_max3A_104 = tpu.scan <max>, %select_n3A_101 masked %reduce_max3A_103 : vector<16xf32>, vector<16xi1> -> vector<16xf32>
    %reduce_max3A_105 = vector.extract %reduce_max3A_104[15] : f32 from vector<16xf32>
    %min3A_106 = arith.minimumf %max3A_81, %reduce_max3A_91 : f32
    %max3A_107 = arith.maximumf %max3A_81, %reduce_max3A_91 : f32
    %max3A_108 = arith.maximumf %max3A_83, %reduce_max3A_98 : f32
    %max3A_109 = arith.maximumf %min3A_106, %max3A_108 : f32
    %add3A_110 = arith.addf %add3A_84, %reduce_max3A_105 : f32
    %get3A_111 = arith.constant 144 : index
    %get3A_112 = tpu.vector_load %arg4[%get3A_111] {strides = array<i32>} : memref<192xf32, #tpu.memory_space<vmem>>, vector<16xf32>,
    %select_n3A_113 = arith.select %eq3A_32, %get3A_112, %broadcast_in_dim3A_23 : vector<16xi1>, vector<16xf32>
    %reduce_max3A_114 = arith.constant true
    %reduce_max3A_115 = vector.broadcast %reduce_max3A_114 : i1 to vector<16xi1>
    %reduce_max3A_116 = tpu.scan <max>, %select_n3A_113 masked %reduce_max3A_115 : vector<16xf32>, vector<16xi1> -> vector<16xf32>
    %reduce_max3A_117 = vector.extract %reduce_max3A_116[15] : f32 from vector<16xf32>
    %get3A_118 = arith.constant 160 : index
    %get3A_119 = tpu.vector_load %arg4[%get3A_118] {strides = array<i32>} : memref<192xf32, #tpu.memory_space<vmem>>, vector<16xf32>,
    %select_n3A_120 = arith.select %eq3A_32, %get3A_119, %broadcast_in_dim3A_23 : vector<16xi1>, vector<16xf32>
    %reduce_max3A_121 = arith.constant true
    %reduce_max3A_122 = vector.broadcast %reduce_max3A_121 : i1 to vector<16xi1>
    %reduce_max3A_123 = tpu.scan <max>, %select_n3A_120 masked %reduce_max3A_122 : vector<16xf32>, vector<16xi1> -> vector<16xf32>
    %reduce_max3A_124 = vector.extract %reduce_max3A_123[15] : f32 from vector<16xf32>
    %get3A_125 = arith.constant 176 : index
    %get3A_126 = tpu.vector_load %arg4[%get3A_125] {strides = array<i32>} : memref<192xf32, #tpu.memory_space<vmem>>, vector<16xf32>,
    %select_n3A_127 = arith.select %eq3A_32, %get3A_126, %broadcast_in_dim3A_23 : vector<16xi1>, vector<16xf32>
    %reduce_max3A_128 = arith.constant true
    %reduce_max3A_129 = vector.broadcast %reduce_max3A_128 : i1 to vector<16xi1>
    %reduce_max3A_130 = tpu.scan <max>, %select_n3A_127 masked %reduce_max3A_129 : vector<16xf32>, vector<16xi1> -> vector<16xf32>
    %reduce_max3A_131 = vector.extract %reduce_max3A_130[15] : f32 from vector<16xf32>
    %min3A_132 = arith.minimumf %max3A_107, %reduce_max3A_117 : f32
    %max3A_133 = arith.maximumf %max3A_107, %reduce_max3A_117 : f32
    %max3A_134 = arith.maximumf %max3A_109, %reduce_max3A_124 : f32
    %max3A_135 = arith.maximumf %min3A_132, %max3A_134 : f32
    %add3A_136 = arith.addf %add3A_110, %reduce_max3A_131 : f32
    %broadcast_in_dim3A_137 = vector.broadcast %max3A_133 : f32 to vector<16xf32>
    %broadcast_in_dim3A_138 = vector.broadcast %max3A_135 : f32 to vector<16xf32>
    %sub3A_139 = arith.subf %broadcast_in_dim3A_138, %broadcast_in_dim3A_137 : vector<16xf32>
    %exp3A = math.exp %sub3A_139 : vector<16xf32>
    %sub3A_140 = arith.constant 1.000000e+00 : f32
    %sub3A_141 = vector.broadcast %sub3A_140 : f32 to vector<16xf32>
    %sub3A_142 = arith.subf %exp3A, %sub3A_141 : vector<16xf32>
    %broadcast_in_dim3A_143 = vector.broadcast %add3A_136 : f32 to vector<16xf32>
    %neg3A = arith.constant 0.000000e+00 : f32
    %neg3A_144 = vector.broadcast %neg3A : f32 to vector<16xf32>
    %neg3A_145 = arith.subf %neg3A_144, %broadcast_in_dim3A_137 : vector<16xf32>
    %exp3A_146 = math.exp %neg3A_145 : vector<16xf32>
    %mul3A_147 = arith.mulf %broadcast_in_dim3A_143, %exp3A_146 : vector<16xf32>
    %eq3A_148 = arith.constant 0 : i32
    %eq3A_149 = vector.broadcast %eq3A_148 : i32 to vector<16xi32>
    %eq3A_150 = arith.cmpi eq, %iota3A, %eq3A_149 : vector<16xi32>
    %div3A_151 = arith.divf %sub3A_142, %mul3A_147 : vector<16xf32>
    %select_n3A_152 = arith.select %eq3A_150, %div3A_151, %broadcast_in_dim3A_25 : vector<16xi1>, vector<16xf32>
    %mul3A_153 = arith.constant 2 : i32
    %mul3A_154 = arith.muli %mul3A_153, %add3A : i32
    %add3A_155 = arith.constant 1 : i32
    %add3A_156 = arith.addi %mul3A_154, %add3A_155 : i32
    %rem3A_157 = arith.constant 8 : i32
    %rem3A_158 = arith.remsi %add3A_156, %rem3A_157 : i32
    %eq3A_159 = vector.broadcast %rem3A_158 : i32 to vector<16xi32>
    %eq3A_160 = arith.cmpi eq, %iota3A, %eq3A_159 : vector<16xi32>
    %get3A_161 = arith.constant 0 : index
    %get3A_162 = tpu.vector_load %arg4[%get3A_161] {strides = array<i32>} : memref<192xf32, #tpu.memory_space<vmem>>, vector<16xf32>,
    %select_n3A_163 = arith.select %eq3A_160, %get3A_162, %broadcast_in_dim3A_23 : vector<16xi1>, vector<16xf32>
    %reduce_max3A_164 = arith.constant true
    %reduce_max3A_165 = vector.broadcast %reduce_max3A_164 : i1 to vector<16xi1>
    %reduce_max3A_166 = tpu.scan <max>, %select_n3A_163 masked %reduce_max3A_165 : vector<16xf32>, vector<16xi1> -> vector<16xf32>
    %reduce_max3A_167 = vector.extract %reduce_max3A_166[15] : f32 from vector<16xf32>
    %get3A_168 = arith.constant 16 : index
    %get3A_169 = tpu.vector_load %arg4[%get3A_168] {strides = array<i32>} : memref<192xf32, #tpu.memory_space<vmem>>, vector<16xf32>,
    %select_n3A_170 = arith.select %eq3A_160, %get3A_169, %broadcast_in_dim3A_23 : vector<16xi1>, vector<16xf32>
    %reduce_max3A_171 = arith.constant true
    %reduce_max3A_172 = vector.broadcast %reduce_max3A_171 : i1 to vector<16xi1>
    %reduce_max3A_173 = tpu.scan <max>, %select_n3A_170 masked %reduce_max3A_172 : vector<16xf32>, vector<16xi1> -> vector<16xf32>
    %reduce_max3A_174 = vector.extract %reduce_max3A_173[15] : f32 from vector<16xf32>
    %get3A_175 = arith.constant 32 : index
    %get3A_176 = tpu.vector_load %arg4[%get3A_175] {strides = array<i32>} : memref<192xf32, #tpu.memory_space<vmem>>, vector<16xf32>,
    %select_n3A_177 = arith.select %eq3A_160, %get3A_176, %broadcast_in_dim3A_23 : vector<16xi1>, vector<16xf32>
    %reduce_max3A_178 = arith.constant true
    %reduce_max3A_179 = vector.broadcast %reduce_max3A_178 : i1 to vector<16xi1>
    %reduce_max3A_180 = tpu.scan <max>, %select_n3A_177 masked %reduce_max3A_179 : vector<16xf32>, vector<16xi1> -> vector<16xf32>
    %reduce_max3A_181 = vector.extract %reduce_max3A_180[15] : f32 from vector<16xf32>
    %min3A_182 = arith.constant 0xFF800000 : f32
    %min3A_183 = arith.minimumf %min3A_182, %reduce_max3A_167 : f32
    %max3A_184 = arith.constant 0xFF800000 : f32
    %max3A_185 = arith.maximumf %max3A_184, %reduce_max3A_167 : f32
    %max3A_186 = arith.constant 0xFF800000 : f32
    %max3A_187 = arith.maximumf %max3A_186, %reduce_max3A_174 : f32
    %max3A_188 = arith.maximumf %min3A_183, %max3A_187 : f32
    %add3A_189 = arith.constant 0.000000e+00 : f32
    %add3A_190 = arith.addf %add3A_189, %reduce_max3A_181 : f32
    %get3A_191 = arith.constant 48 : index
    %get3A_192 = tpu.vector_load %arg4[%get3A_191] {strides = array<i32>} : memref<192xf32, #tpu.memory_space<vmem>>, vector<16xf32>,
    %select_n3A_193 = arith.select %eq3A_160, %get3A_192, %broadcast_in_dim3A_23 : vector<16xi1>, vector<16xf32>
    %reduce_max3A_194 = arith.constant true
    %reduce_max3A_195 = vector.broadcast %reduce_max3A_194 : i1 to vector<16xi1>
    %reduce_max3A_196 = tpu.scan <max>, %select_n3A_193 masked %reduce_max3A_195 : vector<16xf32>, vector<16xi1> -> vector<16xf32>
    %reduce_max3A_197 = vector.extract %reduce_max3A_196[15] : f32 from vector<16xf32>
    %get3A_198 = arith.constant 64 : index
    %get3A_199 = tpu.vector_load %arg4[%get3A_198] {strides = array<i32>} : memref<192xf32, #tpu.memory_space<vmem>>, vector<16xf32>,
    %select_n3A_200 = arith.select %eq3A_160, %get3A_199, %broadcast_in_dim3A_23 : vector<16xi1>, vector<16xf32>
    %reduce_max3A_201 = arith.constant true
    %reduce_max3A_202 = vector.broadcast %reduce_max3A_201 : i1 to vector<16xi1>
    %reduce_max3A_203 = tpu.scan <max>, %select_n3A_200 masked %reduce_max3A_202 : vector<16xf32>, vector<16xi1> -> vector<16xf32>
    %reduce_max3A_204 = vector.extract %reduce_max3A_203[15] : f32 from vector<16xf32>
    %get3A_205 = arith.constant 80 : index
    %get3A_206 = tpu.vector_load %arg4[%get3A_205] {strides = array<i32>} : memref<192xf32, #tpu.memory_space<vmem>>, vector<16xf32>,
    %select_n3A_207 = arith.select %eq3A_160, %get3A_206, %broadcast_in_dim3A_23 : vector<16xi1>, vector<16xf32>
    %reduce_max3A_208 = arith.constant true
    %reduce_max3A_209 = vector.broadcast %reduce_max3A_208 : i1 to vector<16xi1>
    %reduce_max3A_210 = tpu.scan <max>, %select_n3A_207 masked %reduce_max3A_209 : vector<16xf32>, vector<16xi1> -> vector<16xf32>
    %reduce_max3A_211 = vector.extract %reduce_max3A_210[15] : f32 from vector<16xf32>
    %min3A_212 = arith.minimumf %max3A_185, %reduce_max3A_197 : f32
    %max3A_213 = arith.maximumf %max3A_185, %reduce_max3A_197 : f32
    %max3A_214 = arith.maximumf %max3A_188, %reduce_max3A_204 : f32
    %max3A_215 = arith.maximumf %min3A_212, %max3A_214 : f32
    %add3A_216 = arith.addf %add3A_190, %reduce_max3A_211 : f32
    %get3A_217 = arith.constant 96 : index
    %get3A_218 = tpu.vector_load %arg4[%get3A_217] {strides = array<i32>} : memref<192xf32, #tpu.memory_space<vmem>>, vector<16xf32>,
    %select_n3A_219 = arith.select %eq3A_160, %get3A_218, %broadcast_in_dim3A_23 : vector<16xi1>, vector<16xf32>
    %reduce_max3A_220 = arith.constant true
    %reduce_max3A_221 = vector.broadcast %reduce_max3A_220 : i1 to vector<16xi1>
    %reduce_max3A_222 = tpu.scan <max>, %select_n3A_219 masked %reduce_max3A_221 : vector<16xf32>, vector<16xi1> -> vector<16xf32>
    %reduce_max3A_223 = vector.extract %reduce_max3A_222[15] : f32 from vector<16xf32>
    %get3A_224 = arith.constant 112 : index
    %get3A_225 = tpu.vector_load %arg4[%get3A_224] {strides = array<i32>} : memref<192xf32, #tpu.memory_space<vmem>>, vector<16xf32>,
    %select_n3A_226 = arith.select %eq3A_160, %get3A_225, %broadcast_in_dim3A_23 : vector<16xi1>, vector<16xf32>
    %reduce_max3A_227 = arith.constant true
    %reduce_max3A_228 = vector.broadcast %reduce_max3A_227 : i1 to vector<16xi1>
    %reduce_max3A_229 = tpu.scan <max>, %select_n3A_226 masked %reduce_max3A_228 : vector<16xf32>, vector<16xi1> -> vector<16xf32>
    %reduce_max3A_230 = vector.extract %reduce_max3A_229[15] : f32 from vector<16xf32>
    %get3A_231 = arith.constant 128 : index
    %get3A_232 = tpu.vector_load %arg4[%get3A_231] {strides = array<i32>} : memref<192xf32, #tpu.memory_space<vmem>>, vector<16xf32>,
    %select_n3A_233 = arith.select %eq3A_160, %get3A_232, %broadcast_in_dim3A_23 : vector<16xi1>, vector<16xf32>
    %reduce_max3A_234 = arith.constant true
    %reduce_max3A_235 = vector.broadcast %reduce_max3A_234 : i1 to vector<16xi1>
    %reduce_max3A_236 = tpu.scan <max>, %select_n3A_233 masked %reduce_max3A_235 : vector<16xf32>, vector<16xi1> -> vector<16xf32>
    %reduce_max3A_237 = vector.extract %reduce_max3A_236[15] : f32 from vector<16xf32>
    %min3A_238 = arith.minimumf %max3A_213, %reduce_max3A_223 : f32
    %max3A_239 = arith.maximumf %max3A_213, %reduce_max3A_223 : f32
    %max3A_240 = arith.maximumf %max3A_215, %reduce_max3A_230 : f32
    %max3A_241 = arith.maximumf %min3A_238, %max3A_240 : f32
    %add3A_242 = arith.addf %add3A_216, %reduce_max3A_237 : f32
    %get3A_243 = arith.constant 144 : index
    %get3A_244 = tpu.vector_load %arg4[%get3A_243] {strides = array<i32>} : memref<192xf32, #tpu.memory_space<vmem>>, vector<16xf32>,
    %select_n3A_245 = arith.select %eq3A_160, %get3A_244, %broadcast_in_dim3A_23 : vector<16xi1>, vector<16xf32>
    %reduce_max3A_246 = arith.constant true
    %reduce_max3A_247 = vector.broadcast %reduce_max3A_246 : i1 to vector<16xi1>
    %reduce_max3A_248 = tpu.scan <max>, %select_n3A_245 masked %reduce_max3A_247 : vector<16xf32>, vector<16xi1> -> vector<16xf32>
    %reduce_max3A_249 = vector.extract %reduce_max3A_248[15] : f32 from vector<16xf32>
    %get3A_250 = arith.constant 160 : index
    %get3A_251 = tpu.vector_load %arg4[%get3A_250] {strides = array<i32>} : memref<192xf32, #tpu.memory_space<vmem>>, vector<16xf32>,
    %select_n3A_252 = arith.select %eq3A_160, %get3A_251, %broadcast_in_dim3A_23 : vector<16xi1>, vector<16xf32>
    %reduce_max3A_253 = arith.constant true
    %reduce_max3A_254 = vector.broadcast %reduce_max3A_253 : i1 to vector<16xi1>
    %reduce_max3A_255 = tpu.scan <max>, %select_n3A_252 masked %reduce_max3A_254 : vector<16xf32>, vector<16xi1> -> vector<16xf32>
    %reduce_max3A_256 = vector.extract %reduce_max3A_255[15] : f32 from vector<16xf32>
    %get3A_257 = arith.constant 176 : index
    %get3A_258 = tpu.vector_load %arg4[%get3A_257] {strides = array<i32>} : memref<192xf32, #tpu.memory_space<vmem>>, vector<16xf32>,
    %select_n3A_259 = arith.select %eq3A_160, %get3A_258, %broadcast_in_dim3A_23 : vector<16xi1>, vector<16xf32>
    %reduce_max3A_260 = arith.constant true
    %reduce_max3A_261 = vector.broadcast %reduce_max3A_260 : i1 to vector<16xi1>
    %reduce_max3A_262 = tpu.scan <max>, %select_n3A_259 masked %reduce_max3A_261 : vector<16xf32>, vector<16xi1> -> vector<16xf32>
    %reduce_max3A_263 = vector.extract %reduce_max3A_262[15] : f32 from vector<16xf32>
    %min3A_264 = arith.minimumf %max3A_239, %reduce_max3A_249 : f32
    %max3A_265 = arith.maximumf %max3A_239, %reduce_max3A_249 : f32
    %max3A_266 = arith.maximumf %max3A_241, %reduce_max3A_256 : f32
    %max3A_267 = arith.maximumf %min3A_264, %max3A_266 : f32
    %add3A_268 = arith.addf %add3A_242, %reduce_max3A_263 : f32
    %broadcast_in_dim3A_269 = vector.broadcast %max3A_265 : f32 to vector<16xf32>
    %broadcast_in_dim3A_270 = vector.broadcast %max3A_267 : f32 to vector<16xf32>
    %sub3A_271 = arith.subf %broadcast_in_dim3A_270, %broadcast_in_dim3A_269 : vector<16xf32>
    %exp3A_272 = math.exp %sub3A_271 : vector<16xf32>
    %sub3A_273 = arith.constant 1.000000e+00 : f32
    %sub3A_274 = vector.broadcast %sub3A_273 : f32 to vector<16xf32>
    %sub3A_275 = arith.subf %exp3A_272, %sub3A_274 : vector<16xf32>
    %broadcast_in_dim3A_276 = vector.broadcast %add3A_268 : f32 to vector<16xf32>
    %neg3A_277 = arith.constant 0.000000e+00 : f32
    %neg3A_278 = vector.broadcast %neg3A_277 : f32 to vector<16xf32>
    %neg3A_279 = arith.subf %neg3A_278, %broadcast_in_dim3A_269 : vector<16xf32>
    %exp3A_280 = math.exp %neg3A_279 : vector<16xf32>
    %mul3A_281 = arith.mulf %broadcast_in_dim3A_276, %exp3A_280 : vector<16xf32>
    %eq3A_282 = arith.constant 1 : i32
    %eq3A_283 = vector.broadcast %eq3A_282 : i32 to vector<16xi32>
    %eq3A_284 = arith.cmpi eq, %iota3A, %eq3A_283 : vector<16xi32>
    %div3A_285 = arith.divf %sub3A_275, %mul3A_281 : vector<16xf32>
    %select_n3A_286 = arith.select %eq3A_284, %div3A_285, %select_n3A_152 : vector<16xi1>, vector<16xf32>
    %swap3A = arith.constant 0 : index
    %swap3A_287 = tpu.vector_load %arg5[%swap3A] {strides = array<i32>} : memref<16xf32, #tpu.memory_space<vmem>>, vector<16xf32>,
    tpu.vector_store %arg5[%swap3A], %select_n3A_286 {strides = array<i32>} : memref<16xf32, #tpu.memory_space<vmem>>, vector<16xf32>,
    %mul3A_288 = arith.constant 16 : i32
    %mul3A_289 = arith.muli %add3A, %mul3A_288 : i32
    "tpu.region"() ({
      %run_scoped3A = tpu.sem_alloc : memref<!tpu.dma_semaphore, #tpu.memory_space<semaphore_mem>>
      %dma_start3A_290 = tpu.memref_slice %arg3[%mul3A_289] : memref<512xf32, #tpu.memory_space<hbm>> -> memref<16xf32, #tpu.memory_space<hbm>>
      %dma_start3A_291 = tpu.memref_slice %arg3[%mul3A_289] : memref<512xf32, #tpu.memory_space<hbm>> -> memref<16xf32, #tpu.memory_space<hbm>>
      tpu.enqueue_dma source(%arg5 : memref<16xf32, #tpu.memory_space<vmem>>) target(%dma_start3A_291 : memref<16xf32, #tpu.memory_space<hbm>>) target_semaphore(%run_scoped3A : memref<!tpu.dma_semaphore, #tpu.memory_space<semaphore_mem>>)
      %dma_wait3A_292 = tpu.memref_slice %arg3[%mul3A_289] : memref<512xf32, #tpu.memory_space<hbm>> -> memref<16xf32, #tpu.memory_space<hbm>>
      %dma_wait3A_293 = tpu.memref_slice %arg3[%mul3A_289] : memref<512xf32, #tpu.memory_space<hbm>> -> memref<16xf32, #tpu.memory_space<hbm>>
      tpu.wait_dma2 semaphore(%run_scoped3A : memref<!tpu.dma_semaphore, #tpu.memory_space<semaphore_mem>>) src(%arg5 : memref<16xf32, #tpu.memory_space<vmem>>) dst(%dma_wait3A_293 : memref<16xf32, #tpu.memory_space<hbm>>)
      tpu.yield
    }) : () -> ()
    return
  }
}

</mosaic_0001>

<sc_bundles>
// kernel: kernel.4.cloned.1.call-start
scs
__scs_entry_jumppad:
0x0: {  	(pc) =	sbr.rel $0x88, $3  }
0x1: {  	(tag) =	ssettag $0x0;
	lr =	simm.s32 $0x1  }
0x2: {  	[smem:$0x3FA0] =	sst lr;
	_ =	strace $0xD0000000  }
0x3: {  	_ = 	snop  }
0x4: {  	_ = 	snop  }
0x5: {  	_ = 	snop  }
0x6: {  	_ = 	snop  }
0x7: {  	_ = 	snop  }
__scs_overlays_trampoline_lowered:
0x8: {  	[smem:$0x3FAF] =	sst s0  }
0x9: {  	[smem:$0x3FB0] =	sst s1  }
0xa: {  	[smem:$0x3FB1] =	sst s2  }
0xb: {  	[smem:$0x3FB2] =	sst s3  }
0xc: {  	[smem:$0x3FB3] =	sst s4  }
0xd: {  	[smem:$0x3FB4] =	sst s5  }
0xe: {  	[smem:$0x3FB5] =	sst s6  }
0xf: {  	[smem:$0x3FB6] =	sst s7  }
0x10: {  	[smem:$0x3FB7] =	sst s8  }
0x11: {  	[smem:$0x3FB8] =	sst s9;
	s0 =	simm.s32 @!p0 $0x0  }
0x12: {  	s1 =	sld [smem:$0x3F9E];
	s0 =	simm.s32 @p0 $0x1  }
0x13: {  	[smem:$0x3FB9] =	sst s0;
	s0 =	simm.s32 @!p1 $0x0  }
0x14: {  	s2 =	sld [smem:$0x3F9D];
	s0 =	simm.s32 @p1 $0x1  }
0x15: {  	[smem:$0x3FBA] =	sst s0;
	s0 =	simm.s32 @!p2 $0x0  }
0x16: {  	s3 =	sld [smem:$0x3FDB];
	s0 =	simm.s32 @p2 $0x1  }
0x17: {  	s4 =	simm.s32 $0x1BF5;
	[smem:$0x3FBC] =	sst s0  }
0x18: {  	s0 =	sld [smem:$0x3F9F];
	_ =	swait.ge [sflag:s4], $0x0  }
0x19: {  	s7 =	sld [smem:$0x3FA0]  }
0x1a: {  	s8 =	sadd.s32 $0xFFFFE003, lr  }
0x1b: {  	s9 =	sadd.s32 $0xFFFFFEF7, lr;
	s5 =	simm.s32 $0xFFFFFFFF;
	p2 =	slt.u32 s8, $0xFFFFF086  }
0x1c: {  	p1 =	slt.u32 s9, $0xF7A;
	s5 =	simm.s32 @!p2 $0x0  }
0x1d: {  	s5 =	simm.s32 @p1 $0x1;
	p0 =	seq.s32 s7, s2  }
0x1e: {  	s7 =	smul.u32 @!p0 $0xF7A, s2;
	p2 =	seq.s32 @!p0 s5, $0x0  }
0x1f: {  	s9 =	smul.u32 $0xF7A, s1;
	s8 =	simm.s32 @!p0 $0x1BF5;
	p2 =	por !p2, p0  }
0x20: {  	[sflag:s8] =	ssyncset.s32 @!p0 $0xFFFFF086;
	s6 =	sadd.s32 @!p0 s3, s7;
	s7 =	simm.s32 @!p0 $0x108  }
0x21: {  	s3 =	sadd.s32 s3, s9;
	s6 =	sadd.s32 @!p0 $0x88, s6;
	s7 =	simm.s32 @p2 $0x1082  }
0x22: {  	[simem:s7], [sflag:s8] =	dma.local @!p0 [hbm:s6], $0xF7A  }
0x23: {  	s9 =	sor.u32 $0xD0000000, s2;
	s6 =	simm.s32 $0x108;
	_ =	swait.ge @!p0 [sflag:s8], $0x0  }
0x24: {  	s3 =	sadd.s32 $0x88, s3;
	s6 =	simm.s32 @!p1 $0x1082;
	[sflag:s4] =	ssyncset.s32 $0xFFFFF086  }
0x25: {  	[simem:s6], [sflag:s4] =	dma.local [hbm:s3], $0xF7A  }
0x26: {  	[smem:$0x3FA0] =	sst s1;
	(tag) =	ssettag s2;
	_ =	strace s9  }
0x27: {  	s1 =	sld [smem:$0x3FB0]  }
0x28: {  	s2 =	sld [smem:$0x3FB1]  }
0x29: {  	s4 =	sld [smem:$0x3FB3]  }
0x2a: {  	p0 =	seq.s32 s5, $0x0;
	s5 =	sld [smem:$0x3FB4]  }
0x2b: {  	s6 =	sld [smem:$0x3FB5]  }
0x2c: {  	s7 =	sld [smem:$0x3FB6]  }
0x2d: {  	s3 =	simm.s32 $0x108;
	s8 =	sld [smem:$0x3FB7]  }
0x2e: {  	s3 =	simm.s32 @!p0 $0x1082;
	s9 =	sld [smem:$0x3FB8]  }
0x2f: {  	lr =	sadd.s32 s0, s3;
	s0 =	sld [smem:$0x3FAF]  }
0x30: {  	s3 =	sld [smem:$0x3FB2]  }
0x31: {  	[smem:$0x3FBB] =	sst s10  }
0x32: {  	s10 =	sld [smem:$0x3FB9];
	_ =	sdelay $0x3  }
0x33: {  	p0 =	seq.s32 s10, $0x1;
	s10 =	sld [smem:$0x3FBB];
	_ =	sdelay $0x3  }
0x34: {  	[smem:$0x3FBB] =	sst s10  }
0x35: {  	s10 =	sld [smem:$0x3FBA];
	_ =	sdelay $0x3  }
0x36: {  	p1 =	seq.s32 s10, $0x1;
	s10 =	sld [smem:$0x3FBB];
	_ =	sdelay $0x3  }
0x37: {  	[smem:$0x3FBB] =	sst s10  }
0x38: {  	s10 =	sld [smem:$0x3FBC]  }
0x39: {  	_ = 	snop;
	(pc) =	sbr.ind lr, $3  }
0x3a: {  	_ = 	snop  }
0x3b: {  	_ = 	snop  }
0x3c: {  	p2 =	seq.s32 s10, $0x1;
	s10 =	sld [smem:$0x3FBB]  }
0x3d: {  	_ =	shalt  }
0x3e: {  	_ =	shalt  }
0x3f: {  	_ =	shalt  }
0x40: {  	_ =	shalt  }
0x41: {  	_ =	shalt  }
0x42: {  	_ =	shalt  }
0x43: {  	_ =	shalt  }
0x44: {  	_ =	shalt  }
0x45: {  	_ =	shalt  }
0x46: {  	_ =	shalt  }
0x47: {  	_ =	shalt  }
0x48: {  	_ =	shalt  }
0x49: {  	_ =	shalt  }
0x4a: {  	_ =	shalt  }
0x4b: {  	_ =	shalt  }
0x4c: {  	_ =	shalt  }
0x4d: {  	_ =	shalt  }
0x4e: {  	_ =	shalt  }
0x4f: {  	_ =	shalt  }
0x50: {  	_ =	shalt  }
0x51: {  	_ =	shalt  }
0x52: {  	_ =	shalt  }
0x53: {  	_ =	shalt  }
0x54: {  	_ =	shalt  }
0x55: {  	_ =	shalt  }
0x56: {  	_ =	shalt  }
0x57: {  	_ =	shalt  }
0x58: {  	_ =	shalt  }
0x59: {  	_ =	shalt  }
0x5a: {  	_ =	shalt  }
0x5b: {  	_ =	shalt  }
0x5c: {  	_ =	shalt  }
0x5d: {  	_ =	shalt  }
0x5e: {  	_ =	shalt  }
0x5f: {  	_ =	shalt  }
0x60: {  	_ =	shalt  }
0x61: {  	_ =	shalt  }
0x62: {  	_ =	shalt  }
0x63: {  	_ =	shalt  }
0x64: {  	_ =	shalt  }
0x65: {  	_ =	shalt  }
0x66: {  	_ =	shalt  }
0x67: {  	_ =	shalt  }
0x68: {  	_ =	shalt  }
0x69: {  	_ =	shalt  }
0x6a: {  	_ =	shalt  }
0x6b: {  	_ =	shalt  }
0x6c: {  	_ =	shalt  }
0x6d: {  	_ =	shalt  }
0x6e: {  	_ =	shalt  }
0x6f: {  	_ =	shalt  }
0x70: {  	_ =	shalt  }
0x71: {  	_ =	shalt  }
0x72: {  	_ =	shalt  }
0x73: {  	_ =	shalt  }
0x74: {  	_ =	shalt  }
0x75: {  	_ =	shalt  }
0x76: {  	_ =	shalt  }
0x77: {  	_ =	shalt  }
0x78: {  	_ =	shalt  }
0x79: {  	_ =	shalt  }
0x7a: {  	_ =	shalt  }
0x7b: {  	_ =	shalt  }
0x7c: {  	_ =	shalt  }
0x7d: {  	_ =	shalt  }
0x7e: {  	_ =	shalt  }
0x7f: {  	_ =	shalt  }
0x80: {  	_ =	shalt  }
0x81: {  	_ =	shalt  }
0x82: {  	_ =	shalt  }
0x83: {  	_ =	shalt  }
0x84: {  	_ =	shalt  }
0x85: {  	_ =	shalt  }
0x86: {  	_ =	shalt  }
0x87: {  	_ =	shalt  }
.Lfunc_end0:
.L_simem_size_0:
called_computation_lowered:
.L_overlay_start_0:
0x88: {  	s2 =	sld [smem:$0x3FD9]  }
0x89: {  	s3 =	sld [smem:$0x3FFE];
	_ =	sdelay $0x1  }
0x8a: {  	s1 =	srdreg.scid  }
0x8b: {  	s0 =	sand.u32 $0x1, s1  }
0x8c: {  	s17 =	sshll.u32 s0, $0xA;
	s2 =	sadd.s32 s3, s2  }
0x8d: {  	s2 =	sadd.s32 s2, s17  }
0x8e: {  	[smem:$0x3FC7] =	sst s2  }
0x8f: {  	_ = 	snop  }
0x90: {  	s2 =	sld [smem:$0x3FC9];
	(tm) =	ssettm $0x1  }
0x91: {  	s18 =	sld [smem:$0x3FFB];
	_ =	sdelay $0x3  }
0x92: {  	_ =	strace s18  }
0x93: {  	s3 =	sld [smem:$0x3FFC];
	_ =	sdelay $0x3  }
0x94: {  	_ =	strace s3  }
0x95: {  	s3 =	sld [smem:$0x3FFD];
	_ =	sdelay $0x3  }
0x96: {  	_ =	strace s3  }
0x97: {  	_ =	strace $0x8FFFFFFF  }
0x98: {  	s19 =	sld [smem:$0x3FDB];
	_ =	sdelay $0x1  }
0x99: {  	s4 =	simm.s32 $_scs_section_size  }
0x9a: {  	s5 =	simm.s32 $_size__tile_overlayer_lowered;
	s6 =	simm.s32 $_tile_overlayer_lowered  }
0x9b: {  	s22 =	simm.s32 $0x1BFF;
	s21 =	sshll.u32 s6, $0x1;
	s3 =	sadd.s32 s4, s19  }
0x9c: {  	s7 =	simm.s32 $0x0;
	s20 =	sshll.u32 s5, $0x1;
	s5 =	sadd.s32 s21, s3  }
0x9d: {  	[timem:s7], [sflag:s22] =	dma.local [hbm:s5], s20  }
0x9e: {  	_ =	swait.ge [sflag:s22], s20  }
0x9f: {  	s4 =	ssub.s32 $0x0, s20;
	[sflag:s22] =	ssyncset.done $0x0  }
0xa0: {  	[sflag:s22] =	ssyncadd.s32 s4;
	_ =	sdelay $0x1  }
0xa1: {  	s23 =	simm.s32 $0x1B8B  }
0xa2: {  	_ =	swait.ge [sflag:s23], $0x1  }
0xa3: {  	[sflag:s23] =	ssyncset.done $0x0  }
0xa4: {  	s25 =	simm.s32 $0x1B8E;
	s24 =	sld [smem:$0x3FFE];
	[sflag:s23] =	ssyncadd.s32 $0xFFFFFFFF  }
0xa5: {  	s26 =	simm.s32 $execute0_lowered;
	[smem:$0x3FD2] =	sst s25  }
0xa6: {  	s5 =	sshll.u32 s26, $0x1;
	_ =	strace $0x80000046;
	[dreg:$0x1] =	wrdreg $0xFFFFFFFF  }
0xa7: {  	s28 =	simm.s32 $_size_execute0_lowered;
	s3 =	sadd.s32 s3, s5;
	[dreg:$0x0] =	wrdreg $0x0  }
0xa8: {  	s5 =	sshll.u32 s28, $0x1;
	[dreg:$0x2] =	wrdreg s3  }
0xa9: {  	[dreg:$0x3] =	wrdreg s5  }
0xaa: {  	[dreg:$0x4] =	wrdreg $0xC0  }
0xab: {  	_ =	task [dreg:s7], $0x5FFFF  }
0xac: {  	[dreg:$0x1] =	wrdreg $0xFFFFFFFF  }
0xad: {  	[dreg:$0x0] =	wrdreg $0x60  }
0xae: {  	[dreg:$0x2] =	wrdreg s2  }
0xaf: {  	[dreg:$0x3] =	wrdreg s24  }
0xb0: {  	[dreg:$0x4] =	wrdreg $0x9  }
0xb1: {  	_ =	task.clear_ibuf [dreg:s7], $0x5FFFF;
	_ =	strace $0x90000046  }
0xb2: {  	s29 =	simm.s32 $0x9;
	_ =	strace $0x80000048  }
0xb3: {  	_ =	swait.ge [sflag:s29], $0x1  }
0xb4: {  	[sflag:s29] =	ssyncadd.s32 $0xFFFFFFFF  }
0xb5: {  	_ =	strace $0x90000048  }
0xb6: {  	_ =	sfence  }
0xb7: {  	s30 =	sld [smem:$0x0];
	_ =	sdelay $0x2  }
0xb8: {  	s31 =	sshll.u32 s1, $0xD;
	s1 =	sshrl.u32 s1, $0x2  }
0xb9: {  	s3 =	sand.u32 $0x4000, s31;
	s1 =	sadd.s32 s1, s30  }
0xba: {  	s0 =	sor.u32 s3, s0;
	s1 =	sshll.u32 s1, $0x11  }
0xbb: {  	s0 =	sor.u32 s1, s0  }
0xbc: {  	s0 =	sadd.s32 $0x8F2B, s0  }
0xbd: {  	[sflag:s0] =	ssyncadd.remote.s32 $0x1  }
0xbe: {  	_ =	sfence.sel $0xFFFF  }
0xbf: {  	[dreg:$0x0] =	wrdreg $0xFFFFFFFF;
	(pc) =	sbr.abs _section_cstart, $3  }
0xc0: {  	[dreg:$0x1] =	wrdreg $0xFFFFFFFF  }
0xc1: {  	_ =	task.clear_ibuf [dreg:s7], $0x2FFFF;
	_ =	strace $0x9FFFFFFF  }
0xc2: {  	(tm) =	ssettm $0x7FFFFFFF  }
0xc3: {  	_ =	shalt  }
tec
execute0_lowered:
.L_overlay_start_1:
0x0: {  	(tag) =	ssettag $0x1  }
0x1: {  	s0 =	stileid.u32  }
0x2: {  	s1 =	srdreg.scid;
	s4 =	rddreg [dreg:$0x0]  }
0x3: {  	s5 =	rddreg [dreg:$0x1];
	s2 =	simm.s32 $0x0;
	s13 =	simm.s32 $0x2  }
0x4: {  	s14 =	simm.s32 $0x19000;
	s15 =	simm.s32 $0x19C00;
	s16 =	simm.s32 $0x1A000  }
0x5: {  	s17 =	simm.s32 $0x3;
	s18 =	simm.s32 $0x0;
	s3 =	sand.u32 $0x1, s1  }
0x6: {  	s24 =	sshll.u32 s0, $0x1;
	s1 =	rddreg [dreg:$0x2];
	s7 =	sshrl.u32 s0, $0x1  }
0x7: {  	[smem:$0x7FF] =	sst s2;
	s6 =	sor.u32 s3, s24;
	s25 =	smul.u32 $0x7A1400, s7  }
0x8: {  	s7 =	sshll.u32 s7, $0x7;
	s8 =	smul.u32 $0x6, s6;
	s9 =	sand.u32 $0x3, s6  }
0x9: {  	_ =	strace $0x80000047;
	s26 =	ssub.s32 $0x2, s3;
	s10 =	smul.u32 $0x1E8400, s9  }
0xa: {  	s11 =	sadd.s32 s7, s5;
	s30 =	sshrl.u32 s26, $0x1;
	s29 =	smul.u32 $0x3D080, s9  }
0xb: {  	s6 =	sshrl.u32 s25, $0x3;
	s31 =	ssub.s32 s26, s30;
	p0 =	seq.s32 s9, $0x3  }
0xc: {  	s12 =	sadd.s32 s8, s5;
	s6 =	sadd.s32 s6, s4;
	s8 =	sadd.s32 $0x800, s11  }
0xd: {  	s11 =	simm.s32 $0xC800;
	s28 =	sadd.s32 s25, s10;
	s6 =	sadd.s32 s29, s6  }
0xe: {  	vm0 =	vcmask $0x320;
	s9 =	sadd.s32 $0xC00, s12;
	s10 =	smax.u32 s31, $0x1;
	s3 =	sshrl.u32 s28, $0x3  }
0xf: {  	vm1 =	vcmask $0x720;
	vm2 =	vcmask $0xB20;
	vm3 =	vcmask $0xF20;
	s12 =	simm.s32 $0x1;
	s5 =	sadd.s32 $0x3200, s6;
	s3 =	sadd.s32 s4, s3  }
0x10: {  	vm4 =	vcmask $0x1320;
	vm5 =	vcmask $0x1720;
	vm6 =	vcmask $0x1B20;
	s6 =	sadd.s32 $0x4B00, s6;
	s4 =	sadd.s32 $0x1900, s3;
	s7 =	sadd.s32 $0x3CF00, s3  }
.LBB2_1:
0x11: {  	v12 =	vimm.f32 $-Inf;
	v11 =	vimm.f32 $0.0e+00;
	v2 =	vimm.f32 $0.0e+00  }
0x12: {  	v3 =	vimm.f32 $0.0e+00;
	v4 =	vimm.f32 $0.0e+00;
	v5 =	vimm.f32 $0.0e+00  }
0x13: {  	v22 =	vimm.f32 $0.0e+00;
	v17 =	vimm.f32 $0.0e+00;
	v15 =	vimm.f32 $0.0e+00  }
0x14: {  	v27 =	vimm.f32 $-Inf;
	v26 =	vimm.f32 $-Inf;
	v25 =	vimm.f32 $-Inf  }
0x15: {  	v24 =	vimm.f32 $-Inf;
	v28 =	vimm.f32 $-Inf;
	v16 =	vimm.f32 $-Inf  }
0x16: {  	[tilespmem:s2], [sflag:$0x1] =	stream.linear.gather [hbm4b:s3+s2], $0xC800, $0x38;
	v18 =	vimm.f32 $-Inf;
	v30 =	vimm.f32 $-Inf;
	v13 =	vimm.f32 $-Inf;
	[tilespmem:$0x1A080] =	vst v63  }
0x17: {  	v14 =	vimm.f32 $-Inf;
	v19 =	vimm.f32 $-Inf;
	v21 =	vimm.f32 $-Inf;
	s19 =	simm.s32 $0x0  }
0x18: {  	v23 =	vimm.f32 $-Inf;
	v29 =	vimm.f32 $-Inf;
	v10 =	vimm.f32 $-Inf;
	[tilespmem:s11], [sflag:$0x2] =	stream.linear.gather [hbm4b:s4+s2], $0xC800, $0x38;
	[tilespmem:$0x1A080] =	vst v63  }
.LBB2_2:
0x19: {  	s20 =	simm.s32 $0x0  }
0x1a: {  	_ =	swait.ge [sflag:s12], $0xC800;
	s21 =	sand.u32 $0x7, s20  }
0x1b: {  	[sflag:s12] =	ssyncset.done $0x0;
	s22 =	sand.u32 $0x70, s20;
	s20 =	sand.u32 $0xFC00, s20  }
0x1c: {  	s21 =	sshll.u32 s21, $0x4;
	[sflag:s12] =	ssyncadd.s32 $0xFFFF3800;
	s20 =	sor.u32 s22, s20  }
0x1d: {  	s21 =	sadd.s32 $0x0, s21;
	v7 =	vld [tilespmem:s20+$0x0]  }
0x1e: {  	v20 =	vld [tilespmem:s20+$0x80];
	s21 =	sor.u32 $0x380, s21  }
0x1f: {  	v6 =	vld [tilespmem:s21+$0x0]  }
0x20: {  	v34 =	vld [tilespmem:s20+$0x200]  }
0x21: {  	v36 =	vld [tilespmem:s20+$0x280]  }
0x22: {  	v32 =	vld [tilespmem:s20+$0x100]  }
0x23: {  	s29 =	simm.s32 $0x1;
	v37 =	vld [tilespmem:s20+$0x300]  }
0x24: {  	v33 =	vld [tilespmem:s20+$0x180];
	s20 =	sand.u32 $0x7, s29;
	v9 =	vmul.f32 $1.442695020e+00, v7;
	v8 =	vmul.f32 $1.442695020e+00, v6  }
0x25: {  	s31 =	simm.s32 $0x10;
	s30 =	sshll.u32 s20, $0x4;
	s20 =	simm.s32 $0x80;
	v31 =	vmul.f32 $1.442695020e+00, v20;
	v38 =	vmin.f32 v7, v10;
	v40 =	vmul.f32 $1.442695020e+00, v34  }
0x26: {  	s22 =	sand.u32 $0x70, s31;
	s23 =	sand.u32 $0xFC00, s20;
	v39 =	vmax.f32 v10, v7;
	v41 =	vmul.f32 $1.442695020e+00, v36;
	(erf) = vpow2.f32 v8  }
0x27: {  	s22 =	sor.u32 s22, s23;
	v7 =	vmax.f32 v23, v32;
	v8 =	vmul.f32 $1.442695020e+00, v32;
	(erf) = vpow2.f32 v9  }
0x28: {  	v63 =	vld [tilespmem:s22+$0x0];
	v10 =	vmax.f32 v14, v36;
	v42 =	vmul.f32 $1.442695020e+00, v37;
	(erf) = vpow2.f32 v31  }
0x29: {  	v60 =	vmin.f32 v20, v29;
	v23 =	vmin.f32 v32, v23;
	(erf) = vpow2.f32 v8  }
0x2a: {  	v61 =	vmin.f32 v33, v21;
	v14 =	vmin.f32 v36, v14;
	v18 =	vmax.f32 v18, v38  }
0x2b: {  	v24 =	vmax.f32 v24, v61;
	v26 =	vmax.f32 v26, v14;
	v35 =	vmin.f32 v6, v30  }
0x2c: {  	s21 =	sadd.s32 $0x80, s30;
	v30 =	vmax.f32 v30, v6;
	v6 =	vmax.f32 v29, v20;
	v31 =	vmul.f32 $1.442695020e+00, v33  }
0x2d: {  	s21 =	sor.u32 $0x380, s21;
	v43 =	vld [tilespmem:s22+$0x300];
	v29 =	vmax.f32 v12, v35;
	v12 =	vmax.f32 v28, v23;
	v32 =	vmin.f32 v63, v39  }
0x2e: {  	v62 =	vld [tilespmem:s21+$0x0];
	v9 =	vmax.f32 v19, v34;
	v34 =	vmin.f32 v34, v19;
	(erf) = vpow2.f32 v31  }
0x2f: {  	v35 =	vld [tilespmem:s22+$0x100];
	v31 =	vmax.f32 v13, v37;
	v37 =	vmin.f32 v37, v13;
	(erf) = vpow2.f32 v40;
	v13 =	vpop (erf)  }
0x30: {  	v8 =	vmax.f32 v21, v33;
	v33 =	vld [tilespmem:s22+$0x80];
	(erf) = vpow2.f32 v41;
	v19 =	vadd.f32 v13, v11;
	v11 =	vpop (erf)  }
0x31: {  	v14 =	vmax.f32 v39, v63;
	v40 =	vld [tilespmem:s22+$0x280];
	(erf) = vpow2.f32 v42;
	v20 =	vadd.f32 v11, v15;
	v11 =	vpop (erf)  }
0x32: {  	v36 =	vld [tilespmem:s22+$0x180];
	v45 =	vmul.f32 $1.442695020e+00, v43;
	v13 =	vmax.f32 v25, v34;
	v23 =	vadd.f32 v11, v17;
	v11 =	vpop (erf)  }
0x33: {  	v15 =	vmul.f32 $1.442695020e+00, v62;
	v25 =	vadd.f32 v11, v22;
	v22 =	vmax.f32 v27, v37;
	v37 =	vld [tilespmem:s22+$0x200]  }
0x34: {  	v21 =	vmax.f32 v16, v60;
	v16 =	vmul.f32 $1.442695020e+00, v63;
	v28 =	vmul.f32 $1.442695020e+00, v35  }
0x35: {  	v34 =	vmin.f32 v62, v30;
	v17 =	vmul.f32 $1.442695020e+00, v33;
	(erf) = vpow2.f32 v15  }
0x36: {  	v44 =	vmul.f32 $1.442695020e+00, v40;
	v27 =	vmax.f32 v30, v62;
	(erf) = vpow2.f32 v16  }
0x37: {  	v11 =	vmax.f32 v6, v33;
	v38 =	vpop (erf);
	v30 =	vmul.f32 $1.442695020e+00, v36;
	(erf) = vpow2.f32 v17  }
0x38: {  	v15 =	vmax.f32 v7, v35;
	v39 =	vpop (erf);
	(erf) = vpow2.f32 v28;
	v46 =	vmul.f32 $1.442695020e+00, v37  }
0x39: {  	s21 =	simm.s32 $0x2;
	v16 =	vmax.f32 v8, v36;
	v41 =	vpop (erf);
	v28 =	vmax.f32 v10, v40;
	(erf) = vpow2.f32 v30  }
0x3a: {  	s23 =	simm.s32 $0x20;
	s24 =	sand.u32 $0x7, s21;
	s22 =	simm.s32 $0x30;
	v42 =	vpop (erf);
	v30 =	vmax.f32 v31, v43;
	v17 =	vmax.f32 v9, v37;
	(erf) = vpow2.f32 v46  }
.LBB2_3:
0x3b: {  	p1 =	sne.s32 s22, $0x18F0;
	s24 =	sshll.u32 s24, $0x4;
	v46 =	vmin.f32 v33, v6;
	v35 =	vmin.f32 v35, v7;
	s20 =	sadd.s32 $0x80, s20;
	(erf) = vpow2.f32 v44;
	v6 =	vmovc v11;
	v7 =	vmovc v15  }
0x3c: {  	s23 =	sand.u32 $0x70, s23;
	v36 =	vmin.f32 v36, v8;
	v37 =	vmin.f32 v37, v9;
	v8 =	vmovc v16;
	v9 =	vmovc v17;
	s24 =	sadd.s32 s24, s20;
	s25 =	sand.u32 $0xFC00, s20;
	(erf) = vpow2.f32 v45  }
0x3d: {  	v40 =	vmin.f32 v40, v10;
	v31 =	vmin.f32 v43, v31;
	v5 =	vadd.f32 v38, v5;
	v10 =	vmovc v28;
	s25 =	sor.u32 s23, s25;
	s24 =	sor.u32 $0x380, s24;
	s23 =	smov.u32 s22  }
0x3e: {  	v29 =	vmax.f32 v29, v34;
	v4 =	vadd.f32 v39, v4;
	v3 =	vadd.f32 v41, v3;
	v43 =	vld [tilespmem:s24+$0x0];
	v33 =	vpop (erf)  }
0x3f: {  	v18 =	vmax.f32 v18, v32;
	v2 =	vadd.f32 v42, v2;
	v41 =	vld [tilespmem:s25+$0x0];
	v19 =	vadd.f32 v33, v19;
	v32 =	vpop (erf)  }
0x40: {  	v21 =	vmax.f32 v21, v46;
	v12 =	vmax.f32 v12, v35;
	v33 =	vld [tilespmem:s25+$0x80];
	v20 =	vadd.f32 v32, v20;
	v32 =	vpop (erf)  }
0x41: {  	v24 =	vmax.f32 v24, v36;
	v13 =	vmax.f32 v13, v37;
	v35 =	vld [tilespmem:s25+$0x100];
	v23 =	vadd.f32 v32, v23;
	v32 =	vpop (erf)  }
0x42: {  	v26 =	vmax.f32 v26, v40;
	v22 =	vmax.f32 v22, v31;
	v36 =	vld [tilespmem:s25+$0x180];
	v25 =	vadd.f32 v32, v25;
	v38 =	vpop (erf)  }
0x43: {  	v37 =	vld [tilespmem:s25+$0x200];
	v34 =	vmin.f32 v43, v27;
	v27 =	vmax.f32 v27, v43;
	v0 =	vmul.f32 $1.442695020e+00, v43;
	v39 =	vpop (erf)  }
0x44: {  	v32 =	vmin.f32 v41, v14;
	v14 =	vmax.f32 v14, v41;
	v44 =	vmul.f32 $1.442695020e+00, v41;
	v40 =	vld [tilespmem:s25+$0x280];
	v41 =	vpop (erf)  }
0x45: {  	v11 =	vmax.f32 v11, v33;
	v45 =	vmul.f32 $1.442695020e+00, v33;
	v43 =	vld [tilespmem:s25+$0x300];
	(erf) = vpow2.f32 v0;
	v42 =	vpop (erf)  }
.Ltmp0:
0x46: {  	v31 =	vmovc v30;
	v15 =	vmax.f32 v15, v35;
	v46 =	vmul.f32 $1.442695020e+00, v35;
	(erf) = vpow2.f32 v44;
	(pc) =	sbr.rel @p1 .LBB2_3-.Ltmp0, $4  }
0x47: {  	v16 =	vmax.f32 v16, v36;
	v47 =	vmul.f32 $1.442695020e+00, v36;
	(erf) = vpow2.f32 v45  }
0x48: {  	v17 =	vmax.f32 v17, v37;
	v48 =	vmul.f32 $1.442695020e+00, v37;
	(erf) = vpow2.f32 v46  }
0x49: {  	s21 =	sadd.s32 $0x1, s21;
	v28 =	vmax.f32 v28, v40;
	v44 =	vmul.f32 $1.442695020e+00, v40;
	(erf) = vpow2.f32 v47  }
0x4a: {  	s22 =	sadd.s32 $0x10, s22;
	s24 =	sand.u32 $0x7, s21;
	v30 =	vmax.f32 v30, v43;
	v45 =	vmul.f32 $1.442695020e+00, v43;
	(erf) = vpow2.f32 v48  }
0x4b: {  	s21 =	sshll.u32 s24, $0x4;
	s20 =	sadd.s32 $0x80, s20  }
0x4c: {  	s21 =	sadd.s32 s21, s20  }
0x4d: {  	s22 =	sand.u32 $0x70, s23;
	s20 =	sand.u32 $0xFC00, s20;
	s21 =	sor.u32 $0x380, s21  }
0x4e: {  	s20 =	sor.u32 s22, s20;
	v46 =	vld [tilespmem:s21+$0x0]  }
0x4f: {  	v47 =	vld [tilespmem:s20+$0x0]  }
0x50: {  	v48 =	vld [tilespmem:s20+$0x80]  }
0x51: {  	v49 =	vld [tilespmem:s20+$0x100]  }
0x52: {  	v50 =	vld [tilespmem:s20+$0x180]  }
0x53: {  	(erf) = vpow2.f32 v44;
	v44 =	vld [tilespmem:s20+$0x200]  }
0x54: {  	(erf) = vpow2.f32 v45;
	v52 =	vld [tilespmem:s20+$0x280];
	v51 =	vmul.f32 $1.442695020e+00, v46  }
0x55: {  	v54 =	vld [tilespmem:s20+$0x300];
	v61 =	vmul.f32 $1.442695020e+00, v47;
	v53 =	vmul.f32 $1.442695020e+00, v48  }
0x56: {  	v55 =	vmul.f32 $1.442695020e+00, v49;
	(erf) = vpow2.f32 v51  }
0x57: {  	v62 =	vpop (erf);
	v56 =	vmul.f32 $1.442695020e+00, v50;
	(erf) = vpow2.f32 v61  }
0x58: {  	v45 =	vpop (erf);
	v57 =	vmul.f32 $1.442695020e+00, v44;
	(erf) = vpow2.f32 v53  }
0x59: {  	v58 =	vmul.f32 $1.442695020e+00, v52;
	v53 =	vpop (erf);
	(erf) = vpow2.f32 v55  }
0x5a: {  	v59 =	vmul.f32 $1.442695020e+00, v54;
	v63 =	vpop (erf);
	(erf) = vpow2.f32 v56  }
0x5b: {  	v56 =	vpop (erf);
	(erf) = vpow2.f32 v57  }
0x5c: {  	v57 =	vpop (erf);
	(erf) = vpow2.f32 v58  }
0x5d: {  	v58 =	vpop (erf);
	(erf) = vpow2.f32 v59  }
0x5e: {  	v6 =	vmin.f32 v33, v6;
	v7 =	vmin.f32 v35, v7;
	v8 =	vmin.f32 v36, v8;
	v59 =	vpop (erf)  }
0x5f: {  	v9 =	vmin.f32 v37, v9;
	v10 =	vmin.f32 v40, v10;
	v31 =	vmin.f32 v43, v31;
	v60 =	vpop (erf)  }
0x60: {  	v5 =	vadd.f32 v38, v5;
	v29 =	vmax.f32 v29, v34;
	v4 =	vadd.f32 v39, v4;
	v61 =	vpop (erf)  }
0x61: {  	v3 =	vadd.f32 v41, v3;
	v18 =	vmax.f32 v18, v32;
	v19 =	vadd.f32 v62, v19;
	v62 =	vpop (erf)  }
0x62: {  	v2 =	vadd.f32 v42, v2;
	v6 =	vmax.f32 v21, v6;
	v7 =	vmax.f32 v12, v7;
	v21 =	vpop (erf)  }
0x63: {  	v8 =	vmax.f32 v24, v8;
	v9 =	vmax.f32 v13, v9;
	s20 =	smul.u32 $0x3200, s19;
	v12 =	vadd.f32 v53, v23;
	v23 =	vpop (erf)  }
0x64: {  	s24 =	simm.s32 $0x0;
	v10 =	vmax.f32 v26, v10;
	v22 =	vmax.f32 v22, v31;
	v26 =	vmax.f32 v27, v46;
	v24 =	vpop (erf)  }
0x65: {  	s25 =	sand.u32 $0x7, s24;
	s23 =	sadd.s32 s20, s5;
	v31 =	vmin.f32 v47, v14;
	v13 =	vadd.f32 v63, v25;
	v25 =	vmin.f32 v46, v27;
	v27 =	vpop (erf)  }
0x66: {  	[tilespmem:s24], [sflag:$0x1] =	stream.linear.gather [hbm4b:s23+s24], $0xC800, $0x38;
	v14 =	vmax.f32 v14, v47;
	v51 =	vmax.f32 v28, v52;
	v28 =	vmin.f32 v52, v28;
	v47 =	vpop (erf);
	[tilespmem:$0x1A080] =	vst v63  }
0x67: {  	s21 =	sshll.u32 s25, $0x4;
	v20 =	vadd.f32 v45, v20;
	v18 =	vmax.f32 v18, v31;
	v10 =	vmax.f32 v10, v28;
	_ =	swait.ge [sflag:s13], $0xC800  }
0x68: {  	s26 =	sand.u32 $0x70, s24;
	s21 =	sadd.s32 $0x0, s21;
	v53 =	vmax.f32 v30, v54;
	v30 =	vmin.f32 v54, v30;
	v63 =	vmax.f32 v11, v48;
	[sflag:s13] =	ssyncset.done $0x0  }
0x69: {  	s22 =	sand.u32 $0xFC00, s24;
	s21 =	sor.u32 $0x380, s21;
	v11 =	vmin.f32 v48, v11;
	v48 =	vmax.f32 v15, v49;
	v15 =	vmin.f32 v49, v15;
	[sflag:s13] =	ssyncadd.s32 $0xFFFF3800  }
0x6a: {  	s22 =	sor.u32 s26, s22;
	v49 =	vmax.f32 v16, v50;
	v16 =	vmin.f32 v50, v16;
	v50 =	vmax.f32 v17, v44;
	v55 =	vld [tilespmem:s21+$0xC800]  }
0x6b: {  	v17 =	vmin.f32 v44, v17;
	v5 =	vadd.f32 v56, v5;
	v25 =	vmax.f32 v29, v25;
	v31 =	vld [tilespmem:s22+$0xC800]  }
0x6c: {  	v6 =	vmax.f32 v6, v11;
	v4 =	vadd.f32 v57, v4;
	v29 =	vadd.f32 v58, v3;
	v56 =	vld [tilespmem:s22+$0xC880]  }
0x6d: {  	s28 =	simm.s32 $0x1;
	v8 =	vmax.f32 v8, v16;
	v2 =	vadd.f32 v59, v2;
	v19 =	vadd.f32 v60, v19;
	v16 =	vld [tilespmem:s22+$0xC900]  }
0x6e: {  	v57 =	vmax.f32 v22, v30;
	v20 =	vadd.f32 v61, v20;
	v32 =	vadd.f32 v62, v12;
	v22 =	vld [tilespmem:s22+$0xC980];
	s21 =	sand.u32 $0x7, s28  }
0x6f: {  	s30 =	simm.s32 $0x10;
	v7 =	vmax.f32 v7, v15;
	v21 =	vadd.f32 v21, v13;
	v5 =	vadd.f32 v23, v5;
	v23 =	vld [tilespmem:s22+$0xCA00];
	s29 =	sshll.u32 s21, $0x4;
	s21 =	simm.s32 $0x80  }
0x70: {  	s23 =	sand.u32 $0x70, s30;
	v9 =	vmax.f32 v9, v17;
	v3 =	vadd.f32 v24, v4;
	v4 =	vadd.f32 v27, v29;
	v27 =	vld [tilespmem:s22+$0xCA80];
	s31 =	sand.u32 $0xFC00, s21  }
0x71: {  	v2 =	vadd.f32 v47, v2;
	s23 =	sor.u32 s23, s31;
	v11 =	vmul.f32 $1.442695020e+00, v55;
	v12 =	vmul.f32 $1.442695020e+00, v31  }
0x72: {  	v38 =	vld [tilespmem:s23+$0xCA00];
	v24 =	vmin.f32 v55, v26;
	v13 =	vmul.f32 $1.442695020e+00, v56;
	v42 =	vmax.f32 v26, v55  }
0x73: {  	v41 =	vld [tilespmem:s23+$0xCA80];
	v28 =	vmin.f32 v31, v14;
	v58 =	vmax.f32 v14, v31;
	v17 =	vmax.f32 v63, v56  }
0x74: {  	v43 =	vld [tilespmem:s23+$0xCB00];
	v15 =	vmax.f32 v48, v16;
	v14 =	vmul.f32 $1.442695020e+00, v22;
	v29 =	vmul.f32 $1.442695020e+00, v23  }
0x75: {  	v26 =	vld [tilespmem:s22+$0xCB00];
	v30 =	vmul.f32 $1.442695020e+00, v27;
	v33 =	vmin.f32 v56, v63;
	(erf) = vpow2.f32 v11  }
0x76: {  	v59 =	vmin.f32 v23, v50;
	v11 =	vmul.f32 $1.442695020e+00, v16;
	(erf) = vpow2.f32 v12  }
0x77: {  	v62 =	vld [tilespmem:s23+$0xC800];
	v16 =	vmin.f32 v16, v48;
	v12 =	vmax.f32 v49, v22;
	(erf) = vpow2.f32 v13  }
0x78: {  	v34 =	vld [tilespmem:s23+$0xC880];
	s22 =	sadd.s32 $0x80, s29;
	v22 =	vmin.f32 v22, v49;
	v63 =	vmul.f32 $1.442695020e+00, v38;
	v44 =	vmul.f32 $1.442695020e+00, v41  }
0x79: {  	v35 =	vld [tilespmem:s23+$0xC900];
	s22 =	sor.u32 $0x380, s22;
	v13 =	vmax.f32 v51, v27;
	v45 =	vmul.f32 $1.442695020e+00, v43;
	(erf) = vpow2.f32 v11  }
0x7a: {  	v61 =	vld [tilespmem:s22+$0xC800];
	v11 =	vmax.f32 v50, v23;
	v31 =	vmax.f32 v53, v26;
	v60 =	vmin.f32 v26, v53  }
0x7b: {  	v23 =	vmax.f32 v18, v28;
	(erf) = vpow2.f32 v14;
	v14 =	vmul.f32 $1.442695020e+00, v26  }
0x7c: {  	(erf) = vpow2.f32 v29;
	v29 =	vmax.f32 v25, v24;
	v25 =	vmax.f32 v8, v22  }
0x7d: {  	v22 =	vmax.f32 v9, v59;
	v8 =	vmul.f32 $1.442695020e+00, v62;
	(erf) = vpow2.f32 v30  }
0x7e: {  	v36 =	vld [tilespmem:s23+$0xC980];
	v9 =	vmul.f32 $1.442695020e+00, v34;
	(erf) = vpow2.f32 v14;
	v14 =	vmin.f32 v27, v51  }
0x7f: {  	v27 =	vmax.f32 v7, v16;
	v7 =	vmul.f32 $1.442695020e+00, v61;
	v16 =	vmul.f32 $1.442695020e+00, v35;
	v26 =	vpop (erf)  }
0x80: {  	v30 =	vadd.f32 v26, v19;
	v18 =	vpop (erf);
	v26 =	vmax.f32 v6, v33;
	v19 =	vmax.f32 v10, v14  }
0x81: {  	v33 =	vmin.f32 v61, v42;
	v14 =	vmax.f32 v42, v61;
	v10 =	vmax.f32 v58, v62;
	v6 =	vpop (erf)  }
0x82: {  	v28 =	vadd.f32 v18, v20;
	v24 =	vadd.f32 v6, v32;
	v6 =	vpop (erf);
	(erf) = vpow2.f32 v7  }
0x83: {  	v18 =	vmax.f32 v57, v60;
	v20 =	vmul.f32 $1.442695020e+00, v36;
	(erf) = vpow2.f32 v8  }
0x84: {  	v32 =	vmin.f32 v62, v58;
	v7 =	vmax.f32 v15, v35;
	v37 =	vpop (erf);
	(erf) = vpow2.f32 v9  }
0x85: {  	v21 =	vadd.f32 v6, v21;
	v6 =	vmax.f32 v17, v34;
	v39 =	vpop (erf);
	(erf) = vpow2.f32 v16  }
0x86: {  	s22 =	simm.s32 $0x2;
	v8 =	vmax.f32 v12, v36;
	v9 =	vmax.f32 v11, v38;
	v40 =	vpop (erf);
	(erf) = vpow2.f32 v20  }
0x87: {  	s24 =	simm.s32 $0x20;
	s23 =	simm.s32 $0x30;
	s25 =	sand.u32 $0x7, s22;
	v16 =	vmax.f32 v13, v41;
	v42 =	vpop (erf);
	v20 =	vmax.f32 v31, v43;
	(erf) = vpow2.f32 v63  }
.LBB2_5:
0x88: {  	p1 =	sne.s32 s23, $0x18F0;
	s25 =	sshll.u32 s25, $0x4;
	v46 =	vmin.f32 v34, v17;
	v35 =	vmin.f32 v35, v15;
	s21 =	sadd.s32 $0x80, s21;
	(erf) = vpow2.f32 v44;
	v17 =	vmovc v6;
	v15 =	vmovc v7  }
0x89: {  	s24 =	sand.u32 $0x70, s24;
	v36 =	vmin.f32 v36, v12;
	v38 =	vmin.f32 v38, v11;
	v12 =	vmovc v8;
	v11 =	vmovc v9;
	s25 =	sadd.s32 s25, s21;
	s26 =	sand.u32 $0xFC00, s21;
	(erf) = vpow2.f32 v45  }
0x8a: {  	v41 =	vmin.f32 v41, v13;
	v31 =	vmin.f32 v43, v31;
	v5 =	vadd.f32 v37, v5;
	v13 =	vmovc v16;
	s26 =	sor.u32 s24, s26;
	s25 =	sor.u32 $0x380, s25;
	s24 =	smov.u32 s23  }
0x8b: {  	v29 =	vmax.f32 v29, v33;
	v3 =	vadd.f32 v39, v3;
	v4 =	vadd.f32 v40, v4;
	v43 =	vld [tilespmem:s25+$0xC800];
	v33 =	vpop (erf)  }
0x8c: {  	v23 =	vmax.f32 v23, v32;
	v2 =	vadd.f32 v42, v2;
	v40 =	vld [tilespmem:s26+$0xC800];
	v30 =	vadd.f32 v33, v30;
	v32 =	vpop (erf)  }
0x8d: {  	v26 =	vmax.f32 v26, v46;
	v27 =	vmax.f32 v27, v35;
	v34 =	vld [tilespmem:s26+$0xC880];
	v28 =	vadd.f32 v32, v28;
	v32 =	vpop (erf)  }
0x8e: {  	v25 =	vmax.f32 v25, v36;
	v22 =	vmax.f32 v22, v38;
	v35 =	vld [tilespmem:s26+$0xC900];
	v24 =	vadd.f32 v32, v24;
	v32 =	vpop (erf)  }
0x8f: {  	v19 =	vmax.f32 v19, v41;
	v18 =	vmax.f32 v18, v31;
	v36 =	vld [tilespmem:s26+$0xC980];
	v21 =	vadd.f32 v32, v21;
	v37 =	vpop (erf)  }
0x90: {  	v38 =	vld [tilespmem:s26+$0xCA00];
	v33 =	vmin.f32 v43, v14;
	v14 =	vmax.f32 v14, v43;
	v0 =	vmul.f32 $1.442695020e+00, v43;
	v39 =	vpop (erf)  }
0x91: {  	v32 =	vmin.f32 v40, v10;
	v10 =	vmax.f32 v10, v40;
	v44 =	vmul.f32 $1.442695020e+00, v40;
	v41 =	vld [tilespmem:s26+$0xCA80];
	v40 =	vpop (erf)  }
0x92: {  	v6 =	vmax.f32 v6, v34;
	v45 =	vmul.f32 $1.442695020e+00, v34;
	v43 =	vld [tilespmem:s26+$0xCB00];
	(erf) = vpow2.f32 v0;
	v42 =	vpop (erf)  }
.Ltmp1:
0x93: {  	v31 =	vmovc v20;
	v7 =	vmax.f32 v7, v35;
	v46 =	vmul.f32 $1.442695020e+00, v35;
	(erf) = vpow2.f32 v44;
	(pc) =	sbr.rel @p1 .LBB2_5-.Ltmp1, $4  }
0x94: {  	v8 =	vmax.f32 v8, v36;
	v47 =	vmul.f32 $1.442695020e+00, v36;
	(erf) = vpow2.f32 v45  }
0x95: {  	v9 =	vmax.f32 v9, v38;
	v48 =	vmul.f32 $1.442695020e+00, v38;
	(erf) = vpow2.f32 v46  }
0x96: {  	s22 =	sadd.s32 $0x1, s22;
	v16 =	vmax.f32 v16, v41;
	v44 =	vmul.f32 $1.442695020e+00, v41;
	(erf) = vpow2.f32 v47  }
0x97: {  	s23 =	sadd.s32 $0x10, s23;
	s25 =	sand.u32 $0x7, s22;
	v20 =	vmax.f32 v20, v43;
	v45 =	vmul.f32 $1.442695020e+00, v43;
	(erf) = vpow2.f32 v48  }
0x98: {  	s22 =	sshll.u32 s25, $0x4;
	s21 =	sadd.s32 $0x80, s21  }
0x99: {  	s22 =	sadd.s32 s22, s21  }
0x9a: {  	s23 =	sand.u32 $0x70, s24;
	s21 =	sand.u32 $0xFC00, s21;
	s22 =	sor.u32 $0x380, s22  }
0x9b: {  	v17 =	vmin.f32 v34, v17;
	s21 =	sor.u32 s23, s21;
	v48 =	vld [tilespmem:s22+$0xC800]  }
0x9c: {  	v15 =	vmin.f32 v35, v15;
	(erf) = vpow2.f32 v44;
	v12 =	vmin.f32 v36, v12;
	v49 =	vld [tilespmem:s21+$0xC800]  }
0x9d: {  	v11 =	vmin.f32 v38, v11;
	v13 =	vmin.f32 v41, v13;
	v31 =	vmin.f32 v43, v31;
	v51 =	vld [tilespmem:s21+$0xC880]  }
0x9e: {  	v5 =	vadd.f32 v37, v5;
	v3 =	vadd.f32 v39, v3;
	v33 =	vmax.f32 v29, v33;
	v50 =	vpop (erf);
	v52 =	vld [tilespmem:s21+$0xC900]  }
0x9f: {  	v4 =	vadd.f32 v40, v4;
	v32 =	vmax.f32 v23, v32;
	(erf) = vpow2.f32 v45;
	v53 =	vld [tilespmem:s21+$0xC980];
	v29 =	vpop (erf)  }
0xa0: {  	v17 =	vmax.f32 v26, v17;
	v26 =	vmax.f32 v27, v15;
	v25 =	vmax.f32 v25, v12;
	v27 =	vld [tilespmem:s21+$0xCA00];
	v15 =	vpop (erf)  }
0xa1: {  	v22 =	vmax.f32 v22, v11;
	v24 =	vadd.f32 v15, v24;
	v15 =	vld [tilespmem:s21+$0xCA80];
	v23 =	vmul.f32 $1.442695020e+00, v48  }
0xa2: {  	v28 =	vadd.f32 v29, v28;
	v11 =	vpop (erf);
	v12 =	vmul.f32 $1.442695020e+00, v49;
	v29 =	vmul.f32 $1.442695020e+00, v51  }
0xa3: {  	v54 =	vld [tilespmem:s21+$0xCB00];
	v55 =	vadd.f32 v11, v21;
	v11 =	vmul.f32 $1.442695020e+00, v52;
	(erf) = vpow2.f32 v23  }
0xa4: {  	v2 =	vadd.f32 v42, v2;
	(erf) = vpow2.f32 v12;
	v12 =	vmul.f32 $1.442695020e+00, v53  }
0xa5: {  	v56 =	vmax.f32 v19, v13;
	v13 =	vmul.f32 $1.442695020e+00, v27;
	(erf) = vpow2.f32 v29  }
0xa6: {  	v31 =	vmax.f32 v18, v31;
	v18 =	vmul.f32 $1.442695020e+00, v15;
	(erf) = vpow2.f32 v11  }
0xa7: {  	v36 =	vadd.f32 v50, v30;
	v30 =	vmax.f32 v14, v48;
	(erf) = vpow2.f32 v12  }
0xa8: {  	v11 =	vmin.f32 v48, v14;
	v14 =	vmul.f32 $1.442695020e+00, v54;
	v12 =	vpop (erf);
	(erf) = vpow2.f32 v13  }
0xa9: {  	v58 =	vmin.f32 v49, v10;
	v10 =	vmax.f32 v10, v49;
	v57 =	vpop (erf);
	(erf) = vpow2.f32 v18  }
0xaa: {  	v21 =	vmax.f32 v8, v53;
	v19 =	vmax.f32 v9, v27;
	v18 =	vpop (erf);
	(erf) = vpow2.f32 v14  }
0xab: {  	v8 =	vmin.f32 v53, v8;
	v9 =	vmin.f32 v27, v9;
	v23 =	vmax.f32 v7, v52;
	v59 =	vpop (erf)  }
0xac: {  	v7 =	vmin.f32 v52, v7;
	v27 =	vmin.f32 v15, v16;
	v29 =	vmax.f32 v6, v51;
	v60 =	vpop (erf)  }
0xad: {  	v6 =	vmin.f32 v51, v6;
	v13 =	vmax.f32 v20, v54;
	v14 =	vmax.f32 v16, v15;
	v15 =	vpop (erf)  }
0xae: {  	v20 =	vmin.f32 v54, v20;
	v5 =	vadd.f32 v12, v5;
	v12 =	vmax.f32 v33, v11;
	v61 =	vpop (erf)  }
0xaf: {  	p1 =	seq.s32 s19, $0x12;
	v3 =	vadd.f32 v57, v3;
	v16 =	vmax.f32 v17, v6;
	v62 =	vadd.f32 v18, v4;
	v4 =	vpop (erf)  }
.Ltmp2:
0xb0: {  	v18 =	vmax.f32 v32, v58;
	v2 =	vadd.f32 v59, v2;
	v11 =	vadd.f32 v60, v36;
	v63 =	vpop (erf);
	(pc) =	sbr.rel @p1 .LBB2_8-.Ltmp2, $4  }
0xb1: {  	v15 =	vadd.f32 v15, v28;
	v28 =	vmax.f32 v26, v7;
	v17 =	vadd.f32 v61, v24;
	v6 =	vpop (erf)  }
0xb2: {  	v24 =	vmax.f32 v25, v8;
	v25 =	vmax.f32 v22, v9;
	v22 =	vadd.f32 v4, v55;
	v7 =	vpop (erf)  }
0xb3: {  	v26 =	vmax.f32 v56, v27;
	v5 =	vadd.f32 v63, v5;
	v4 =	vadd.f32 v6, v3;
	v8 =	vpop (erf)  }
0xb4: {  	v27 =	vmax.f32 v31, v20;
	v3 =	vadd.f32 v7, v62;
	v2 =	vadd.f32 v8, v2  }
.Ltmp3:
0xb5: {  	(pc) =	sbr.rel .LBB2_2-.Ltmp3, $3  }
0xb6: {  	_ =	sdelay $0x1  }
0xb7: {  	s20 =	sadd.s32 s20, s6;
	s19 =	sadd.s32 $0x1, s19  }
0xb8: {  	[tilespmem:s11], [sflag:$0x2] =	stream.linear.gather [hbm4b:s20+s2], $0xC800, $0x38;
	[tilespmem:$0x1A080] =	vst v63  }
.LBB2_8:
0xb9: {  	s19 =	simm.s32 $0x0  }
0xba: {  	[tilespmem:s14], [sflag:$0x2] =	stream.linear.gather [hbm4b:s7+s19], $0xC00, $0x38;
	[tilespmem:$0x1A080] =	vst v63  }
0xbb: {  	s20 =	sand.u32 $0x7, s19  }
0xbc: {  	_ =	swait.ge [sflag:s12], $0xC800;
	s20 =	sshll.u32 s20, $0x4  }
0xbd: {  	s21 =	sand.u32 $0x70, s19;
	[sflag:s12] =	ssyncset.done $0x0;
	s20 =	sadd.s32 $0x0, s20  }
0xbe: {  	s19 =	sand.u32 $0xFC00, s19;
	[sflag:s12] =	ssyncadd.s32 $0xFFFF3800;
	s20 =	sor.u32 $0x380, s20  }
0xbf: {  	s19 =	sor.u32 s21, s19;
	v6 =	vld [tilespmem:s20+$0x0]  }
0xc0: {  	v7 =	vld [tilespmem:s19+$0x0]  }
0xc1: {  	v20 =	vld [tilespmem:s19+$0x80]  }
0xc2: {  	v32 =	vld [tilespmem:s19+$0x100]  }
0xc3: {  	v33 =	vld [tilespmem:s19+$0x180]  }
0xc4: {  	v34 =	vld [tilespmem:s19+$0x200]  }
0xc5: {  	s29 =	simm.s32 $0x1;
	v36 =	vld [tilespmem:s19+$0x280]  }
0xc6: {  	v37 =	vld [tilespmem:s19+$0x300];
	s19 =	sand.u32 $0x7, s29;
	v8 =	vmul.f32 $1.442695020e+00, v6;
	v9 =	vmul.f32 $1.442695020e+00, v7  }
0xc7: {  	s30 =	sshll.u32 s19, $0x4;
	v35 =	vmin.f32 v6, v30;
	v31 =	vmul.f32 $1.442695020e+00, v20;
	v30 =	vmax.f32 v30, v6  }
0xc8: {  	s31 =	simm.s32 $0x10;
	s19 =	simm.s32 $0x80;
	s20 =	sadd.s32 $0x80, s30;
	v38 =	vmin.f32 v7, v10;
	v39 =	vmax.f32 v10, v7;
	(erf) = vpow2.f32 v8  }
0xc9: {  	s21 =	sand.u32 $0x70, s31;
	s22 =	sand.u32 $0xFC00, s19;
	s20 =	sor.u32 $0x380, s20;
	v6 =	vmax.f32 v29, v20;
	v8 =	vmul.f32 $1.442695020e+00, v32;
	(erf) = vpow2.f32 v9  }
0xca: {  	s21 =	sor.u32 s21, s22;
	v63 =	vld [tilespmem:s20+$0x0];
	v7 =	vmax.f32 v23, v32;
	v40 =	vmul.f32 $1.442695020e+00, v34;
	(erf) = vpow2.f32 v31  }
0xcb: {  	v43 =	vld [tilespmem:s21+$0x300];
	v10 =	vmax.f32 v14, v36;
	v31 =	vmul.f32 $1.442695020e+00, v33;
	(erf) = vpow2.f32 v8  }
0xcc: {  	v41 =	vmul.f32 $1.442695020e+00, v36;
	v42 =	vmul.f32 $1.442695020e+00, v37;
	v20 =	vmin.f32 v20, v29  }
0xcd: {  	v29 =	vmin.f32 v32, v23;
	v23 =	vmax.f32 v12, v35;
	v12 =	vld [tilespmem:s21+$0x0];
	(erf) = vpow2.f32 v31  }
0xce: {  	v61 =	vmin.f32 v34, v19;
	v62 =	vmin.f32 v36, v14;
	(erf) = vpow2.f32 v40;
	v40 =	vld [tilespmem:s21+$0x280]  }
0xcf: {  	v16 =	vmax.f32 v16, v20;
	v8 =	vmax.f32 v21, v33;
	v21 =	vmin.f32 v33, v21;
	v33 =	vld [tilespmem:s21+$0x80]  }
0xd0: {  	v9 =	vmax.f32 v19, v34;
	v34 =	vmin.f32 v63, v30;
	v45 =	vmul.f32 $1.442695020e+00, v43  }
0xd1: {  	v35 =	vld [tilespmem:s21+$0x100];
	v31 =	vmax.f32 v13, v37;
	v37 =	vmin.f32 v37, v13;
	v13 =	vmax.f32 v18, v38;
	v14 =	vpop (erf)  }
0xd2: {  	v19 =	vmax.f32 v24, v21;
	(erf) = vpow2.f32 v41;
	v14 =	vadd.f32 v14, v11;
	v11 =	vpop (erf)  }
0xd3: {  	v32 =	vmin.f32 v12, v39;
	(erf) = vpow2.f32 v42;
	v44 =	vmul.f32 $1.442695020e+00, v40;
	v18 =	vpop (erf)  }
0xd4: {  	v36 =	vld [tilespmem:s21+$0x180];
	v15 =	vadd.f32 v11, v15;
	v11 =	vmax.f32 v28, v29;
	v28 =	vmul.f32 $1.442695020e+00, v33;
	v20 =	vpop (erf)  }
0xd5: {  	v24 =	vadd.f32 v20, v22;
	v20 =	vmax.f32 v27, v37;
	v37 =	vld [tilespmem:s21+$0x200];
	v22 =	vmul.f32 $1.442695020e+00, v63  }
0xd6: {  	v21 =	vmax.f32 v39, v12;
	v29 =	vmul.f32 $1.442695020e+00, v35;
	v27 =	vmul.f32 $1.442695020e+00, v12  }
0xd7: {  	v18 =	vadd.f32 v18, v17;
	v17 =	vmax.f32 v25, v61;
	(erf) = vpow2.f32 v22  }
0xd8: {  	v25 =	vmax.f32 v26, v62;
	v26 =	vmax.f32 v30, v63;
	(erf) = vpow2.f32 v27  }
0xd9: {  	v30 =	vmul.f32 $1.442695020e+00, v36;
	v12 =	vmax.f32 v6, v33;
	v38 =	vpop (erf);
	(erf) = vpow2.f32 v28  }
0xda: {  	v39 =	vpop (erf);
	v22 =	vmax.f32 v7, v35;
	v46 =	vmul.f32 $1.442695020e+00, v37;
	(erf) = vpow2.f32 v29  }
0xdb: {  	s20 =	simm.s32 $0x2;
	v41 =	vpop (erf);
	v27 =	vmax.f32 v8, v36;
	v28 =	vmax.f32 v9, v37;
	(erf) = vpow2.f32 v30  }
0xdc: {  	s22 =	simm.s32 $0x20;
	s23 =	sand.u32 $0x7, s20;
	s21 =	simm.s32 $0x30;
	v42 =	vpop (erf);
	v29 =	vmax.f32 v10, v40;
	v30 =	vmax.f32 v31, v43;
	(erf) = vpow2.f32 v46  }
.LBB2_9:
0xdd: {  	p1 =	sne.s32 s21, $0x18F0;
	s23 =	sshll.u32 s23, $0x4;
	v46 =	vmin.f32 v33, v6;
	v35 =	vmin.f32 v35, v7;
	s19 =	sadd.s32 $0x80, s19;
	(erf) = vpow2.f32 v44;
	v6 =	vmovc v12;
	v7 =	vmovc v22  }
0xde: {  	s22 =	sand.u32 $0x70, s22;
	v36 =	vmin.f32 v36, v8;
	v37 =	vmin.f32 v37, v9;
	v8 =	vmovc v27;
	v9 =	vmovc v28;
	s23 =	sadd.s32 s23, s19;
	s24 =	sand.u32 $0xFC00, s19;
	(erf) = vpow2.f32 v45  }
0xdf: {  	v40 =	vmin.f32 v40, v10;
	v31 =	vmin.f32 v43, v31;
	v5 =	vadd.f32 v38, v5;
	v10 =	vmovc v29;
	s24 =	sor.u32 s22, s24;
	s23 =	sor.u32 $0x380, s23;
	s22 =	smov.u32 s21  }
0xe0: {  	v23 =	vmax.f32 v23, v34;
	v4 =	vadd.f32 v39, v4;
	v3 =	vadd.f32 v41, v3;
	v43 =	vld [tilespmem:s23+$0x0];
	v33 =	vpop (erf)  }
0xe1: {  	v13 =	vmax.f32 v13, v32;
	v2 =	vadd.f32 v42, v2;
	v41 =	vld [tilespmem:s24+$0x0];
	v14 =	vadd.f32 v33, v14;
	v32 =	vpop (erf)  }
0xe2: {  	v16 =	vmax.f32 v16, v46;
	v11 =	vmax.f32 v11, v35;
	v33 =	vld [tilespmem:s24+$0x80];
	v15 =	vadd.f32 v32, v15;
	v32 =	vpop (erf)  }
0xe3: {  	v19 =	vmax.f32 v19, v36;
	v17 =	vmax.f32 v17, v37;
	v35 =	vld [tilespmem:s24+$0x100];
	v18 =	vadd.f32 v32, v18;
	v32 =	vpop (erf)  }
0xe4: {  	v25 =	vmax.f32 v25, v40;
	v20 =	vmax.f32 v20, v31;
	v36 =	vld [tilespmem:s24+$0x180];
	v24 =	vadd.f32 v32, v24;
	v38 =	vpop (erf)  }
0xe5: {  	v37 =	vld [tilespmem:s24+$0x200];
	v34 =	vmin.f32 v43, v26;
	v26 =	vmax.f32 v26, v43;
	v0 =	vmul.f32 $1.442695020e+00, v43;
	v39 =	vpop (erf)  }
0xe6: {  	v32 =	vmin.f32 v41, v21;
	v21 =	vmax.f32 v21, v41;
	v44 =	vmul.f32 $1.442695020e+00, v41;
	v40 =	vld [tilespmem:s24+$0x280];
	v41 =	vpop (erf)  }
0xe7: {  	v12 =	vmax.f32 v12, v33;
	v45 =	vmul.f32 $1.442695020e+00, v33;
	v43 =	vld [tilespmem:s24+$0x300];
	(erf) = vpow2.f32 v0;
	v42 =	vpop (erf)  }
.Ltmp4:
0xe8: {  	v31 =	vmovc v30;
	v22 =	vmax.f32 v22, v35;
	v46 =	vmul.f32 $1.442695020e+00, v35;
	(erf) = vpow2.f32 v44;
	(pc) =	sbr.rel @p1 .LBB2_9-.Ltmp4, $4  }
0xe9: {  	v27 =	vmax.f32 v27, v36;
	v47 =	vmul.f32 $1.442695020e+00, v36;
	(erf) = vpow2.f32 v45  }
0xea: {  	v28 =	vmax.f32 v28, v37;
	v48 =	vmul.f32 $1.442695020e+00, v37;
	(erf) = vpow2.f32 v46  }
0xeb: {  	s20 =	sadd.s32 $0x1, s20;
	v29 =	vmax.f32 v29, v40;
	v44 =	vmul.f32 $1.442695020e+00, v40;
	(erf) = vpow2.f32 v47  }
0xec: {  	s21 =	sadd.s32 $0x10, s21;
	s23 =	sand.u32 $0x7, s20;
	v30 =	vmax.f32 v30, v43;
	v45 =	vmul.f32 $1.442695020e+00, v43;
	(erf) = vpow2.f32 v48  }
0xed: {  	s20 =	sshll.u32 s23, $0x4;
	s19 =	sadd.s32 $0x80, s19  }
0xee: {  	s20 =	sadd.s32 s20, s19  }
0xef: {  	s21 =	sand.u32 $0x70, s22;
	s19 =	sand.u32 $0xFC00, s19;
	s20 =	sor.u32 $0x380, s20  }
0xf0: {  	s19 =	sor.u32 s21, s19;
	v46 =	vld [tilespmem:s20+$0x0]  }
0xf1: {  	v47 =	vld [tilespmem:s19+$0x0]  }
0xf2: {  	v48 =	vld [tilespmem:s19+$0x80]  }
0xf3: {  	v49 =	vld [tilespmem:s19+$0x100]  }
0xf4: {  	v50 =	vld [tilespmem:s19+$0x180]  }
0xf5: {  	(erf) = vpow2.f32 v44;
	v44 =	vld [tilespmem:s19+$0x200]  }
0xf6: {  	(erf) = vpow2.f32 v45;
	v52 =	vld [tilespmem:s19+$0x280];
	v51 =	vmul.f32 $1.442695020e+00, v46  }
0xf7: {  	v54 =	vld [tilespmem:s19+$0x300];
	v59 =	vmul.f32 $1.442695020e+00, v47;
	v53 =	vmul.f32 $1.442695020e+00, v48  }
0xf8: {  	v55 =	vmul.f32 $1.442695020e+00, v49;
	(erf) = vpow2.f32 v51  }
0xf9: {  	v60 =	vpop (erf);
	v56 =	vmul.f32 $1.442695020e+00, v50;
	(erf) = vpow2.f32 v59  }
0xfa: {  	v61 =	vpop (erf);
	v57 =	vmul.f32 $1.442695020e+00, v44;
	(erf) = vpow2.f32 v53  }
0xfb: {  	v62 =	vpop (erf);
	v58 =	vmul.f32 $1.442695020e+00, v52;
	(erf) = vpow2.f32 v55  }
0xfc: {  	v63 =	vpop (erf);
	v59 =	vmul.f32 $1.442695020e+00, v54;
	(erf) = vpow2.f32 v56  }
0xfd: {  	v56 =	vpop (erf);
	(erf) = vpow2.f32 v57  }
0xfe: {  	v57 =	vpop (erf);
	(erf) = vpow2.f32 v58  }
0xff: {  	v58 =	vpop (erf);
	(erf) = vpow2.f32 v59  }
0x100: {  	v59 =	vpop (erf)  }
0x101: {  	v6 =	vmin.f32 v33, v6;
	v7 =	vmin.f32 v35, v7;
	v33 =	vpop (erf)  }
0x102: {  	v8 =	vmin.f32 v36, v8;
	v9 =	vmin.f32 v37, v9;
	v23 =	vmax.f32 v23, v34;
	v34 =	vpop (erf)  }
0x103: {  	v10 =	vmin.f32 v40, v10;
	v31 =	vmin.f32 v43, v31;
	v5 =	vadd.f32 v38, v5;
	v51 =	vpop (erf)  }
0x104: {  	v4 =	vadd.f32 v39, v4;
	v3 =	vadd.f32 v41, v3;
	v6 =	vmax.f32 v16, v6;
	v16 =	vpop (erf)  }
0x105: {  	v13 =	vmax.f32 v13, v32;
	v7 =	vmax.f32 v11, v7;
	v11 =	vadd.f32 v62, v18;
	v18 =	vpop (erf)  }
0x106: {  	v8 =	vmax.f32 v19, v8;
	v9 =	vmax.f32 v17, v9;
	v10 =	vmax.f32 v25, v10;
	v19 =	vpop (erf)  }
0x107: {  	s24 =	simm.s32 $0x0;
	v17 =	vadd.f32 v63, v24;
	v24 =	vmin.f32 v46, v26;
	v25 =	vmax.f32 v26, v46;
	v26 =	vpop (erf)  }
0x108: {  	v2 =	vadd.f32 v42, v2;
	v20 =	vmax.f32 v20, v31;
	[tilespmem:s15], [sflag:$0x1] =	stream.linear.gather [hbm4b:s8+s24], $0x400, $0x38;
	v14 =	vadd.f32 v60, v14;
	v53 =	vpop (erf);
	[tilespmem:$0x1A080] =	vst v63  }
0x109: {  	v15 =	vadd.f32 v61, v15;
	v31 =	vmin.f32 v47, v21;
	v21 =	vmax.f32 v21, v47;
	_ =	swait.ge [sflag:s13], $0xC00  }
0x10a: {  	s25 =	sor.u32 s24, s24;
	s26 =	sand.u32 $0x70, s24;
	v35 =	vmax.f32 v12, v48;
	v12 =	vmin.f32 v48, v12;
	v60 =	vmax.f32 v27, v50;
	[sflag:s13] =	ssyncset.done $0x0  }
0x10b: {  	s19 =	sand.u32 $0xC00, s24;
	s20 =	sor.u32 $0x380, s25;
	v27 =	vmin.f32 v50, v27;
	v61 =	vmax.f32 v28, v44;
	v28 =	vmin.f32 v44, v28;
	[sflag:s13] =	ssyncadd.s32 $0xFFFFF400  }
0x10c: {  	s19 =	sor.u32 s26, s19;
	v62 =	vmax.f32 v29, v52;
	v29 =	vmin.f32 v52, v29;
	v63 =	vmax.f32 v30, v54;
	v48 =	vld [tilespmem:s20+$0x19000]  }
0x10d: {  	v13 =	vmax.f32 v13, v31;
	v55 =	vmax.f32 v22, v49;
	v22 =	vmin.f32 v49, v22;
	v31 =	vld [tilespmem:s19+$0x19000]  }
0x10e: {  	v30 =	vmin.f32 v54, v30;
	v23 =	vmax.f32 v23, v24;
	v22 =	vmax.f32 v7, v22;
	v7 =	vld [tilespmem:s19+$0x19080]  }
0x10f: {  	v27 =	vmax.f32 v8, v27;
	v5 =	vadd.f32 v56, v5;
	v4 =	vadd.f32 v57, v4;
	v8 =	vld [tilespmem:s19+$0x19100]  }
0x110: {  	v28 =	vmax.f32 v9, v28;
	v24 =	vadd.f32 v58, v3;
	v2 =	vadd.f32 v59, v2;
	v9 =	vld [tilespmem:s19+$0x19180]  }
0x111: {  	v14 =	vadd.f32 v33, v14;
	v16 =	vadd.f32 v16, v17;
	v17 =	vmax.f32 v10, v29;
	v10 =	vld [tilespmem:s19+$0x19200]  }
0x112: {  	s28 =	simm.s32 $0x10;
	s29 =	simm.s32 $0x80;
	v12 =	vmax.f32 v6, v12;
	v15 =	vadd.f32 v34, v15;
	v4 =	vadd.f32 v19, v4;
	v19 =	vld [tilespmem:s19+$0x19280]  }
0x113: {  	v20 =	vmax.f32 v20, v30;
	v3 =	vadd.f32 v18, v5;
	v5 =	vadd.f32 v26, v24;
	v26 =	vld [tilespmem:s19+$0x19300];
	s19 =	sand.u32 $0x70, s28;
	s20 =	sand.u32 $0xC00, s29  }
0x114: {  	v49 =	vadd.f32 v51, v11;
	v2 =	vadd.f32 v53, v2;
	s19 =	sor.u32 s19, s20;
	v6 =	vmul.f32 $1.442695020e+00, v48  }
0x115: {  	v56 =	vld [tilespmem:s19+$0x19080];
	v11 =	vmul.f32 $1.442695020e+00, v31;
	v18 =	vmin.f32 v48, v25;
	v24 =	vmul.f32 $1.442695020e+00, v7  }
0x116: {  	v57 =	vld [tilespmem:s19+$0x19100];
	v25 =	vmax.f32 v25, v48;
	v29 =	vmax.f32 v35, v7;
	v51 =	vmul.f32 $1.442695020e+00, v10  }
0x117: {  	v58 =	vld [tilespmem:s19+$0x19200];
	v30 =	vmax.f32 v55, v8;
	v52 =	vmul.f32 $1.442695020e+00, v19;
	(erf) = vpow2.f32 v6  }
0x118: {  	v50 =	vmax.f32 v61, v10;
	v6 =	vmul.f32 $1.442695020e+00, v8;
	(erf) = vpow2.f32 v11  }
0x119: {  	v32 =	vmax.f32 v63, v26;
	v7 =	vmin.f32 v7, v35;
	(erf) = vpow2.f32 v24  }
0x11a: {  	v53 =	vmin.f32 v10, v61;
	v24 =	vmul.f32 $1.442695020e+00, v9;
	(erf) = vpow2.f32 v6  }
0x11b: {  	v7 =	vmax.f32 v12, v7;
	v8 =	vmin.f32 v8, v55;
	v59 =	vmul.f32 $1.442695020e+00, v57  }
0x11c: {  	v61 =	vmul.f32 $1.442695020e+00, v58;
	v42 =	vmin.f32 v56, v29;
	(erf) = vpow2.f32 v24  }
0x11d: {  	s30 =	sor.u32 s29, s28;
	v35 =	vld [tilespmem:s19+$0x19280];
	v40 =	vmin.f32 v57, v30;
	v24 =	vmul.f32 $1.442695020e+00, v26;
	(erf) = vpow2.f32 v51  }
0x11e: {  	s21 =	sor.u32 $0x380, s30;
	v41 =	vmin.f32 v58, v50;
	v11 =	vmin.f32 v31, v21;
	(erf) = vpow2.f32 v52  }
0x11f: {  	v21 =	vmax.f32 v21, v31;
	(erf) = vpow2.f32 v24;
	v24 =	vmin.f32 v26, v63;
	v26 =	vld [tilespmem:s21+$0x19000]  }
0x120: {  	v55 =	vld [tilespmem:s19+$0x19000];
	v31 =	vmax.f32 v60, v9;
	v8 =	vmax.f32 v22, v8;
	v9 =	vmin.f32 v9, v60;
	v54 =	vpop (erf)  }
0x121: {  	v10 =	vmax.f32 v13, v11;
	v6 =	vmax.f32 v62, v19;
	v19 =	vmin.f32 v19, v62;
	v11 =	vpop (erf)  }
0x122: {  	v37 =	vld [tilespmem:s19+$0x19300];
	v9 =	vmax.f32 v27, v9;
	v62 =	vmul.f32 $1.442695020e+00, v35;
	v13 =	vmax.f32 v17, v19;
	v12 =	vpop (erf)  }
0x123: {  	v11 =	vadd.f32 v11, v15;
	v15 =	vadd.f32 v12, v49;
	v12 =	vmax.f32 v28, v53;
	v17 =	vpop (erf);
	v28 =	vld [tilespmem:s19+$0x19180]  }
0x124: {  	v19 =	vadd.f32 v17, v16;
	v17 =	vmax.f32 v23, v18;
	v23 =	vmul.f32 $1.442695020e+00, v26  }
0x125: {  	v22 =	vmin.f32 v26, v25;
	v16 =	vmax.f32 v20, v24;
	v24 =	vmul.f32 $1.442695020e+00, v55  }
0x126: {  	v18 =	vmax.f32 v25, v26;
	v26 =	vmul.f32 $1.442695020e+00, v56;
	(erf) = vpow2.f32 v23  }
0x127: {  	v27 =	vmax.f32 v50, v58;
	v63 =	vmul.f32 $1.442695020e+00, v37;
	(erf) = vpow2.f32 v24  }
0x128: {  	v33 =	vmin.f32 v55, v21;
	v60 =	vmul.f32 $1.442695020e+00, v28;
	(erf) = vpow2.f32 v26  }
0x129: {  	v14 =	vadd.f32 v54, v14;
	v20 =	vmax.f32 v21, v55;
	v34 =	vpop (erf);
	(erf) = vpow2.f32 v59  }
0x12a: {  	v21 =	vmax.f32 v29, v56;
	v29 =	vmov v27;
	v36 =	vpop (erf);
	(erf) = vpow2.f32 v60  }
0x12b: {  	v23 =	vmax.f32 v30, v57;
	v38 =	vpop (erf);
	v30 =	vmov v21;
	(erf) = vpow2.f32 v61  }
0x12c: {  	s31 =	simm.s32 $0x20;
	s20 =	simm.s32 $0x30;
	s19 =	simm.s32 $0x100;
	v24 =	vmax.f32 v6, v35;
	v39 =	vpop (erf);
	v25 =	vmax.f32 v31, v28;
	(erf) = vpow2.f32 v62  }
0x12d: {  	s21 =	sand.u32 $0x70, s31;
	s22 =	sand.u32 $0xC00, s19;
	s23 =	sor.u32 s19, s31;
	v26 =	vmax.f32 v32, v37;
	v43 =	vmin.f32 v28, v31;
	v31 =	vmovc v23;
	v28 =	vmovc v25;
	(erf) = vpow2.f32 v63  }
.LBB2_11:
0x12e: {  	p1 =	sne.s32 s20, $0x170;
	s21 =	sor.u32 s21, s22;
	s22 =	sor.u32 $0x380, s23;
	v35 =	vmin.f32 v35, v6;
	v32 =	vmin.f32 v37, v32;
	v3 =	vadd.f32 v34, v3;
	v6 =	vmovc v24  }
0x12f: {  	v10 =	vmax.f32 v10, v33;
	v4 =	vadd.f32 v36, v4;
	v5 =	vadd.f32 v38, v5;
	v37 =	vld [tilespmem:s22+$0x19000];
	v33 =	vpop (erf)  }
0x130: {  	v7 =	vmax.f32 v7, v42;
	v2 =	vadd.f32 v39, v2;
	v38 =	vld [tilespmem:s21+$0x19000];
	v14 =	vadd.f32 v33, v14;
	v33 =	vpop (erf)  }
0x131: {  	v8 =	vmax.f32 v8, v40;
	v9 =	vmax.f32 v9, v43;
	v42 =	vld [tilespmem:s21+$0x19080];
	v11 =	vadd.f32 v33, v11;
	v33 =	vpop (erf)  }
0x132: {  	v12 =	vmax.f32 v12, v41;
	v13 =	vmax.f32 v13, v35;
	v40 =	vld [tilespmem:s21+$0x19100];
	v15 =	vadd.f32 v33, v15;
	v33 =	vpop (erf)  }
0x133: {  	v17 =	vmax.f32 v17, v22;
	v16 =	vmax.f32 v16, v32;
	v41 =	vld [tilespmem:s21+$0x19180];
	v19 =	vadd.f32 v33, v19;
	v34 =	vpop (erf)  }
0x134: {  	v44 =	vld [tilespmem:s21+$0x19200];
	v22 =	vmin.f32 v37, v18;
	v18 =	vmax.f32 v18, v37;
	v0 =	vmul.f32 $1.442695020e+00, v37;
	v36 =	vpop (erf)  }
0x135: {  	v33 =	vmin.f32 v38, v20;
	v20 =	vmax.f32 v20, v38;
	v43 =	vmul.f32 $1.442695020e+00, v38;
	v35 =	vld [tilespmem:s21+$0x19280];
	v38 =	vpop (erf)  }
0x136: {  	v21 =	vmax.f32 v21, v42;
	v45 =	vmul.f32 $1.442695020e+00, v42;
	v37 =	vld [tilespmem:s21+$0x19300];
	(erf) = vpow2.f32 v0;
	v39 =	vpop (erf)  }
0x137: {  	v32 =	vmovc v26;
	v23 =	vmax.f32 v23, v40;
	v46 =	vmul.f32 $1.442695020e+00, v40;
	(erf) = vpow2.f32 v43  }
0x138: {  	v25 =	vmax.f32 v25, v41;
	v43 =	vmul.f32 $1.442695020e+00, v41;
	(erf) = vpow2.f32 v45  }
.Ltmp5:
0x139: {  	v27 =	vmax.f32 v27, v44;
	v45 =	vmul.f32 $1.442695020e+00, v44;
	(erf) = vpow2.f32 v46;
	(pc) =	sbr.rel @p1 .LBB2_11-.Ltmp5, $4  }
0x13a: {  	v24 =	vmax.f32 v24, v35;
	v46 =	vmul.f32 $1.442695020e+00, v35;
	(erf) = vpow2.f32 v43  }
0x13b: {  	v26 =	vmax.f32 v26, v37;
	v47 =	vmul.f32 $1.442695020e+00, v37;
	(erf) = vpow2.f32 v45  }
0x13c: {  	s19 =	sadd.s32 $0x80, s19;
	s21 =	sand.u32 $0x70, s20;
	v42 =	vmin.f32 v42, v30;
	v40 =	vmin.f32 v40, v31;
	v30 =	vmovc v21;
	v31 =	vmovc v23;
	(erf) = vpow2.f32 v46  }
0x13d: {  	s22 =	sand.u32 $0xC00, s19;
	s23 =	sor.u32 s19, s20;
	s20 =	sadd.s32 $0x10, s20;
	v43 =	vmin.f32 v41, v28;
	v41 =	vmin.f32 v44, v29;
	v28 =	vmovc v25;
	v29 =	vmovc v27;
	(erf) = vpow2.f32 v47  }
0x13e: {  	s19 =	sor.u32 $0x380, s23  }
0x13f: {  	s20 =	sor.u32 s21, s22;
	v44 =	vld [tilespmem:s19+$0x19000]  }
0x140: {  	v45 =	vld [tilespmem:s20+$0x19000]  }
0x141: {  	v46 =	vld [tilespmem:s20+$0x19080]  }
0x142: {  	v47 =	vld [tilespmem:s20+$0x19100]  }
0x143: {  	v48 =	vld [tilespmem:s20+$0x19180]  }
0x144: {  	v49 =	vld [tilespmem:s20+$0x19200];
	v50 =	vmul.f32 $1.442695020e+00, v44  }
0x145: {  	v52 =	vld [tilespmem:s20+$0x19280];
	v51 =	vmul.f32 $1.442695020e+00, v45  }
0x146: {  	v54 =	vld [tilespmem:s20+$0x19300];
	v53 =	vmul.f32 $1.442695020e+00, v46  }
0x147: {  	v55 =	vmul.f32 $1.442695020e+00, v47;
	(erf) = vpow2.f32 v50  }
0x148: {  	v56 =	vmul.f32 $1.442695020e+00, v48;
	v50 =	vpop (erf);
	(erf) = vpow2.f32 v51  }
0x149: {  	v57 =	vmul.f32 $1.442695020e+00, v49;
	v51 =	vpop (erf);
	(erf) = vpow2.f32 v53  }
0x14a: {  	v58 =	vmul.f32 $1.442695020e+00, v52;
	v53 =	vpop (erf);
	(erf) = vpow2.f32 v55  }
0x14b: {  	v59 =	vmul.f32 $1.442695020e+00, v54;
	v55 =	vpop (erf);
	(erf) = vpow2.f32 v56  }
0x14c: {  	v56 =	vpop (erf);
	(erf) = vpow2.f32 v57  }
0x14d: {  	v57 =	vpop (erf);
	(erf) = vpow2.f32 v58  }
0x14e: {  	v58 =	vpop (erf);
	(erf) = vpow2.f32 v59  }
0x14f: {  	v59 =	vpop (erf)  }
0x150: {  	v60 =	vpop (erf)  }
0x151: {  	v61 =	vpop (erf)  }
0x152: {  	v62 =	vpop (erf)  }
0x153: {  	v63 =	vpop (erf)  }
0x154: {  	v6 =	vmin.f32 v35, v6;
	v0 =	vpop (erf)  }
0x155: {  	v32 =	vmin.f32 v37, v32;
	v34 =	vadd.f32 v34, v3;
	v36 =	vadd.f32 v36, v4;
	v35 =	vpop (erf)  }
0x156: {  	v10 =	vmax.f32 v10, v33;
	v5 =	vadd.f32 v38, v5;
	v7 =	vmax.f32 v7, v42;
	v37 =	vpop (erf)  }
0x157: {  	v38 =	vadd.f32 v39, v2;
	v8 =	vmax.f32 v8, v40;
	v9 =	vmax.f32 v9, v43;
	v33 =	vpop (erf)  }
0x158: {  	v12 =	vmax.f32 v12, v41;
	v1 =	vmax.f32 v17, v22;
	v6 =	vmax.f32 v13, v6;
	_ =	swait.ge [sflag:s12], $0x400  }
0x159: {  	v16 =	vmax.f32 v16, v32;
	v41 =	vmin.f32 v44, v18;
	v43 =	vmax.f32 v18, v44;
	[sflag:s12] =	ssyncset.done $0x0  }
0x15a: {  	v44 =	vmin.f32 v45, v20;
	v22 =	vmax.f32 v25, v48;
	v25 =	vmax.f32 v24, v52;
	[sflag:s12] =	ssyncadd.s32 $0xFFFFFC00  }
0x15b: {  	v30 =	vmin.f32 v46, v30;
	v31 =	vmin.f32 v47, v31;
	v28 =	vmin.f32 v48, v28;
	v42 =	vld [tilespmem:$0x19C00]  }
0x15c: {  	v29 =	vmin.f32 v49, v29;
	v11 =	vadd.f32 v51, v11;
	v15 =	vadd.f32 v53, v15;
	v51 =	vld [tilespmem:$0x19C80]  }
0x15d: {  	v10 =	vmax.f32 v10, v44;
	v13 =	vadd.f32 v55, v19;
	v34 =	vadd.f32 v56, v34;
	v56 =	vld [tilespmem:$0x19D00]  }
0x15e: {  	v7 =	vmax.f32 v7, v30;
	v55 =	vadd.f32 v58, v5;
	v58 =	vadd.f32 v59, v38;
	v59 =	vld [tilespmem:$0x19D80]  }
0x15f: {  	v8 =	vmax.f32 v8, v31;
	v9 =	vmax.f32 v9, v28;
	v15 =	vadd.f32 v62, v15;
	v62 =	vld [tilespmem:$0x19E00]  }
0x160: {  	v14 =	vadd.f32 v50, v14;
	v50 =	vmin.f32 v52, v24;
	v52 =	vmin.f32 v54, v26;
	[tilespmem:$0x1FF20] =	vst v43;
	v43 =	vld [tilespmem:$0x19E80]  }
0x161: {  	v19 =	vmax.f32 v20, v45;
	v20 =	vmax.f32 v21, v46;
	v21 =	vmax.f32 v23, v47;
	v44 =	vld [tilespmem:$0x19F00]  }
0x162: {  	v23 =	vmax.f32 v27, v49;
	v27 =	vmax.f32 v26, v54;
	v54 =	vadd.f32 v57, v36;
	v47 =	vld [tilespmem:$0x19F80]  }
0x163: {  	v12 =	vmax.f32 v12, v29;
	v57 =	vadd.f32 v60, v14;
	v11 =	vadd.f32 v61, v11;
	v48 =	vld [tilespmem:$0x19C10]  }
0x164: {  	v24 =	vmax.f32 v6, v50;
	v13 =	vadd.f32 v63, v13;
	v32 =	vadd.f32 v37, v55;
	v55 =	vld [tilespmem:$0x19C90]  }
0x165: {  	v16 =	vmax.f32 v16, v52;
	v0 =	vadd.f32 v0, v34;
	v18 =	vadd.f32 v35, v54  }
0x166: {  	v14 =	vadd.f32 v33, v58;
	v17 =	vpsel !p0, $0xFF800000, v42;
	v60 =	vpsel !p0, $0xFF800000, v51  }
0x167: {  	[tilespmem:$0x1FF80] =	vst v41;
	v41 =	vpsel !p0, $0xFF800000, v56;
	v30 =	vpsel !p0, $0xFF800000, v59;
	v29 =	vpsel !p0, $0xFF800000, v62  }
0x168: {  	v31 =	vpsel !p0, $0xFF800000, v43;
	v34 =	vpsel !p0, $0xFF800000, v44;
	v54 =	vpsel !p0, $0xFF800000, v47  }
0x169: {  	v33 =	vpsel !p0, $0xFF800000, v48;
	v63 =	vpsel !p0, $0xFF800000, v55;
	v53 =	vmul.f32 $1.442695020e+00, v17  }
0x16a: {  	v61 =	vmul.f32 $1.442695020e+00, v60;
	v42 =	vmul.f32 $1.442695020e+00, v41;
	v45 =	vmin.f32 v17, v19  }
0x16b: {  	v46 =	vmul.f32 $1.442695020e+00, v30;
	v17 =	vmax.f32 v19, v17;
	v50 =	vmul.f32 $1.442695020e+00, v29  }
0x16c: {  	v51 =	vmin.f32 v60, v20;
	v52 =	vmul.f32 $1.442695020e+00, v31;
	v56 =	vmul.f32 $1.442695020e+00, v54  }
0x16d: {  	v20 =	vmax.f32 v20, v60;
	v58 =	vmul.f32 $1.442695020e+00, v33;
	v59 =	vmin.f32 v41, v21  }
0x16e: {  	v21 =	vmax.f32 v21, v41;
	v62 =	vmin.f32 v30, v22;
	v41 =	vmin.f32 v29, v23  }
0x16f: {  	v36 =	vmul.f32 $1.442695020e+00, v63;
	v22 =	vmax.f32 v22, v30;
	v23 =	vmax.f32 v23, v29  }
0x170: {  	v60 =	vld [tilespmem:$0x19D10];
	v44 =	vmin.f32 v31, v25;
	v25 =	vmax.f32 v25, v31;
	v48 =	vmin.f32 v34, v27  }
0x171: {  	v27 =	vmax.f32 v27, v34;
	v8 =	vmax.f32 v8, v59;
	v59 =	vld [tilespmem:$0x19C20];
	(erf) = vpow2.f32 v53  }
0x172: {  	v10 =	vmax.f32 v10, v45;
	v19 =	vmax.f32 v7, v51;
	(erf) = vpow2.f32 v61  }
0x173: {  	v9 =	vmax.f32 v9, v62;
	v12 =	vmax.f32 v12, v41;
	(erf) = vpow2.f32 v42  }
0x174: {  	v24 =	vmax.f32 v24, v44;
	v16 =	vmax.f32 v16, v48;
	(erf) = vpow2.f32 v46  }
0x175: {  	v53 =	vmul.f32 $1.442695020e+00, v34;
	v42 =	vld [tilespmem:$0x19D90];
	v29 =	vpsel !p0, $0xFF800000, v60;
	(erf) = vpow2.f32 v50  }
0x176: {  	v46 =	vld [tilespmem:$0x19E10];
	v45 =	vmul.f32 $1.442695020e+00, v29;
	v5 =	vmin.f32 v29, v21;
	v37 =	vpsel !p0, $0xFF800000, v59  }
0x177: {  	v21 =	vmax.f32 v21, v29;
	(erf) = vpow2.f32 v52;
	v52 =	vmin.f32 v33, v17  }
0x178: {  	v50 =	vld [tilespmem:$0x19E90];
	v17 =	vmax.f32 v17, v33;
	v30 =	vmax.f32 v8, v5;
	(erf) = vpow2.f32 v53  }
0x179: {  	v31 =	vmax.f32 v10, v52;
	v5 =	vmin.f32 v37, v17;
	v17 =	vmax.f32 v17, v37  }
0x17a: {  	(erf) = vpow2.f32 v56;
	v28 =	vpsel !p0, $0xFF800000, v42;
	v29 =	vmax.f32 v31, v5  }
0x17b: {  	v53 =	vld [tilespmem:$0x19F10];
	v55 =	vmul.f32 $1.442695020e+00, v28;
	v10 =	vpsel !p0, $0xFF800000, v46;
	v46 =	vmin.f32 v28, v22  }
0x17c: {  	v22 =	vmax.f32 v22, v28;
	v49 =	vpop (erf);
	(erf) = vpow2.f32 v58;
	v58 =	vmul.f32 $1.442695020e+00, v10  }
0x17d: {  	[tilespmem:$0x1FFA0] =	vst v57;
	v56 =	vld [tilespmem:$0x19F90];
	v60 =	vpsel !p0, $0xFF800000, v50;
	v9 =	vmax.f32 v9, v46;
	v11 =	vadd.f32 v49, v11;
	v57 =	vpop (erf)  }
0x17e: {  	(erf) = vpow2.f32 v36;
	v62 =	vmul.f32 $1.442695020e+00, v60;
	v15 =	vadd.f32 v57, v15  }
0x17f: {  	v61 =	vpop (erf);
	(erf) = vpow2.f32 v45;
	v57 =	vmin.f32 v63, v20;
	v20 =	vmax.f32 v20, v63  }
0x180: {  	v63 =	vpsel !p0, $0xFF800000, v53;
	v45 =	vmul.f32 $1.442695020e+00, v37;
	v53 =	vmin.f32 v10, v23  }
0x181: {  	v5 =	vld [tilespmem:$0x19DB0];
	v23 =	vmax.f32 v23, v10;
	v13 =	vadd.f32 v61, v13;
	v40 =	vpop (erf);
	(erf) = vpow2.f32 v55  }
0x182: {  	v50 =	vld [tilespmem:$0x19DA0];
	v19 =	vmax.f32 v19, v57;
	v6 =	vmul.f32 $1.442695020e+00, v63;
	v42 =	vpsel !p0, $0xFF800000, v56  }
0x183: {  	v4 =	vld [tilespmem:$0x19CA0];
	v12 =	vmax.f32 v12, v53;
	v56 =	vmin.f32 v60, v25;
	v25 =	vmax.f32 v25, v60  }
0x184: {  	v0 =	vadd.f32 v40, v0;
	v43 =	vpop (erf);
	(erf) = vpow2.f32 v58;
	v44 =	vmul.f32 $1.442695020e+00, v42  }
0x185: {  	v7 =	vld [tilespmem:$0x19D20];
	v24 =	vmax.f32 v24, v56;
	v58 =	vmin.f32 v63, v27;
	v27 =	vmax.f32 v27, v63;
	v47 =	vpop (erf)  }
0x186: {  	v40 =	vpsel !p0, $0xFF800000, v5;
	v18 =	vadd.f32 v43, v18;
	(erf) = vpow2.f32 v62;
	v49 =	vpop (erf)  }
0x187: {  	v59 =	vpsel !p0, $0xFF800000, v50;
	v16 =	vmax.f32 v16, v58;
	v51 =	vpop (erf);
	(erf) = vpow2.f32 v6  }
0x188: {  	[tilespmem:$0x1FF30] =	vst v54;
	v32 =	vadd.f32 v47, v32;
	v47 =	vpsel !p0, $0xFF800000, v4;
	v54 =	vpop (erf);
	(erf) = vpow2.f32 v44  }
0x189: {  	v53 =	vmin.f32 v59, v22;
	v14 =	vadd.f32 v49, v14;
	v11 =	vadd.f32 v54, v11;
	v54 =	vld [tilespmem:$0x19E20]  }
0x18a: {  	[tilespmem:$0x1FF40] =	vst v42;
	v62 =	vld [tilespmem:$0x19EA0];
	v48 =	vmul.f32 $1.442695020e+00, v47;
	v49 =	vpsel !p0, $0xFF800000, v7;
	v42 =	vmin.f32 v47, v20  }
0x18b: {  	v20 =	vmax.f32 v20, v47;
	v38 =	vmax.f32 v9, v53;
	v52 =	vmul.f32 $1.442695020e+00, v49;
	v61 =	vpop (erf)  }
0x18c: {  	v19 =	vmax.f32 v19, v42;
	v46 =	vmin.f32 v49, v21;
	v21 =	vmax.f32 v21, v49;
	v43 =	vpop (erf)  }
0x18d: {  	v7 =	vld [tilespmem:$0x19F20];
	[tilespmem:$0x1FFB0] =	vst v51;
	v42 =	vmax.f32 v22, v59;
	(erf) = vpow2.f32 v45;
	v15 =	vadd.f32 v61, v15;
	v51 =	vpop (erf)  }
0x18e: {  	(erf) = vpow2.f32 v48;
	v61 =	vmul.f32 $1.442695020e+00, v59;
	v55 =	vpop (erf);
	v63 =	vpsel !p0, $0xFF800000, v54  }
0x18f: {  	v5 =	vld [tilespmem:$0x19E30];
	v33 =	vpsel !p0, $0xFF800000, v62;
	(erf) = vpow2.f32 v52;
	v57 =	vpop (erf);
	v6 =	vmul.f32 $1.442695020e+00, v63  }
0x190: {  	v44 =	vld [tilespmem:$0x19C30];
	v34 =	vmax.f32 v30, v46;
	v48 =	vmul.f32 $1.442695020e+00, v33;
	v60 =	vpop (erf);
	(erf) = vpow2.f32 v61  }
0x191: {  	v3 =	vmin.f32 v33, v25;
	v25 =	vmax.f32 v25, v33;
	v4 =	vpop (erf);
	(erf) = vpow2.f32 v6  }
0x192: {  	v13 =	vadd.f32 v43, v13;
	v43 =	vld [tilespmem:$0x19FA0];
	v49 =	vpsel !p0, $0xFF800000, v7;
	v46 =	vmax.f32 v24, v3  }
0x193: {  	v52 =	vld [tilespmem:$0x19C40];
	v0 =	vadd.f32 v51, v0;
	v50 =	vmul.f32 $1.442695020e+00, v49;
	v7 =	vmin.f32 v49, v27  }
0x194: {  	v59 =	vld [tilespmem:$0x19C70];
	v30 =	vmax.f32 v27, v49;
	v27 =	vpsel !p0, $0xFF800000, v5;
	v18 =	vadd.f32 v55, v18  }
0x195: {  	v26 =	vpsel !p0, $0xFF800000, v44;
	v33 =	vmax.f32 v16, v7;
	v32 =	vadd.f32 v57, v32;
	v54 =	vld [tilespmem:$0x19C50]  }
0x196: {  	v56 =	vld [tilespmem:$0x19C60];
	v55 =	vmul.f32 $1.442695020e+00, v26;
	v58 =	vmin.f32 v63, v23;
	v23 =	vmax.f32 v23, v63;
	v10 =	vpop (erf)  }
0x197: {  	v61 =	vmax.f32 v17, v26;
	v35 =	vadd.f32 v60, v14;
	v51 =	vpsel !p0, $0xFF800000, v43;
	v45 =	vpop (erf)  }
0x198: {  	v14 =	vpsel !p0, $0xFF800000, v52;
	v39 =	vmul.f32 $1.442695020e+00, v51;
	(erf) = vpow2.f32 v48;
	v47 =	vpop (erf)  }
0x199: {  	v62 =	vld [tilespmem:$0x19CB0];
	v24 =	vpsel !p0, $0xFF800000, v59;
	v63 =	vmax.f32 v61, v14;
	(erf) = vpow2.f32 v50;
	v57 =	vpop (erf)  }
0x19a: {  	[tilespmem:$0x1FFC0] =	vst v4;
	v4 =	vld [tilespmem:$0x19D30];
	v37 =	vadd.f32 v45, v15;
	(erf) = vpow2.f32 v39;
	v15 =	vpsel !p0, $0xFF800000, v54;
	v60 =	vpop (erf)  }
0x19b: {  	v43 =	vmax.f32 v63, v15;
	v45 =	vadd.f32 v60, v18;
	v18 =	vpsel !p0, $0xFF800000, v56  }
0x19c: {  	v17 =	vmin.f32 v26, v17;
	(erf) = vpow2.f32 v55;
	v41 =	vmax.f32 v43, v18  }
0x19d: {  	v59 =	vmul.f32 $1.442695020e+00, v40;
	v31 =	vadd.f32 v10, v11;
	v11 =	vld [tilespmem:$0x19CC0];
	v8 =	vmax.f32 v41, v24  }
0x19e: {  	v17 =	vmax.f32 v29, v17;
	v22 =	vmin.f32 v14, v61;
	v10 =	vpsel !p0, $0xFF800000, v62;
	(xrf0) =	vmax.scan.msk.f32 $0xffff, v8  }
0x19f: {  	v61 =	vmax.f32 v17, v22;
	v53 =	vmul.f32 $1.442695020e+00, v10;
	v55 =	vpsel !p0, $0xFF800000, v4  }
0x1a0: {  	v39 =	vmax.f32 v12, v58;
	v48 =	vmax.f32 v20, v10;
	v58 =	vmul.f32 $1.442695020e+00, v55  }
0x1a1: {  	v13 =	vadd.f32 v47, v13;
	v63 =	vmin.f32 v15, v63;
	(erf) = vpow2.f32 v53;
	v6 =	vpop (erf);
	v56 =	vld [tilespmem:$0x19CD0]  }
0x1a2: {  	v26 =	vpsel !p0, $0xFF800000, v11;
	(erf) = vpow2.f32 v58;
	v58 =	vmul.f32 $1.442695020e+00, v27;
	v60 =	vld [tilespmem:$0x19CE0];
	v52 =	vpop (erf)  }
0x1a3: {  	v0 =	vadd.f32 v57, v0;
	v47 =	vmax.f32 v48, v26;
	(erf) = vpow2.f32 v59;
	v54 =	vpop (erf)  }
0x1a4: {  	v62 =	vld [tilespmem:$0x19CF0];
	v32 =	vadd.f32 v6, v32;
	v43 =	vmin.f32 v18, v43;
	(erf) = vpow2.f32 v58;
	v17, _, _ =	vpop (xrf0)  }
0x1a5: {  	v28 =	vadd.f32 v52, v35;
	v41 =	vmin.f32 v24, v41;
	v57 =	vpop (erf);
	v4 =	vbroadcast v17, $0xF  }
0x1a6: {  	v29 =	vadd.f32 v57, v31;
	v31 =	vmax.f32 v61, v63;
	v22 =	vpsel !p0, $0xFF800000, v56  }
0x1a7: {  	v11 =	vld [tilespmem:$0x19D40];
	v31 =	vmax.f32 v31, v43;
	v43 =	vpsel !p0, $0xFF800000, v60;
	vm7 =	veq.f32 v8, v4  }
0x1a8: {  	[tilespmem:$0x1FF50] =	vst v51;
	v35 =	vmax.f32 v47, v22;
	v6 =	vmax.f32 v31, v41;
	v7 =	vsel vm7, $0xFF800000, v8  }
0x1a9: {  	v31 =	vpsel !p0, $0xFF800000, v62;
	v51 =	vmax.f32 v35, v43;
	v36 =	vnsel vm7, $0xFF800000, v6;
	(xrf0) =	vmax.scan.msk.f32 $0xffff, v7  }
0x1aa: {  	v5 =	vld [tilespmem:$0x19D70];
	v16 =	vmin.f32 v10, v20;
	v49 =	vmax.f32 v51, v31;
	(xrf0) =	vmax.scan.msk.f32 $0xffff, v36  }
0x1ab: {  	v16 =	vmax.f32 v19, v16;
	v10 =	vmin.f32 v55, v21;
	v9 =	vpop (erf);
	v63 =	vld [tilespmem:$0x19D60];
	(xrf0) =	vmax.scan.msk.f32 $0xffff, v49  }
0x1ac: {  	v34 =	vmax.f32 v34, v10;
	v59 =	vld [tilespmem:$0x19D50];
	v52 =	vmax.f32 v21, v55;
	[tilespmem:$0x1FFD0] =	vst v54;
	v54 =	vpsel !p0, $0xFF800000, v11;
	v55 =	vpop (erf)  }
0x1ad: {  	v56 =	vmin.f32 v40, v42;
	v42 =	vmax.f32 v42, v40;
	v60 =	vmin.f32 v27, v23;
	v57 =	vpop (erf);
	v8 =	vld [tilespmem:$0x19EB0]  }
0x1ae: {  	v53 =	vmax.f32 v38, v56;
	v40 =	vmax.f32 v39, v60;
	v62 =	vmin.f32 v26, v48;
	v12 =	vpop (erf)  }
0x1af: {  	v41 =	vpsel !p0, $0xFF800000, v5;
	v16 =	vmax.f32 v16, v62;
	v35 =	vmin.f32 v43, v35;
	v19, _, _ =	vpop (xrf0)  }
0x1b0: {  	v10 =	vmin.f32 v31, v51;
	v44 =	vpsel !p0, $0xFF800000, v63;
	v38 =	vadd.f32 v57, v0;
	[tilespmem:$0x1FFE0] =	vst v4;
	v4, _, _ =	vpop (xrf0)  }
0x1b1: {  	v45 =	vadd.f32 v12, v45;
	v7 =	vmin.f32 v22, v47;
	v47 =	vpsel !p0, $0xFF800000, v59;
	v21, _, _ =	vpop (xrf0)  }
0x1b2: {  	v63 =	vld [tilespmem:$0x19DD0];
	v36 =	vadd.f32 v9, v37;
	v0 =	vpsel !p0, $0xFF800000, v8;
	v8 =	vbroadcast v21, $0xF  }
0x1b3: {  	v6 =	vld [tilespmem:$0x19F30];
	v37 =	vadd.f32 v55, v13;
	v55 =	vmax.f32 v52, v54;
	v16 =	vmax.f32 v16, v7  }
0x1b4: {  	v9 =	vld [tilespmem:$0x19FB0];
	v16 =	vmax.f32 v16, v35;
	v61 =	vmul.f32 $1.442695020e+00, v0;
	vm8 =	veq.f32 v49, v8  }
0x1b5: {  	v12 =	vld [tilespmem:$0x19EC0];
	v57 =	vmax.f32 v55, v47;
	v16 =	vmax.f32 v16, v10;
	v11 =	vsel vm8, $0xFF800000, v49  }
0x1b6: {  	(erf) = vpow2.f32 v61;
	v49 =	vmax.f32 v57, v44;
	v16 =	vnsel vm8, $0xFF800000, v16;
	(xrf0) =	vmax.scan.msk.f32 $0xffff, v11  }
0x1b7: {  	v26 =	vmul.f32 $1.442695020e+00, v26;
	v35 =	vmax.f32 v23, v27;
	v23 =	vmax.f32 v49, v41;
	(xrf0) =	vmax.scan.msk.f32 $0xffff, v16  }
0x1b8: {  	v3 =	vmul.f32 $1.442695020e+00, v22;
	v62 =	vmul.f32 $1.442695020e+00, v14;
	v51 =	vpsel !p0, $0xFF800000, v6;
	(xrf0) =	vmax.scan.msk.f32 $0xffff, v23  }
0x1b9: {  	v58 =	vpsel !p0, $0xFF800000, v63;
	v20 =	vmul.f32 $1.442695020e+00, v51;
	v16 =	vpsel !p0, $0xFF800000, v9  }
0x1ba: {  	v55 =	vmin.f32 v47, v55;
	v56 =	vpsel !p0, $0xFF800000, v12;
	v61 =	vmul.f32 $1.442695020e+00, v16  }
0x1bb: {  	v60 =	vld [tilespmem:$0x19DC0];
	v47 =	vmul.f32 $1.442695020e+00, v47;
	v6 =	vmin.f32 v54, v52;
	(erf) = vpow2.f32 v20  }
0x1bc: {  	v13 =	vmin.f32 v0, v25;
	v50 =	vmax.f32 v25, v0;
	(erf) = vpow2.f32 v61;
	v27, _, _ =	vpop (xrf0)  }
0x1bd: {  	v7 =	vld [tilespmem:$0x19DE0];
	v5 =	vmin.f32 v51, v30;
	v0 =	vmax.f32 v34, v6;
	[tilespmem:$0x1FFF0] =	vst v8;
	(erf) = vpow2.f32 v62;
	v8, _, _ =	vpop (xrf0)  }
0x1be: {  	v10 =	vld [tilespmem:$0x19DF0];
	v0 =	vmax.f32 v0, v55;
	v57 =	vmin.f32 v44, v57;
	(erf) = vpow2.f32 v26;
	v26, _, _ =	vpop (xrf0)  }
0x1bf: {  	[tilespmem:$0x1FF60] =	vst v4;
	v0 =	vmax.f32 v0, v57;
	v49 =	vmin.f32 v41, v49;
	v4 =	vpop (erf);
	v25 =	vbroadcast v26, $0xF  }
0x1c0: {  	v11 =	vld [tilespmem:$0x19E40];
	v9 =	vmul.f32 $1.442695020e+00, v54;
	v48 =	vadd.f32 v4, v32;
	v32 =	vpsel !p0, $0xFF800000, v60  }
0x1c1: {  	v0 =	vmax.f32 v0, v49;
	v54 =	vmax.f32 v42, v32;
	vm9 =	veq.f32 v23, v25  }
0x1c2: {  	v61 =	vpsel !p0, $0xFF800000, v7;
	v55 =	vmax.f32 v54, v58;
	v23 =	vsel vm9, $0xFF800000, v23  }
0x1c3: {  	v49 =	vpsel !p0, $0xFF800000, v10;
	v10 =	vld [tilespmem:$0x19E50];
	v62 =	vmax.f32 v55, v61;
	v0 =	vnsel vm9, $0xFF800000, v0;
	(xrf0) =	vmax.scan.msk.f32 $0xffff, v23  }
0x1c4: {  	v6 =	vmul.f32 $1.442695020e+00, v56;
	v46 =	vmax.f32 v46, v13;
	v13 =	vld [tilespmem:$0x19F40];
	v63 =	vmax.f32 v62, v49;
	(xrf0) =	vmax.scan.msk.f32 $0xffff, v0  }
0x1c5: {  	v14 =	vld [tilespmem:$0x19FC0];
	v52 =	vmul.f32 $1.442695020e+00, v32;
	v4 =	vpsel !p0, $0xFF800000, v11;
	v32 =	vmin.f32 v32, v42;
	(xrf0) =	vmax.scan.msk.f32 $0xffff, v63  }
0x1c6: {  	v39 =	vmax.f32 v33, v5;
	v5 =	vmul.f32 $1.442695020e+00, v4;
	v42 =	vmax.f32 v53, v32  }
0x1c7: {  	v11 =	vld [tilespmem:$0x19E60];
	v57 =	vmin.f32 v4, v35;
	v59 =	vmax.f32 v35, v4;
	(erf) = vpow2.f32 v9  }
0x1c8: {  	[tilespmem:$0x1FF70] =	vst v1;
	v1 =	vpsel !p0, $0xFF800000, v10;
	v9 =	vmul.f32 $1.442695020e+00, v15;
	(erf) = vpow2.f32 v52  }
0x1c9: {  	v52 =	vpsel !p0, $0xFF800000, v13;
	v62 =	vmin.f32 v49, v62;
	v13 =	vmul.f32 $1.442695020e+00, v58;
	v32, _, _ =	vpop (xrf0)  }
0x1ca: {  	(erf) = vpow2.f32 v5;
	v7 =	vmul.f32 $1.442695020e+00, v52;
	v23 =	vpsel !p0, $0xFF800000, v14;
	v33, _, _ =	vpop (xrf0)  }
0x1cb: {  	[tilespmem:$0x1FF90] =	vst v8;
	(erf) = vpow2.f32 v6;
	v6 =	vmin.f32 v58, v54;
	v54 =	vld [tilespmem:$0x19E70];
	v8 =	vmul.f32 $1.442695020e+00, v23;
	v34, _, _ =	vpop (xrf0)  }
0x1cc: {  	v35 =	vpsel !p0, $0xFF800000, v11;
	(erf) = vpow2.f32 v7;
	v15 =	vbroadcast v34, $0xF  }
0x1cd: {  	v7 =	vmax.f32 v42, v6;
	(erf) = vpow2.f32 v8;
	v8 =	vmin.f32 v61, v55;
	v55 =	vpop (erf)  }
0x1ce: {  	v10 =	vld [tilespmem:$0x19F50];
	(erf) = vpow2.f32 v9;
	v42 =	vmax.f32 v7, v8;
	v22 =	vpop (erf);
	vm10 =	veq.f32 v63, v15  }
0x1cf: {  	v9 =	vld [tilespmem:$0x19ED0];
	v42 =	vmax.f32 v42, v62;
	v12 =	vpop (erf);
	v11 =	vsel vm10, $0xFF800000, v63;
	v63 =	vmax.f32 v59, v1  }
0x1d0: {  	v62 =	vpsel !p0, $0xFF800000, v54;
	v54 =	vpop (erf);
	v42 =	vnsel vm10, $0xFF800000, v42;
	(xrf0) =	vmax.scan.msk.f32 $0xffff, v11;
	v4 =	vmax.f32 v63, v35  }
0x1d1: {  	v5 =	vld [tilespmem:$0x19FD0];
	v14 =	vmul.f32 $1.442695020e+00, v1;
	(erf) = vpow2.f32 v3;
	v58 =	vpop (erf);
	(xrf0) =	vmax.scan.msk.f32 $0xffff, v42;
	v42 =	vmax.f32 v4, v62  }
0x1d2: {  	(erf) = vpow2.f32 v47;
	v47 =	vpop (erf);
	(xrf0) =	vmax.scan.msk.f32 $0xffff, v42  }
0x1d3: {  	v40 =	vmax.f32 v40, v57;
	v57 =	vmul.f32 $1.442695020e+00, v61;
	v8 =	vpsel !p0, $0xFF800000, v10;
	v53 =	vpop (erf)  }
0x1d4: {  	v7 =	vmul.f32 $1.442695020e+00, v18;
	(erf) = vpow2.f32 v13;
	v60 =	vpsel !p0, $0xFF800000, v9;
	v10 =	vpop (erf)  }
0x1d5: {  	v30 =	vmax.f32 v30, v51;
	(erf) = vpow2.f32 v14;
	v20 =	vmul.f32 $1.442695020e+00, v60;
	v14 =	vpop (erf)  }
0x1d6: {  	v13 =	vpsel !p0, $0xFF800000, v5;
	v5 =	vmul.f32 $1.442695020e+00, v8;
	v1 =	vmin.f32 v1, v59;
	v59, _, _ =	vpop (xrf0)  }
0x1d7: {  	v6 =	vmul.f32 $1.442695020e+00, v13;
	v9 =	vld [tilespmem:$0x19EE0];
	(erf) = vpow2.f32 v20;
	v1 =	vmax.f32 v40, v1;
	v40, _, _ =	vpop (xrf0)  }
0x1d8: {  	(erf) = vpow2.f32 v5;
	v11 =	vmul.f32 $1.442695020e+00, v43;
	v20 =	vmin.f32 v35, v63;
	v43, _, _ =	vpop (xrf0)  }
0x1d9: {  	v63 =	vld [tilespmem:$0x19EF0];
	v1 =	vmax.f32 v1, v20;
	v4 =	vmin.f32 v62, v4;
	v18 =	vbroadcast v43, $0xF  }
0x1da: {  	(erf) = vpow2.f32 v6;
	v1 =	vmax.f32 v1, v4;
	v4 =	vmul.f32 $1.442695020e+00, v44;
	v44 =	vld [tilespmem:$0x19F60]  }
0x1db: {  	v2 =	vld [tilespmem:$0x19FE0];
	v3 =	vmax.f32 v50, v56;
	(erf) = vpow2.f32 v7;
	v20 =	vpop (erf);
	vm11 =	veq.f32 v42, v18  }
0x1dc: {  	v5 =	vmax.f32 v3, v60;
	v51 =	vpsel !p0, $0xFF800000, v9;
	v7 =	vpop (erf);
	v42 =	vsel vm11, $0xFF800000, v42  }
0x1dd: {  	v0 =	vmul.f32 $1.442695020e+00, v51;
	(erf) = vpow2.f32 v11;
	v61 =	vpop (erf);
	v1 =	vnsel vm11, $0xFF800000, v1;
	(xrf0) =	vmax.scan.msk.f32 $0xffff, v42  }
0x1de: {  	v6 =	vmax.f32 v5, v51;
	(erf) = vpow2.f32 v4;
	v11 =	vpop (erf);
	(xrf0) =	vmax.scan.msk.f32 $0xffff, v1;
	v1 =	vmul.f32 $1.442695020e+00, v35  }
0x1df: {  	(erf) = vpow2.f32 v57;
	v4 =	vpsel !p0, $0xFF800000, v44;
	v42 =	vpsel !p0, $0xFF800000, v63;
	v63 =	vpop (erf)  }
0x1e0: {  	v44 =	vpsel !p0, $0xFF800000, v2;
	v9 =	vpop (erf);
	v35 =	vmax.f32 v6, v42;
	(erf) = vpow2.f32 v1  }
0x1e1: {  	(xrf0) =	vmax.scan.msk.f32 $0xffff, v35;
	v57 =	vpop (erf);
	(erf) = vpow2.f32 v0;
	v0 =	vmul.f32 $1.442695020e+00, v44  }
0x1e2: {  	v2 =	vmul.f32 $1.442695020e+00, v4;
	v1 =	vpop (erf)  }
0x1e3: {  	v55 =	vadd.f32 v55, v28;
	v50 =	vmin.f32 v56, v50;
	v28 =	vpop (erf)  }
0x1e4: {  	v12 =	vadd.f32 v12, v29;
	(erf) = vpow2.f32 v2;
	v2 =	vmul.f32 $1.442695020e+00, v24;
	v29 =	vpop (erf)  }
0x1e5: {  	v56 =	vmax.f32 v46, v50;
	(erf) = vpow2.f32 v0;
	v0, _, _ =	vpop (xrf0)  }
0x1e6: {  	v50 =	vmul.f32 $1.442695020e+00, v41;
	v58 =	vadd.f32 v58, v37;
	(erf) = vpow2.f32 v2;
	v37, _, _ =	vpop (xrf0)  }
0x1e7: {  	v54 =	vadd.f32 v54, v36;
	v38 =	vadd.f32 v47, v38;
	v3 =	vmin.f32 v60, v3;
	v36, _, _ =	vpop (xrf0)  }
0x1e8: {  	v60 =	vmul.f32 $1.442695020e+00, v31;
	v5 =	vmin.f32 v51, v5;
	v46 =	vpop (erf);
	v24 =	vbroadcast v36, $0xF  }
0x1e9: {  	v51 =	vimm.f32 $0.0e+00;
	v7 =	vadd.f32 v7, v12;
	v2 =	vadd.f32 v53, v45;
	v41 =	vpop (erf)  }
0x1ea: {  	v45 =	vld [tilespmem:$0x19F70];
	(erf) = vpow2.f32 v60;
	v60 =	vsel vm7, $0x3F800000, v51;
	v12 =	vpop (erf);
	vm12 =	veq.f32 v35, v24  }
0x1eb: {  	v10 =	vadd.f32 v10, v48;
	v3 =	vmax.f32 v56, v3;
	(xrf2) =	vadd.scan.msk.f32 $0xffff, v60;
	v53 =	vsel vm12, $0xFF800000, v35;
	v35 =	vpop (erf)  }
0x1ec: {  	v3 =	vmax.f32 v3, v5;
	v56 =	vmin.f32 v42, v6;
	v6 =	vmax.f32 v30, v52;
	v47 =	vpop (erf)  }
0x1ed: {  	v30 =	vmin.f32 v52, v30;
	v52 =	vmul.f32 $1.442695020e+00, v49;
	(erf) = vpow2.f32 v50;
	v48 =	vpop (erf)  }
0x1ee: {  	v3 =	vmax.f32 v3, v56;
	v7 =	vadd.f32 v29, v7;
	v29 =	vmax.f32 v6, v8;
	v31 =	vpop (erf)  }
0x1ef: {  	v5 =	vpsel !p0, $0xFF800000, v45;
	v45 =	vmax.f32 v29, v4;
	v3 =	vnsel vm12, $0xFF800000, v3;
	(xrf0) =	vmax.scan.msk.f32 $0xffff, v53;
	v53 =	vpop (erf)  }
0x1f0: {  	v56 =	vadd.f32 v61, v54;
	v50 =	vmax.f32 v45, v5;
	(xrf0) =	vmax.scan.msk.f32 $0xffff, v3;
	v7 =	vadd.f32 v53, v7  }
0x1f1: {  	(v2sf) =	vpush v17, $0xF;
	(erf) = vpow2.f32 v52;
	(xrf0) =	vmax.scan.msk.f32 $0xffff, v50  }
0x1f2: {  	v60 =	vadd.f32 v63, v38;
	v63 =	vadd.f32 v46, v56;
	v46 =	vsel vm8, $0x3F800000, v51;
	(xrf2) =	vadd.scan.msk.f32 $0xffff, v7  }
0x1f3: {  	v14 =	vadd.f32 v14, v55;
	v11 =	vadd.f32 v11, v58;
	(xrf2) =	vadd.scan.msk.f32 $0xffff, v46  }
0x1f4: {  	v58 =	vmul.f32 $1.442695020e+00, v62;
	v30 =	vmax.f32 v39, v30;
	v61 =	vmin.f32 v8, v6;
	v53 =	vpop (erf)  }
0x1f5: {  	v54 =	vsel vm9, $0x3F800000, v51;
	v52 =	vadd.f32 v41, v11;
	v41 =	vld [tilespmem:$0x1FF20];
	v62, _, _ =	vpop (xrf2);
	v6 =	vadd.f32 v53, v63  }
0x1f6: {  	v2 =	vadd.f32 v9, v2;
	v3 =	vmax.f32 v30, v61;
	v61 =	vmul.f32 $1.442695020e+00, v42;
	v42 =	vld [tilespmem:$0x1FF30];
	v56 =	vpop (erf)  }
0x1f7: {  	v12 =	vadd.f32 v12, v60;
	v4 =	vmin.f32 v4, v29;
	(erf) = vpow2.f32 v58;
	v58 =	vld [tilespmem:$0x1FF60];
	v38, _, _ =	vpop (xrf0)  }
0x1f8: {  	v60 =	vsel vm10, $0x3F800000, v51;
	v2 =	vadd.f32 v35, v2;
	v3 =	vmax.f32 v3, v4;
	v35, _, _ =	vpop (xrf0);
	v46 =	vld [tilespmem:$0x1FF40]  }
0x1f9: {  	v49 =	vld [tilespmem:$0x1FF50];
	(v2sf) =	vpush v62, $0xF;
	v7 =	vadd.f32 v56, v52;
	(erf) = vpow2.f32 v61;
	(xrf2) =	vadd.scan.msk.f32 $0xffff, v6;
	v6, _, _ =	vpop (xrf0)  }
0x1fa: {  	v52 =	vpop (erf);
	v56 =	vmin.f32 v5, v45;
	v5 =	vmul.f32 $1.442695020e+00, v5;
	v29 =	vbroadcast v6, $0xF  }
0x1fb: {  	v39 =	vmax.f32 v41, v42;
	(v2sf) =	vpush v19, $0xF;
	v8 =	vadd.f32 v52, v12;
	(xrf2) =	vadd.scan.msk.f32 $0xffff, v54  }
0x1fc: {  	(erf) = vpow2.f32 v5;
	(xrf2) =	vadd.scan.msk.f32 $0xffff, v7;
	(v2sf) =	vpush v58, $0xF;
	vm7 =	veq.f32 v50, v29;
	v17, _, _ =	vpop (xrf2)  }
0x1fd: {  	v53 =	vld [tilespmem:$0x19FF0];
	(xrf2) =	vadd.scan.msk.f32 $0xffff, v60;
	(v2sf) =	vpush v21, $0xF;
	v4 =	vmax.f32 v39, v46;
	v54 =	vsel vm7, $0xFF800000, v50;
	v60, _, _ =	vpop (xrf2)  }
0x1fe: {  	v63 =	vsel vm11, $0x3F800000, v51;
	v62 =	vld [tilespmem:$0x1FF70];
	v9 =	vmax.f32 v4, v49;
	(xrf0) =	vmax.scan.msk.f32 $0xffff, v54;
	(v2sf) =	vpush v60, $0xF  }
0x1ff: {  	v3 =	vmax.f32 v3, v56;
	v12 =	vmax.f32 v9, v16;
	(xrf2) =	vadd.scan.msk.f32 $0xffff, v8;
	(v2sf) =	vpush v27, $0xF;
	v27 =	vld [tilespmem:$0x1FF90]  }
0x200: {  	v10 =	vadd.f32 v57, v10;
	v3 =	vnsel vm7, $0xFF800000, v3;
	v30 =	vmax.f32 v12, v23;
	(xrf2) =	vadd.scan.msk.f32 $0xffff, v63;
	v63 =	vld [tilespmem:$0x1FF80]  }
0x201: {  	v1 =	vadd.f32 v1, v14;
	v61 =	vpop (erf);
	(xrf0) =	vmax.scan.msk.f32 $0xffff, v3;
	v5 =	vmax.f32 v30, v13  }
0x202: {  	v10 =	vadd.f32 v47, v10;
	v11 =	vpsel !p0, $0xFF800000, v53;
	v47 =	vpop (erf);
	v8 =	vmax.f32 v5, v44  }
0x203: {  	v1 =	vadd.f32 v48, v1;
	v21 =	vmax.f32 v8, v11;
	v19, _, _ =	vpop (xrf2)  }
0x204: {  	v55 =	vld [tilespmem:$0x1FFB0];
	v2 =	vadd.f32 v61, v2;
	v7, _, _ =	vpop (xrf0);
	(xrf0) =	vmax.scan.msk.f32 $0xffff, v21;
	(v2sf) =	vpush v27, $0xF  }
0x205: {  	v42 =	vmin.f32 v42, v41;
	v54 =	vld [tilespmem:$0x1FFA0];
	v45, _, _ =	vpop (xrf2);
	v3 =	vmax.f32 v62, v63;
	(v2sf) =	vpush v26, $0xF  }
0x206: {  	v52 =	vmin.f32 v46, v39;
	v50 =	vsel vm12, $0x3F800000, v51;
	v61 =	vpop (erf);
	(xrf2) =	vadd.scan.msk.f32 $0xffff, v2;
	(v2sf) =	vpush v45, $0xF  }
0x207: {  	v57 =	vsel vm7, $0x3F800000, v51;
	v4 =	vmin.f32 v49, v4;
	(xrf2) =	vadd.scan.msk.f32 $0xffff, v50;
	v56, _, _ =	vpop (xrf0);
	(v2sf) =	vpush v32, $0xF  }
0x208: {  	v2 =	vadd.f32 v47, v10;
	v60 =	vld [tilespmem:$0x1FFC0];
	v27 =	vmax.f32 v3, v42;
	v3, _, _ =	vpop (xrf2);
	(v2sf) =	vpush v33, $0xF  }
0x209: {  	v9 =	vmin.f32 v16, v9;
	v1 =	vadd.f32 v61, v1;
	v53, _, _ =	vpop (xrf2);
	(v2sf) =	vpush v34, $0xF  }
0x20a: {  	v16 =	vmin.f32 v23, v12;
	v26 =	vadd.f32 v55, v54;
	(xrf2) =	vadd.scan.msk.f32 $0xffff, v2;
	v58, _, _ =	vpop (xrf0);
	(v2sf) =	vpush v53, $0xF  }
0x20b: {  	v14 =	vmax.f32 v27, v52;
	(xrf2) =	vadd.scan.msk.f32 $0xffff, v57;
	v2 =	vbroadcast v58, $0xF;
	(v2sf) =	vpush v59, $0xF  }
0x20c: {  	s19 =	spop (v2sf);
	v41 =	vmin.f32 v11, v8;
	v4 =	vmax.f32 v14, v4;
	v62, _, _ =	vpop (xrf2);
	(v2sf) =	vpush v40, $0xF  }
0x20d: {  	s21 =	spop (v2sf);
	v26 =	vadd.f32 v60, v26;
	v63, _, _ =	vpop (xrf2);
	vm7 =	veq.f32 v21, v2;
	(v2sf) =	vpush v43, $0xF  }
0x20e: {  	s22 =	spop (v2sf);
	v4 =	vmax.f32 v4, v9;
	(xrf2) =	vadd.scan.msk.f32 $0xffff, v1;
	v14 =	vsel vm7, $0x3F800000, v51;
	(v2sf) =	vpush v63, $0xF  }
0x20f: {  	v46 =	vld [tilespmem:$0x1FFD0];
	s31 =	spop (v2sf);
	v33 =	vmax.f32 v4, v16;
	v34 =	vmin.f32 v13, v30;
	(xrf2) =	vadd.scan.msk.f32 $0xffff, v14;
	(v2sf) =	vpush v0, $0xF  }
0x210: {  	s23 =	spop (v2sf);
	v23, _, _ =	vpop (xrf2);
	v1 =	vmax.f32 v33, v34;
	v40 =	vmin.f32 v44, v5;
	(v2sf) =	vpush v37, $0xF  }
0x211: {  	v39, _, _ =	vpop (xrf2);
	v42 =	vsel vm7, $0xFF800000, v21;
	s24 =	spop (v2sf);
	v1 =	vmax.f32 v1, v40;
	(v2sf) =	vpush v36, $0xF  }
0x212: {  	v44 =	vmul.f32 $1.442695020e+00, v11;
	s25 =	spop (v2sf);
	v1 =	vmax.f32 v1, v41;
	(v2sf) =	vpush v39, $0xF  }
0x213: {  	(xrf0) =	vmax.scan.msk.f32 $0xffff, v42;
	v1 =	vnsel vm7, $0xFF800000, v1;
	s26 =	spop (v2sf);
	(v2sf) =	vpush v38, $0xF  }
0x214: {  	(erf) = vpow2.f32 v44;
	v43, _, _ =	vpop (xrf2);
	(xrf0) =	vmax.scan.msk.f32 $0xffff, v1;
	v1 =	vadd.f32 v46, v26;
	s28 =	spop (v2sf);
	(v2sf) =	vpush v35, $0xF  }
0x215: {  	v45, _, _ =	vpop (xrf2);
	s29 =	spop (v2sf);
	(v2sf) =	vpush v6, $0xF  }
0x216: {  	v1 =	vadd.f32 v22, v1;
	s30 =	spop (v2sf);
	(v2sf) =	vpush v45, $0xF  }
0x217: {  	p1 =	sgt.f32 s21, $1.000000000e+00;
	s20 =	spop (v2sf);
	(v2sf) =	vpush v7, $0xF  }
0x218: {  	s21 =	smax.f32 s22, s31;
	v47, _, _ =	vpop (xrf2);
	v1 =	vadd.f32 v20, v1;
	s22 =	spop (v2sf);
	(v2sf) =	vpush v56, $0xF  }
0x219: {  	s21 =	smov.u32 @p1 s19;
	v48, _, _ =	vpop (xrf2);
	s19 =	spop (v2sf);
	(v2sf) =	vpush v58, $0xF  }
0x21a: {  	p1 =	sgt.f32 s24, $1.000000000e+00;
	v49, _, _ =	vpop (xrf0);
	v1 =	vadd.f32 v28, v1;
	s24 =	spop (v2sf);
	(v2sf) =	vpush v48, $0xF  }
0x21b: {  	s25 =	smax.f32 s25, s26;
	v50, _, _ =	vpop (xrf0);
	s26 =	spop (v2sf);
	(v2sf) =	vpush v49, $0xF  }
0x21c: {  	s25 =	smov.u32 @p1 s23;
	v1 =	vadd.f32 v31, v1;
	s23 =	spop (v2sf);
	(v2sf) =	vpush v50, $0xF  }
0x21d: {  	p1 =	sgt.f32 s29, $1.000000000e+00;
	v51 =	vpop (erf);
	s31 =	spop (v2sf)  }
0x21e: {  	s20 =	smax.f32 s30, s20;
	v1 =	vadd.f32 v51, v1;
	s30 =	spop (v2sf)  }
0x21f: {  	v53 =	vlaneseq.u32;
	s20 =	smov.u32 @p1 s28;
	s28 =	spop (v2sf)  }
0x220: {  	v52 =	vmov s21;
	vm7 =	veq.s32 v53, $0x0;
	v56 =	vld [tilespmem:$0x1FFE0];
	p1 =	sgt.f32 s19, $1.000000000e+00;
	(xrf2) =	vadd.scan.msk.f32 $0xffff, v1;
	s19 =	spop (v2sf)  }
0x221: {  	v55 =	vbroadcast v17, $0xF;
	v6 =	vnsel vm7, $0xFF800000, v52;
	vm7 =	veq.s32 v53, $0x1;
	v58 =	vld [tilespmem:$0x1FFF0];
	s21 =	smax.f32 s24, s26;
	s24 =	spop (v2sf)  }
0x222: {  	v57 =	vbroadcast v19, $0xF;
	v54 =	vsel vm7, s25, v6;
	vm7 =	veq.s32 v53, $0x2;
	s21 =	smov.u32 @p1 s22;
	s22 =	spop (v2sf)  }
0x223: {  	v3 =	vbroadcast v3, $0xF;
	v1 =	vsel vm7, s20, v54;
	vm7 =	veq.s32 v53, $0x3;
	p1 =	sgt.f32 s31, $1.000000000e+00;
	s31 =	spop (v2sf)  }
0x224: {  	vm8 =	veq.s32 v53, $0x4;
	v1 =	vsel vm7, s21, v1;
	vm7 =	vmmov $0x1;
	s20 =	smax.f32 s30, s28;
	s26 =	spop (v2sf)  }
0x225: {  	v59 =	vbroadcast v62, $0xF;
	v7 =	vnsel vm7, $0xFF800000, v56;
	v6 =	vnsel vm7, $0x0, v55;
	s20 =	smov.u32 @p1 s23;
	s23 =	spop (v2sf)  }
0x226: {  	v0 =	vbroadcast v23, $0xF;
	v7 =	vsel vm0, v7, v58;
	v6 =	vsel vm0, v6, v57;
	p1 =	sgt.f32 s24, $1.000000000e+00;
	s24 =	spop (v2sf)  }
0x227: {  	v5 =	vbroadcast v43, $0xF;
	v7 =	vsel vm1, v7, v25;
	v3 =	vsel vm1, v6, v3;
	s22 =	smax.f32 s22, s31;
	s28 =	spop (v2sf)  }
0x228: {  	v4 =	vbroadcast v47, $0xF;
	v60 =	vsel vm2, v7, v15;
	v3 =	vsel vm2, v3, v59;
	s22 =	smov.u32 @p1 s19;
	s19 =	spop (v2sf)  }
0x229: {  	vm7 =	veq.s32 v53, $0x5;
	v6 =	vsel vm3, v60, v18;
	v0 =	vsel vm3, v3, v0;
	p1 =	sgt.f32 s23, $1.000000000e+00;
	s29 =	spop (v2sf)  }
0x22a: {  	v1 =	vsel vm8, s20, v1;
	v61 =	vsel vm4, v6, v24;
	v0 =	vsel vm4, v0, v5;
	v62, _, _ =	vpop (xrf2);
	s20 =	smax.f32 s24, s28;
	s30 =	spop (v2sf)  }
0x22b: {  	v3 =	vsel vm5, v61, v29;
	v0 =	vsel vm5, v0, v4;
	v63 =	vbroadcast v62, $0xF;
	p2 =	sgt.f32 s29, $1.000000000e+00;
	s31 =	spop (v2sf)  }
0x22c: {  	v1 =	vsel vm7, s22, v1;
	vm7 =	veq.s32 v53, $0x6;
	v2 =	vsel vm6, v3, v2;
	s20 =	smov.u32 @p1 s26;
	s21 =	smax.f32 s30, s31  }
0x22d: {  	s18 =	sadd.s32 $0x1, s18;
	[tilespmem:$0x1A000] =	vst v2;
	v0 =	vsel vm6, v0, v63;
	v1 =	vsel vm7, s20, v1;
	vm7 =	veq.s32 v53, $0x7;
	s21 =	smov.u32 @p2 s19  }
0x22e: {  	p1 =	sne.s32 s18, s10;
	[tilespmem:$0x1A020] =	vst v0;
	v1 =	vsel vm7, s21, v1  }
.Ltmp6:
0x22f: {  	[tilespmem:$0x1A010] =	vst v1;
	(pc) =	sbr.rel @p1 .LBB2_1-.Ltmp6, $4  }
0x230: {  	[hbm4b:s9+s2] =	stream.linear.scatter [tilespmem:s16], [sflag:$0x3], $0x30, $0x38;
	[tilespmem:$0x1A080] =	vst v63  }
0x231: {  	_ =	swait.ge [sflag:s17], $0x30  }
0x232: {  	[sflag:s17] =	ssyncset.done $0x0  }
0x233: {  	[sflag:s17] =	ssyncadd.s32 $0xFFFFFFD0  }
0x234: {  	_ =	sfence.sel $0x180000  }
0x235: {  	[bflag:$0x0] =	sbarrier.arrive $0xFFFF  }
0x236: {  	p0 =	sne.s32 s0, $0x0;
	_ =	strace $0x90000047  }
0x237: {  	s0 =	sadd.s32 @!p0 $0x100000, s1;
	[bflag:$0x2] =	sbarrier.arrive $0xFFFF  }
0x238: {  	[sflag:s0] =	ssyncadd.tile.s32 @!p0 $0x1;
	_ =	shalt  }
.Lfunc_end2:
_tile_overlayer_lowered:
.L_overlay_start_2:
0x239: {  	(tag) =	ssettag $0x2  }
0x23a: {  	s0 =	rddreg [dreg:$0x0];
	s2 =	stileid.u32  }
0x23b: {  	s1 =	rddreg [dreg:$0x1];
	p0 =	sne.s32 s2, $0x0  }
0x23c: {  	s3 =	rddreg [dreg:$0x2];
	[bflag:$0x3] =	sbarrier.arrive $0xFFFF;
	s2 =	simm.s32 @!p0 $0x1C03  }
0x23d: {  	[timem:s3], [sflag:s2] =	dma.local @!p0 [hbm:s0], s1  }
0x23e: {  	s0 =	simm.s32 @!p0 $0x3  }
0x23f: {  	_ =	swait.ge @!p0 [sflag:s0], s1  }
0x240: {  	s1 =	ssub.s32 @!p0 $0x0, s1;
	[sflag:s0] =	ssyncset.done @!p0 $0x0  }
0x241: {  	[sflag:s0] =	ssyncadd.s32 @!p0 s1  }
0x242: {  	[bflag:$0x3] =	sbarrier.arrive $0xFFFF  }
0x243: {  	_ =	shalt  }

// kernel: kernel.7.cloned.1.call-start
scs
__scs_entry_jumppad:
0x0: {  	(pc) =	sbr.rel $0x88, $3  }
0x1: {  	(tag) =	ssettag $0x0;
	lr =	simm.s32 $0x1  }
0x2: {  	[smem:$0x3FA0] =	sst lr;
	_ =	strace $0xD0000000  }
0x3: {  	_ = 	snop  }
0x4: {  	_ = 	snop  }
0x5: {  	_ = 	snop  }
0x6: {  	_ = 	snop  }
0x7: {  	_ = 	snop  }
__scs_overlays_trampoline_lowered:
0x8: {  	[smem:$0x3FAF] =	sst s0  }
0x9: {  	[smem:$0x3FB0] =	sst s1  }
0xa: {  	[smem:$0x3FB1] =	sst s2  }
0xb: {  	[smem:$0x3FB2] =	sst s3  }
0xc: {  	[smem:$0x3FB3] =	sst s4  }
0xd: {  	[smem:$0x3FB4] =	sst s5  }
0xe: {  	[smem:$0x3FB5] =	sst s6  }
0xf: {  	[smem:$0x3FB6] =	sst s7  }
0x10: {  	[smem:$0x3FB7] =	sst s8  }
0x11: {  	[smem:$0x3FB8] =	sst s9;
	s0 =	simm.s32 @!p0 $0x0  }
0x12: {  	s1 =	sld [smem:$0x3F9E];
	s0 =	simm.s32 @p0 $0x1  }
0x13: {  	[smem:$0x3FB9] =	sst s0;
	s0 =	simm.s32 @!p1 $0x0  }
0x14: {  	s2 =	sld [smem:$0x3F9D];
	s0 =	simm.s32 @p1 $0x1  }
0x15: {  	[smem:$0x3FBA] =	sst s0;
	s0 =	simm.s32 @!p2 $0x0  }
0x16: {  	s3 =	sld [smem:$0x3FDB];
	s0 =	simm.s32 @p2 $0x1  }
0x17: {  	s4 =	simm.s32 $0x1BF5;
	[smem:$0x3FBC] =	sst s0  }
0x18: {  	s0 =	sld [smem:$0x3F9F];
	_ =	swait.ge [sflag:s4], $0x0  }
0x19: {  	s7 =	sld [smem:$0x3FA0]  }
0x1a: {  	s8 =	sadd.s32 $0xFFFFE003, lr  }
0x1b: {  	s9 =	sadd.s32 $0xFFFFFEF7, lr;
	s5 =	simm.s32 $0xFFFFFFFF;
	p2 =	slt.u32 s8, $0xFFFFF086  }
0x1c: {  	p1 =	slt.u32 s9, $0xF7A;
	s5 =	simm.s32 @!p2 $0x0  }
0x1d: {  	s5 =	simm.s32 @p1 $0x1;
	p0 =	seq.s32 s7, s2  }
0x1e: {  	s7 =	smul.u32 @!p0 $0xF7A, s2;
	p2 =	seq.s32 @!p0 s5, $0x0  }
0x1f: {  	s9 =	smul.u32 $0xF7A, s1;
	s8 =	simm.s32 @!p0 $0x1BF5;
	p2 =	por !p2, p0  }
0x20: {  	[sflag:s8] =	ssyncset.s32 @!p0 $0xFFFFF086;
	s6 =	sadd.s32 @!p0 s3, s7;
	s7 =	simm.s32 @!p0 $0x108  }
0x21: {  	s3 =	sadd.s32 s3, s9;
	s6 =	sadd.s32 @!p0 $0x88, s6;
	s7 =	simm.s32 @p2 $0x1082  }
0x22: {  	[simem:s7], [sflag:s8] =	dma.local @!p0 [hbm:s6], $0xF7A  }
0x23: {  	s9 =	sor.u32 $0xD0000000, s2;
	s6 =	simm.s32 $0x108;
	_ =	swait.ge @!p0 [sflag:s8], $0x0  }
0x24: {  	s3 =	sadd.s32 $0x88, s3;
	s6 =	simm.s32 @!p1 $0x1082;
	[sflag:s4] =	ssyncset.s32 $0xFFFFF086  }
0x25: {  	[simem:s6], [sflag:s4] =	dma.local [hbm:s3], $0xF7A  }
0x26: {  	[smem:$0x3FA0] =	sst s1;
	(tag) =	ssettag s2;
	_ =	strace s9  }
0x27: {  	s1 =	sld [smem:$0x3FB0]  }
0x28: {  	s2 =	sld [smem:$0x3FB1]  }
0x29: {  	s4 =	sld [smem:$0x3FB3]  }
0x2a: {  	p0 =	seq.s32 s5, $0x0;
	s5 =	sld [smem:$0x3FB4]  }
0x2b: {  	s6 =	sld [smem:$0x3FB5]  }
0x2c: {  	s7 =	sld [smem:$0x3FB6]  }
0x2d: {  	s3 =	simm.s32 $0x108;
	s8 =	sld [smem:$0x3FB7]  }
0x2e: {  	s3 =	simm.s32 @!p0 $0x1082;
	s9 =	sld [smem:$0x3FB8]  }
0x2f: {  	lr =	sadd.s32 s0, s3;
	s0 =	sld [smem:$0x3FAF]  }
0x30: {  	s3 =	sld [smem:$0x3FB2]  }
0x31: {  	[smem:$0x3FBB] =	sst s10  }
0x32: {  	s10 =	sld [smem:$0x3FB9];
	_ =	sdelay $0x3  }
0x33: {  	p0 =	seq.s32 s10, $0x1;
	s10 =	sld [smem:$0x3FBB];
	_ =	sdelay $0x3  }
0x34: {  	[smem:$0x3FBB] =	sst s10  }
0x35: {  	s10 =	sld [smem:$0x3FBA];
	_ =	sdelay $0x3  }
0x36: {  	p1 =	seq.s32 s10, $0x1;
	s10 =	sld [smem:$0x3FBB];
	_ =	sdelay $0x3  }
0x37: {  	[smem:$0x3FBB] =	sst s10  }
0x38: {  	s10 =	sld [smem:$0x3FBC]  }
0x39: {  	_ = 	snop;
	(pc) =	sbr.ind lr, $3  }
0x3a: {  	_ = 	snop  }
0x3b: {  	_ = 	snop  }
0x3c: {  	p2 =	seq.s32 s10, $0x1;
	s10 =	sld [smem:$0x3FBB]  }
0x3d: {  	_ =	shalt  }
0x3e: {  	_ =	shalt  }
0x3f: {  	_ =	shalt  }
0x40: {  	_ =	shalt  }
0x41: {  	_ =	shalt  }
0x42: {  	_ =	shalt  }
0x43: {  	_ =	shalt  }
0x44: {  	_ =	shalt  }
0x45: {  	_ =	shalt  }
0x46: {  	_ =	shalt  }
0x47: {  	_ =	shalt  }
0x48: {  	_ =	shalt  }
0x49: {  	_ =	shalt  }
0x4a: {  	_ =	shalt  }
0x4b: {  	_ =	shalt  }
0x4c: {  	_ =	shalt  }
0x4d: {  	_ =	shalt  }
0x4e: {  	_ =	shalt  }
0x4f: {  	_ =	shalt  }
0x50: {  	_ =	shalt  }
0x51: {  	_ =	shalt  }
0x52: {  	_ =	shalt  }
0x53: {  	_ =	shalt  }
0x54: {  	_ =	shalt  }
0x55: {  	_ =	shalt  }
0x56: {  	_ =	shalt  }
0x57: {  	_ =	shalt  }
0x58: {  	_ =	shalt  }
0x59: {  	_ =	shalt  }
0x5a: {  	_ =	shalt  }
0x5b: {  	_ =	shalt  }
0x5c: {  	_ =	shalt  }
0x5d: {  	_ =	shalt  }
0x5e: {  	_ =	shalt  }
0x5f: {  	_ =	shalt  }
0x60: {  	_ =	shalt  }
0x61: {  	_ =	shalt  }
0x62: {  	_ =	shalt  }
0x63: {  	_ =	shalt  }
0x64: {  	_ =	shalt  }
0x65: {  	_ =	shalt  }
0x66: {  	_ =	shalt  }
0x67: {  	_ =	shalt  }
0x68: {  	_ =	shalt  }
0x69: {  	_ =	shalt  }
0x6a: {  	_ =	shalt  }
0x6b: {  	_ =	shalt  }
0x6c: {  	_ =	shalt  }
0x6d: {  	_ =	shalt  }
0x6e: {  	_ =	shalt  }
0x6f: {  	_ =	shalt  }
0x70: {  	_ =	shalt  }
0x71: {  	_ =	shalt  }
0x72: {  	_ =	shalt  }
0x73: {  	_ =	shalt  }
0x74: {  	_ =	shalt  }
0x75: {  	_ =	shalt  }
0x76: {  	_ =	shalt  }
0x77: {  	_ =	shalt  }
0x78: {  	_ =	shalt  }
0x79: {  	_ =	shalt  }
0x7a: {  	_ =	shalt  }
0x7b: {  	_ =	shalt  }
0x7c: {  	_ =	shalt  }
0x7d: {  	_ =	shalt  }
0x7e: {  	_ =	shalt  }
0x7f: {  	_ =	shalt  }
0x80: {  	_ =	shalt  }
0x81: {  	_ =	shalt  }
0x82: {  	_ =	shalt  }
0x83: {  	_ =	shalt  }
0x84: {  	_ =	shalt  }
0x85: {  	_ =	shalt  }
0x86: {  	_ =	shalt  }
0x87: {  	_ =	shalt  }
.Lfunc_end0:
.L_simem_size_0:
called_computation.1_lowered:
.L_overlay_start_0:
0x88: {  	s2 =	sld [smem:$0x3FD9]  }
0x89: {  	s3 =	sld [smem:$0x3FFE];
	_ =	sdelay $0x1  }
0x8a: {  	s1 =	srdreg.scid  }
0x8b: {  	s0 =	sand.u32 $0x1, s1  }
0x8c: {  	s16 =	sshll.u32 s0, $0xA;
	s2 =	sadd.s32 s3, s2  }
0x8d: {  	s2 =	sadd.s32 s2, s16  }
0x8e: {  	[smem:$0x3FC7] =	sst s2  }
0x8f: {  	_ = 	snop  }
0x90: {  	(tm) =	ssettm $0x1  }
0x91: {  	s17 =	sld [smem:$0x3FFB];
	_ =	sdelay $0x3  }
0x92: {  	_ =	strace s17  }
0x93: {  	s2 =	sld [smem:$0x3FFC];
	_ =	sdelay $0x3  }
0x94: {  	_ =	strace s2  }
0x95: {  	s2 =	sld [smem:$0x3FFD];
	_ =	sdelay $0x3  }
0x96: {  	_ =	strace s2  }
0x97: {  	_ =	strace $0x8FFFFFFF  }
0x98: {  	s18 =	sld [smem:$0x3FDB];
	_ =	sdelay $0x1  }
0x99: {  	s19 =	simm.s32 $_scs_section_size  }
0x9a: {  	s4 =	simm.s32 $_size__tile_overlayer_lowered;
	s5 =	simm.s32 $_tile_overlayer_lowered  }
0x9b: {  	s22 =	simm.s32 $0x1BFF;
	s21 =	sshll.u32 s5, $0x1;
	s2 =	sadd.s32 s19, s18  }
0x9c: {  	s6 =	simm.s32 $0x0;
	s20 =	sshll.u32 s4, $0x1;
	s4 =	sadd.s32 s21, s2  }
0x9d: {  	[timem:s6], [sflag:s22] =	dma.local [hbm:s4], s20  }
0x9e: {  	_ =	swait.ge [sflag:s22], s20  }
0x9f: {  	s3 =	ssub.s32 $0x0, s20;
	[sflag:s22] =	ssyncset.done $0x0  }
0xa0: {  	[sflag:s22] =	ssyncadd.s32 s3;
	_ =	sdelay $0x1  }
0xa1: {  	s23 =	simm.s32 $0x1B8B  }
0xa2: {  	_ =	swait.ge [sflag:s23], $0x1  }
0xa3: {  	[sflag:s23] =	ssyncset.done $0x0  }
0xa4: {  	s25 =	simm.s32 $0x1B8E;
	s24 =	sld [smem:$0x3FFE];
	[sflag:s23] =	ssyncadd.s32 $0xFFFFFFFF  }
0xa5: {  	s26 =	simm.s32 $execute0_lowered;
	[smem:$0x3FD2] =	sst s25  }
0xa6: {  	s4 =	sshll.u32 s26, $0x1;
	_ =	strace $0x80000049;
	[dreg:$0x1] =	wrdreg $0xFFFFFFFF  }
0xa7: {  	s28 =	simm.s32 $_size_execute0_lowered;
	s2 =	sadd.s32 s2, s4;
	[dreg:$0x0] =	wrdreg $0x0  }
0xa8: {  	s4 =	sshll.u32 s28, $0x1;
	[dreg:$0x2] =	wrdreg s2  }
0xa9: {  	[dreg:$0x3] =	wrdreg s4  }
0xaa: {  	[dreg:$0x4] =	wrdreg $0xC0  }
0xab: {  	_ =	task [dreg:s6], $0x5FFFF  }
0xac: {  	[dreg:$0x1] =	wrdreg $0xFFFFFFFF  }
0xad: {  	[dreg:$0x0] =	wrdreg $0x60  }
0xae: {  	[dreg:$0x2] =	wrdreg s24  }
0xaf: {  	[dreg:$0x3] =	wrdreg $0x9  }
0xb0: {  	_ =	task.clear_ibuf [dreg:s6], $0x4FFFF;
	_ =	strace $0x90000049  }
0xb1: {  	s29 =	simm.s32 $0x9;
	_ =	strace $0x8000004B  }
0xb2: {  	_ =	swait.ge [sflag:s29], $0x1  }
0xb3: {  	[sflag:s29] =	ssyncadd.s32 $0xFFFFFFFF  }
0xb4: {  	_ =	strace $0x9000004B  }
0xb5: {  	_ =	sfence  }
0xb6: {  	s30 =	sld [smem:$0x0];
	_ =	sdelay $0x2  }
0xb7: {  	s31 =	sshll.u32 s1, $0xD;
	s1 =	sshrl.u32 s1, $0x2  }
0xb8: {  	s3 =	sand.u32 $0x4000, s31;
	s1 =	sadd.s32 s1, s30  }
0xb9: {  	s0 =	sor.u32 s3, s0;
	s1 =	sshll.u32 s1, $0x11  }
0xba: {  	s0 =	sor.u32 s1, s0  }
0xbb: {  	s0 =	sadd.s32 $0x8F2B, s0  }
0xbc: {  	[sflag:s0] =	ssyncadd.remote.s32 $0x1  }
0xbd: {  	_ =	sfence.sel $0xFFFF  }
0xbe: {  	[dreg:$0x0] =	wrdreg $0xFFFFFFFF;
	(pc) =	sbr.abs _section_cstart, $3  }
0xbf: {  	[dreg:$0x1] =	wrdreg $0xFFFFFFFF  }
0xc0: {  	_ =	task.clear_ibuf [dreg:s6], $0x2FFFF;
	_ =	strace $0x9FFFFFFF  }
0xc1: {  	(tm) =	ssettm $0x7FFFFFFF  }
tec
execute0_lowered:
.L_overlay_start_1:
0x0: {  	(tag) =	ssettag $0x1  }
0x1: {  	s3 =	rddreg [dreg:$0x0];
	s1 =	stileid.u32  }
0x2: {  	s0 =	rddreg [dreg:$0x1];
	s2 =	simm.s32 $0x0;
	s4 =	sshrl.u32 s1, $0x1  }
0x3: {  	s18 =	srdreg.scid;
	s19 =	simm.s32 $0x100;
	s5 =	smul.u32 $0x18, s4  }
0x4: {  	[smem:$0x7FF] =	sst s2;
	s6 =	sshll.u32 s1, $0x2;
	s4 =	sand.u32 $0x1, s18  }
0x5: {  	_ =	strace $0x8000004A;
	s7 =	sshll.u32 s4, $0x1;
	s5 =	sadd.s32 s5, s3  }
0x6: {  	[dreg:$0x4] =	wrdreg s19;
	s6 =	sor.u32 s7, s6;
	s5 =	sadd.s32 $0xC00, s5  }
0x7: {  	s3 =	sadd.s32 s6, s3;
	[dreg:$0x2] =	wrdreg s5  }
0x8: {  	s3 =	sadd.s32 $0x800, s3;
	s5 =	rddreg [dreg:$0x2]  }
0x9: {  	[dreg:$0x3] =	wrdreg s3;
	s3 =	simm.s32 $0x1  }
0xa: {  	[tilespmem:s2], [sflag:$0x1] =	stream.linear.gather [hbm4b:s5+s2], $0xC0, $0x38;
	[tilespmem:$0x180] =	vst v63  }
0xb: {  	_ =	swait.ge [sflag:s3], $0xC0  }
0xc: {  	[sflag:s3] =	ssyncset.done $0x0  }
0xd: {  	[sflag:s3] =	ssyncadd.s32 $0xFFFFFF40  }
0xe: {  	v0 =	vld [tilespmem:$0x10]  }
0xf: {  	s20 =	sand.u32 $0x6, s6  }
0x10: {  	v3 =	vlaneseq.u32;
	v2 =	vmov s20;
	v1 =	vld [tilespmem:$0x0]  }
0x11: {  	vm0 =	veq.s32 v2, v3;
	s5 =	sor.u32 $0x1, s20;
	v2 =	vld [tilespmem:$0x60]  }
0x12: {  	v4 =	vmov s5;
	v52 =	vld [tilespmem:$0x40]  }
0x13: {  	vm1 =	veq.s32 v4, v3;
	v5 =	vld [tilespmem:$0x30];
	v3 =	vnsel vm0, $0xFF800000, v0  }
0x14: {  	v0 =	vnsel vm1, $0xFF800000, v0;
	(xrf0) =	vmax.scan.msk.f32 $0xffff, v3  }
0x15: {  	v3 =	vnsel vm0, $0xFF800000, v1;
	(xrf0) =	vmax.scan.msk.f32 $0xffff, v0  }
0x16: {  	v0 =	vnsel vm1, $0xFF800000, v1;
	(xrf0) =	vmax.scan.msk.f32 $0xffff, v3  }
0x17: {  	v1 =	vld [tilespmem:$0x90];
	v3 =	vnsel vm0, $0xFF800000, v2;
	(xrf0) =	vmax.scan.msk.f32 $0xffff, v0  }
0x18: {  	v0 =	vnsel vm0, $0xFF800000, v52;
	(xrf0) =	vmax.scan.msk.f32 $0xffff, v3;
	v3 =	vnsel vm1, $0xFF800000, v5  }
0x19: {  	(xrf0) =	vmax.scan.msk.f32 $0xffff, v0  }
0x1a: {  	v5 =	vnsel vm0, $0xFF800000, v5;
	v0 =	vld [tilespmem:$0x70];
	v6, _, _ =	vpop (xrf0);
	(xrf0) =	vmax.scan.msk.f32 $0xffff, v3  }
0x1b: {  	v2 =	vnsel vm1, $0xFF800000, v2;
	(xrf0) =	vmax.scan.msk.f32 $0xffff, v5;
	v3, _, _ =	vpop (xrf0)  }
0x1c: {  	v53 =	vld [tilespmem:$0xA0];
	v7 =	vnsel vm0, $0xFF800000, v1;
	v8, _, _ =	vpop (xrf0);
	(v2sf) =	vpush v3, $0xF;
	(xrf0) =	vmax.scan.msk.f32 $0xffff, v2  }
0x1d: {  	v1 =	vnsel vm1, $0xFF800000, v1;
	v2 =	vnsel vm1, $0xFF800000, v52;
	(v2sf) =	vpush v6, $0xF;
	(xrf0) =	vmax.scan.msk.f32 $0xffff, v7;
	v3, _, _ =	vpop (xrf0)  }
0x1e: {  	(v2sf) =	vpush v8, $0xF;
	v54, _, _ =	vpop (xrf0);
	(xrf0) =	vmax.scan.msk.f32 $0xffff, v2;
	v2 =	vld [tilespmem:$0x20]  }
0x1f: {  	v55 =	vnsel vm0, $0xFF800000, v0;
	v56, _, _ =	vpop (xrf0);
	(v2sf) =	vpush v54, $0xF;
	(xrf0) =	vmax.scan.msk.f32 $0xffff, v1  }
0x20: {  	v0 =	vnsel vm1, $0xFF800000, v0;
	(v2sf) =	vpush v56, $0xF;
	(xrf0) =	vmax.scan.msk.f32 $0xffff, v55;
	v1, _, _ =	vpop (xrf0)  }
0x21: {  	v58 =	vnsel vm0, $0xFF800000, v53;
	(v2sf) =	vpush v1, $0xF;
	(xrf0) =	vmax.scan.msk.f32 $0xffff, v0  }
0x22: {  	v59, _, _ =	vpop (xrf0);
	v0 =	vnsel vm1, $0xFF800000, v53;
	(xrf0) =	vmax.scan.msk.f32 $0xffff, v58;
	(v2sf) =	vpush v3, $0xF  }
0x23: {  	v1, _, _ =	vpop (xrf0);
	(v2sf) =	vpush v59, $0xF;
	(xrf0) =	vmax.scan.msk.f32 $0xffff, v0;
	v0 =	vnsel vm0, $0xFF800000, v2  }
0x24: {  	v3, _, _ =	vpop (xrf0);
	(v2sf) =	vpush v1, $0xF;
	v1 =	vnsel vm1, $0xFF800000, v2  }
0x25: {  	v57 =	vld [tilespmem:$0x50];
	v60, _, _ =	vpop (xrf0)  }
0x26: {  	(xrf0) =	vmax.scan.msk.f32 $0xffff, v0;
	(v2sf) =	vpush v3, $0xF;
	v0, _, _ =	vpop (xrf0)  }
0x27: {  	(xrf0) =	vmax.scan.msk.f32 $0xffff, v1;
	v1, _, _ =	vpop (xrf0);
	(v2sf) =	vpush v0, $0xF  }
0x28: {  	(v2sf) =	vpush v1, $0xF;
	v0, _, _ =	vpop (xrf0)  }
0x29: {  	v1, _, _ =	vpop (xrf0);
	(v2sf) =	vpush v0, $0xF  }
0x2a: {  	v2 =	vnsel vm0, $0xFF800000, v57;
	(v2sf) =	vpush v1, $0xF;
	v0, _, _ =	vpop (xrf0)  }
0x2b: {  	(xrf0) =	vmax.scan.msk.f32 $0xffff, v2;
	v1 =	vld [tilespmem:$0x80];
	(v2sf) =	vpush v0, $0xF  }
0x2c: {  	s5 =	spop (v2sf);
	(v2sf) =	vpush v60, $0xF  }
0x2d: {  	v2 =	vld [tilespmem:$0xB0];
	s21 =	spop (v2sf)  }
0x2e: {  	s22 =	spop (v2sf)  }
0x2f: {  	v4 =	vnsel vm1, $0xFF800000, v57;
	v0, _, _ =	vpop (xrf0);
	s8 =	spop (v2sf)  }
0x30: {  	(xrf0) =	vmax.scan.msk.f32 $0xffff, v4;
	v3, _, _ =	vpop (xrf0);
	s9 =	smin.f32 s22, $-Inf;
	v62 =	vnsel vm0, $0xFF800000, v1;
	s10 =	spop (v2sf)  }
0x31: {  	v61, _, _ =	vpop (xrf0);
	s6 =	smax.f32 s9, s21;
	(xrf0) =	vmax.scan.msk.f32 $0xffff, v62;
	s23 =	spop (v2sf)  }
0x32: {  	v63 =	vnsel vm0, $0xFF800000, v2;
	(v2sf) =	vpush v61, $0xF;
	s6 =	smax.f32 s6, s10;
	s24 =	spop (v2sf)  }
0x33: {  	v1 =	vnsel vm1, $0xFF800000, v1;
	(v2sf) =	vpush v0, $0xF;
	v0 =	vnsel vm1, $0xFF800000, v2;
	(xrf0) =	vmax.scan.msk.f32 $0xffff, v63;
	s11 =	smin.f32 s24, s23;
	s12 =	spop (v2sf)  }
0x34: {  	(xrf0) =	vmax.scan.msk.f32 $0xffff, v1;
	s9 =	smax.f32 s24, s23;
	s13 =	spop (v2sf)  }
0x35: {  	(v2sf) =	vpush v3, $0xF;
	s10 =	smin.f32 s24, $-Inf;
	s15 =	spop (v2sf)  }
0x36: {  	s14 =	smin.f32 s22, s12;
	(xrf0) =	vmax.scan.msk.f32 $0xffff, v0;
	v0, _, _ =	vpop (xrf0);
	s25 =	spop (v2sf)  }
0x37: {  	s7 =	smax.f32 s22, s12;
	v1, _, _ =	vpop (xrf0);
	s17 =	spop (v2sf)  }
0x38: {  	s16 =	smax.f32 s7, s8;
	(v2sf) =	vpush v1, $0xF;
	s19 =	spop (v2sf)  }
0x39: {  	s18 =	smin.f32 s9, s13;
	v1, _, _ =	vpop (xrf0);
	(v2sf) =	vpush v0, $0xF;
	s26 =	spop (v2sf)  }
0x3a: {  	s6 =	smax.f32 s14, s6;
	v0, _, _ =	vpop (xrf0);
	(v2sf) =	vpush v1, $0xF;
	s28 =	spop (v2sf)  }
0x3b: {  	s7 =	smin.f32 s7, s8;
	s29 =	spop (v2sf);
	(v2sf) =	vpush v0, $0xF  }
0x3c: {  	s9 =	smax.f32 s9, s13;
	s20 =	smax.f32 s16, s15;
	v0, _, _ =	vpop (xrf0)  }
0x3d: {  	s30 =	smax.f32 s9, s25;
	s6 =	smax.f32 s6, s17;
	v1 =	vmov s20;
	(v2sf) =	vpush v0, $0xF  }
0x3e: {  	s5 =	smax.f32 s10, s5;
	s6 =	smax.f32 s7, s6;
	v0 =	vsub.f32 $0.0e+00, v1;
	v1 =	vmov s30  }
0x3f: {  	s15 =	smin.f32 s16, s15;
	s6 =	smax.f32 s6, s26;
	v1 =	vsub.f32 $0.0e+00, v1  }
0x40: {  	s16 =	smin.f32 s9, s25;
	s6 =	smax.f32 s15, s6;
	v0 =	vmul.f32 $1.442695020e+00, v0  }
0x41: {  	s5 =	smax.f32 s5, s29;
	s6 =	ssub.f32 s6, s20;
	v1 =	vmul.f32 $1.442695020e+00, v1  }
0x42: {  	s31 =	spop (v2sf);
	s5 =	smax.f32 s11, s5;
	v0 =	vbroadcast v0, $0x0  }
0x43: {  	s5 =	smax.f32 s5, s19;
	s20 =	spop (v2sf);
	v2 =	vmov s6;
	v1 =	vbroadcast v1, $0x0  }
0x44: {  	s21 =	sadd.f32 $0.0e+00, s20;
	s22 =	spop (v2sf);
	(erf) = vpow2.f32 v0;
	v0 =	vmul.f32 $1.442695020e+00, v2  }
0x45: {  	s5 =	smax.f32 s18, s5;
	s23 =	sadd.f32 $0.0e+00, s22;
	(erf) = vpow2.f32 v1  }
0x46: {  	s5 =	smax.f32 s5, s28;
	s6 =	sadd.f32 s31, s21;
	v0 =	vbroadcast v0, $0x0  }
0x47: {  	s5 =	smax.f32 s16, s5;
	s24 =	spop (v2sf)  }
0x48: {  	s4 =	ssub.s32 $0x2, s4;
	s5 =	ssub.f32 s5, s30;
	(erf) = vpow2.f32 v0;
	s25 =	spop (v2sf)  }
0x49: {  	s30 =	sshrl.u32 s4, $0x1;
	s7 =	sadd.f32 s25, s23;
	s26 =	spop (v2sf)  }
0x4a: {  	s4 =	ssub.s32 s4, s30;
	v0 =	vmov s5;
	s6 =	sadd.f32 s24, s6;
	s28 =	spop (v2sf)  }
0x4b: {  	s31 =	smax.u32 s4, $0x1;
	v0 =	vmul.f32 $1.442695020e+00, v0;
	s5 =	sadd.f32 s28, s7  }
0x4c: {  	p0 =	sne.s32 s31, $0x1;
	s6 =	sadd.f32 s26, s6;
	s29 =	spop (v2sf)  }
.Ltmp0:
0x4d: {  	v0 =	vbroadcast v0, $0x0;
	v1 =	vpop (erf);
	s5 =	sadd.f32 s29, s5;
	(pc) =	sbr.rel @!p0 .LBB2_2-.Ltmp0, $4  }
0x4e: {  	v1 =	vmul.f32 s6, v1;
	v2 =	vpop (erf)  }
0x4f: {  	(erf) = vpow2.f32 v0;
	v2 =	vmul.f32 s5, v2  }
0x50: {  	(erf) = vrcp.f32 v1  }
0x51: {  	vm3 =	vmmov $0x1;
	vm2 =	vcmask $0x308;
	s4 =	simm.s32 $0x2;
	s5 =	sadd.s32 $0xFFFFFFFF, s31;
	v0 =	vpop (erf);
	(erf) = vrcp.f32 v2  }
.LBB2_1:
0x52: {  	_ =	sdelay $0x5  }
0x53: {  	v0 =	vadd.f32 $-1.000000000e+00, v0;
	v1 =	vpop (erf)  }
0x54: {  	v2 =	vpop (erf);
	v1 =	vadd.f32 $-1.000000000e+00, v1  }
0x55: {  	v0 =	vmul.f32 v0, v2;
	v2 =	vpop (erf)  }
0x56: {  	v1 =	vmul.f32 v1, v2  }
0x57: {  	v0 =	vnsel vm3, $0x0, v0  }
0x58: {  	s6 =	rddreg [dreg:$0x4];
	v0 =	vsel vm2, v0, v1  }
0x59: {  	s7 =	rddreg [dreg:$0x3];
	[tilespmem:$0x100] =	vst v0  }
0x5a: {  	[hbm4b:s7+s2] =	stream.linear.scatter [tilespmem:s6], [sflag:$0x2], $0x10, $0x38;
	[tilespmem:$0x180] =	vst v63  }
0x5b: {  	_ =	swait.ge [sflag:s4], $0x10  }
0x5c: {  	[sflag:s4] =	ssyncset.done $0x0  }
0x5d: {  	s23 =	rddreg [dreg:$0x2];
	[sflag:s4] =	ssyncadd.s32 $0xFFFFFFF0  }
0x5e: {  	[tilespmem:s2], [sflag:$0x1] =	stream.linear.gather [hbm4b:s23+s2], $0xC0, $0x38;
	[tilespmem:$0x180] =	vst v63  }
0x5f: {  	_ =	swait.ge [sflag:s3], $0xC0  }
0x60: {  	[sflag:s3] =	ssyncset.done $0x0  }
0x61: {  	[sflag:s3] =	ssyncadd.s32 $0xFFFFFF40  }
0x62: {  	v0 =	vld [tilespmem:$0x10];
	_ =	sdelay $0x1  }
0x63: {  	v2 =	vld [tilespmem:$0x0];
	_ =	sdelay $0x1  }
0x64: {  	v4 =	vld [tilespmem:$0x60]  }
0x65: {  	v6 =	vld [tilespmem:$0x40];
	v5 =	vnsel vm0, $0xFF800000, v0  }
0x66: {  	v3 =	vld [tilespmem:$0x30];
	v0 =	vnsel vm1, $0xFF800000, v0;
	(xrf0) =	vmax.scan.msk.f32 $0xffff, v5  }
0x67: {  	v49 =	vnsel vm0, $0xFF800000, v2;
	(xrf0) =	vmax.scan.msk.f32 $0xffff, v0  }
0x68: {  	v2 =	vnsel vm1, $0xFF800000, v2;
	(xrf0) =	vmax.scan.msk.f32 $0xffff, v49  }
0x69: {  	v11 =	vnsel vm0, $0xFF800000, v4;
	(xrf0) =	vmax.scan.msk.f32 $0xffff, v2  }
0x6a: {  	v1 =	vld [tilespmem:$0x90];
	v2 =	vnsel vm0, $0xFF800000, v6;
	(xrf0) =	vmax.scan.msk.f32 $0xffff, v11  }
0x6b: {  	v9 =	vnsel vm0, $0xFF800000, v3;
	v3 =	vnsel vm1, $0xFF800000, v3;
	(xrf0) =	vmax.scan.msk.f32 $0xffff, v2  }
0x6c: {  	v14, _, _ =	vpop (xrf0);
	(xrf0) =	vmax.scan.msk.f32 $0xffff, v3  }
0x6d: {  	v7 =	vld [tilespmem:$0x70];
	v52, _, _ =	vpop (xrf0)  }
0x6e: {  	v8 =	vld [tilespmem:$0xA0];
	v4 =	vnsel vm1, $0xFF800000, v4;
	(xrf0) =	vmax.scan.msk.f32 $0xffff, v9;
	v16, _, _ =	vpop (xrf0);
	(v2sf) =	vpush v52, $0xF  }
0x6f: {  	v10 =	vnsel vm0, $0xFF800000, v1;
	v1 =	vnsel vm1, $0xFF800000, v1;
	v0 =	vld [tilespmem:$0x20];
	(xrf0) =	vmax.scan.msk.f32 $0xffff, v4;
	(v2sf) =	vpush v14, $0xF;
	v55, _, _ =	vpop (xrf0)  }
0x70: {  	v6 =	vnsel vm1, $0xFF800000, v6;
	(xrf0) =	vmax.scan.msk.f32 $0xffff, v10;
	(v2sf) =	vpush v16, $0xF;
	v57, _, _ =	vpop (xrf0)  }
0x71: {  	(xrf0) =	vmax.scan.msk.f32 $0xffff, v6;
	v58, _, _ =	vpop (xrf0);
	(v2sf) =	vpush v57, $0xF  }
0x72: {  	v51 =	vnsel vm0, $0xFF800000, v7;
	(xrf0) =	vmax.scan.msk.f32 $0xffff, v1;
	(v2sf) =	vpush v58, $0xF;
	v1, _, _ =	vpop (xrf0)  }
0x73: {  	v50 =	vld [tilespmem:$0x50];
	v7 =	vnsel vm1, $0xFF800000, v7;
	v2 =	vnsel vm0, $0xFF800000, v8;
	(xrf0) =	vmax.scan.msk.f32 $0xffff, v51;
	(v2sf) =	vpush v1, $0xF  }
0x74: {  	v3 =	vnsel vm0, $0xFF800000, v0;
	v59, _, _ =	vpop (xrf0);
	(xrf0) =	vmax.scan.msk.f32 $0xffff, v7;
	(v2sf) =	vpush v55, $0xF  }
0x75: {  	v8 =	vnsel vm1, $0xFF800000, v8;
	v0 =	vnsel vm1, $0xFF800000, v0;
	(xrf0) =	vmax.scan.msk.f32 $0xffff, v2;
	v1, _, _ =	vpop (xrf0);
	(v2sf) =	vpush v59, $0xF  }
0x76: {  	v2, _, _ =	vpop (xrf0);
	(xrf0) =	vmax.scan.msk.f32 $0xffff, v8  }
0x77: {  	(xrf0) =	vmax.scan.msk.f32 $0xffff, v3;
	v3, _, _ =	vpop (xrf0);
	(v2sf) =	vpush v1, $0xF  }
0x78: {  	v15 =	vnsel vm0, $0xFF800000, v50;
	(v2sf) =	vpush v2, $0xF;
	(xrf0) =	vmax.scan.msk.f32 $0xffff, v0;
	v0, _, _ =	vpop (xrf0)  }
0x79: {  	(xrf0) =	vmax.scan.msk.f32 $0xffff, v15;
	v1, _, _ =	vpop (xrf0);
	(v2sf) =	vpush v0, $0xF  }
0x7a: {  	(v2sf) =	vpush v1, $0xF;
	v0, _, _ =	vpop (xrf0)  }
0x7b: {  	v2, _, _ =	vpop (xrf0);
	(v2sf) =	vpush v0, $0xF  }
0x7c: {  	(v2sf) =	vpush v2, $0xF;
	v0, _, _ =	vpop (xrf0)  }
0x7d: {  	v12 =	vld [tilespmem:$0x80];
	v1, _, _ =	vpop (xrf0);
	(v2sf) =	vpush v0, $0xF;
	s6 =	spop (v2sf)  }
0x7e: {  	v0, _, _ =	vpop (xrf0);
	(v2sf) =	vpush v3, $0xF;
	s24 =	spop (v2sf)  }
0x7f: {  	v13 =	vld [tilespmem:$0xB0];
	v2, _, _ =	vpop (xrf0);
	s8 =	spop (v2sf)  }
0x80: {  	(v2sf) =	vpush v2, $0xF;
	s10 =	spop (v2sf)  }
0x81: {  	v5 =	vnsel vm1, $0xFF800000, v50;
	s9 =	smin.f32 s8, $-Inf;
	s25 =	spop (v2sf)  }
0x82: {  	v53 =	vnsel vm0, $0xFF800000, v12;
	(xrf0) =	vmax.scan.msk.f32 $0xffff, v5;
	s7 =	smax.f32 s9, s24;
	s26 =	spop (v2sf)  }
0x83: {  	(xrf0) =	vmax.scan.msk.f32 $0xffff, v53;
	s7 =	smax.f32 s7, s25;
	s11 =	spop (v2sf)  }
0x84: {  	v60 =	vnsel vm0, $0xFF800000, v13;
	s12 =	smin.f32 s11, s26;
	s13 =	spop (v2sf)  }
0x85: {  	v54 =	vnsel vm1, $0xFF800000, v12;
	(xrf0) =	vmax.scan.msk.f32 $0xffff, v60;
	s9 =	smax.f32 s11, s26;
	s11 =	smin.f32 s11, $-Inf  }
0x86: {  	(xrf0) =	vmax.scan.msk.f32 $0xffff, v54;
	(v2sf) =	vpush v1, $0xF;
	s14 =	spop (v2sf);
	s15 =	smin.f32 s8, s13  }
0x87: {  	v56 =	vnsel vm1, $0xFF800000, v13;
	s8 =	smax.f32 s8, s13;
	s16 =	spop (v2sf)  }
0x88: {  	(xrf0) =	vmax.scan.msk.f32 $0xffff, v56;
	v2, _, _ =	vpop (xrf0);
	s6 =	smax.f32 s11, s6;
	s28 =	spop (v2sf)  }
0x89: {  	v3, _, _ =	vpop (xrf0);
	(v2sf) =	vpush v0, $0xF;
	s17 =	smax.f32 s8, s10;
	s18 =	spop (v2sf)  }
0x8a: {  	s19 =	smin.f32 s9, s14;
	s20 =	spop (v2sf);
	(v2sf) =	vpush v3, $0xF  }
0x8b: {  	v61, _, _ =	vpop (xrf0);
	s7 =	smax.f32 s15, s7;
	s29 =	spop (v2sf);
	(v2sf) =	vpush v2, $0xF  }
0x8c: {  	v62, _, _ =	vpop (xrf0);
	s9 =	smax.f32 s9, s14;
	s30 =	spop (v2sf);
	(v2sf) =	vpush v61, $0xF  }
0x8d: {  	s21 =	smax.f32 s17, s16;
	s31 =	spop (v2sf);
	(v2sf) =	vpush v62, $0xF  }
0x8e: {  	v63, _, _ =	vpop (xrf0);
	s8 =	smin.f32 s8, s10;
	v0 =	vmov s21;
	s23 =	smax.f32 s9, s28  }
0x8f: {  	s7 =	smax.f32 s7, s18;
	v0 =	vsub.f32 $0.0e+00, v0;
	s22 =	spop (v2sf);
	(v2sf) =	vpush v63, $0xF  }
0x90: {  	s16 =	smin.f32 s17, s16;
	v1 =	vmov s23;
	s7 =	smax.f32 s8, s7  }
0x91: {  	v1 =	vsub.f32 $0.0e+00, v1;
	s7 =	smax.f32 s7, s29;
	v0 =	vmul.f32 $1.442695020e+00, v0;
	s6 =	smax.f32 s6, s31  }
0x92: {  	s7 =	smax.f32 s16, s7;
	s6 =	smax.f32 s12, s6  }
0x93: {  	v1 =	vmul.f32 $1.442695020e+00, v1;
	s7 =	ssub.f32 s7, s21;
	v0 =	vbroadcast v0, $0x0;
	s6 =	smax.f32 s6, s20  }
0x94: {  	s9 =	smin.f32 s9, s28;
	s6 =	smax.f32 s19, s6  }
0x95: {  	v1 =	vbroadcast v1, $0x0;
	v2 =	vmov s7;
	(erf) = vpow2.f32 v0;
	s6 =	smax.f32 s6, s30;
	s24 =	spop (v2sf)  }
0x96: {  	v0 =	vmul.f32 $1.442695020e+00, v2;
	s6 =	smax.f32 s9, s6;
	s8 =	sadd.f32 $0.0e+00, s24  }
0x97: {  	(erf) = vpow2.f32 v1;
	s6 =	ssub.f32 s6, s23  }
0x98: {  	v0 =	vbroadcast v0, $0x0;
	s25 =	spop (v2sf);
	s8 =	sadd.f32 s22, s8  }
0x99: {  	v1 =	vmov s6;
	s7 =	sadd.f32 $0.0e+00, s25;
	s26 =	spop (v2sf)  }
0x9a: {  	(erf) = vpow2.f32 v0;
	v0 =	vmul.f32 $1.442695020e+00, v1;
	s8 =	sadd.f32 s26, s8;
	s28 =	spop (v2sf)  }
0x9b: {  	s6 =	sadd.f32 s28, s7;
	s29 =	spop (v2sf)  }
0x9c: {  	v0 =	vbroadcast v0, $0x0;
	s7 =	sadd.f32 s29, s8;
	s30 =	spop (v2sf)  }
0x9d: {  	s6 =	sadd.f32 s30, s6  }
0x9e: {  	p0 =	sne.s32 s5, $0x1;
	v1 =	vpop (erf);
	s31 =	spop (v2sf)  }
.Ltmp1:
0x9f: {  	v1 =	vmul.f32 s7, v1;
	s6 =	sadd.f32 s31, s6;
	(pc) =	sbr.rel @p0 .LBB2_1-.Ltmp1, $3  }
0xa0: {  	(erf) = vpow2.f32 v0;
	v0 =	vpop (erf)  }
0xa1: {  	(erf) = vrcp.f32 v1;
	v1 =	vmul.f32 s6, v0;
	_ =	sdelay $0x1  }
0xa2: {  	s5 =	sadd.s32 $0xFFFFFFFF, s5;
	v0 =	vpop (erf);
	(erf) = vrcp.f32 v1  }
.LBB2_2:
0xa3: {  	_ =	sdelay $0x5  }
0xa4: {  	v0 =	vadd.f32 $-1.000000000e+00, v0;
	v1 =	vpop (erf)  }
0xa5: {  	v2 =	vpop (erf);
	v1 =	vadd.f32 $-1.000000000e+00, v1  }
0xa6: {  	v0 =	vmul.f32 v0, v2;
	v63 =	vpop (erf)  }
0xa7: {  	v1 =	vmul.f32 v1, v63  }
0xa8: {  	v0 =	vnsel vm3, $0x0, v0  }
0xa9: {  	s3 =	rddreg [dreg:$0x4];
	v0 =	vsel vm2, v0, v1  }
0xaa: {  	s5 =	rddreg [dreg:$0x3];
	[tilespmem:$0x100] =	vst v0  }
0xab: {  	[hbm4b:s5+s2] =	stream.linear.scatter [tilespmem:s3], [sflag:$0x2], $0x10, $0x38;
	[tilespmem:$0x180] =	vst v63  }
0xac: {  	_ =	swait.ge [sflag:s4], $0x10  }
0xad: {  	[sflag:s4] =	ssyncset.done $0x0  }
0xae: {  	[sflag:s4] =	ssyncadd.s32 $0xFFFFFFF0  }
0xaf: {  	_ =	sfence.sel $0x180000  }
0xb0: {  	[bflag:$0x0] =	sbarrier.arrive $0xFFFF  }
0xb1: {  	p0 =	sne.s32 s1, $0x0;
	_ =	strace $0x9000004A  }
0xb2: {  	s0 =	sadd.s32 @!p0 $0x100000, s0;
	[bflag:$0x2] =	sbarrier.arrive $0xFFFF  }
0xb3: {  	[sflag:s0] =	ssyncadd.tile.s32 @!p0 $0x1;
	_ =	shalt  }
.Lfunc_end2:
_tile_overlayer_lowered:
.L_overlay_start_2:
0xb4: {  	(tag) =	ssettag $0x2  }
0xb5: {  	s0 =	rddreg [dreg:$0x0];
	s2 =	stileid.u32  }
0xb6: {  	s1 =	rddreg [dreg:$0x1];
	p0 =	sne.s32 s2, $0x0  }
0xb7: {  	s3 =	rddreg [dreg:$0x2];
	[bflag:$0x3] =	sbarrier.arrive $0xFFFF;
	s2 =	simm.s32 @!p0 $0x1C02  }
0xb8: {  	[timem:s3], [sflag:s2] =	dma.local @!p0 [hbm:s0], s1  }
0xb9: {  	s0 =	simm.s32 @!p0 $0x2  }
0xba: {  	_ =	swait.ge @!p0 [sflag:s0], s1  }
0xbb: {  	s1 =	ssub.s32 @!p0 $0x0, s1;
	[sflag:s0] =	ssyncset.done @!p0 $0x0  }
0xbc: {  	[sflag:s0] =	ssyncadd.s32 @!p0 s1  }
0xbd: {  	[bflag:$0x3] =	sbarrier.arrive $0xFFFF  }
0xbe: {  	_ =	shalt  }

</sc_bundles>
